<compile_context>
chip_gen: v7x
topology: tpu7x:2x2x1
jax: 0.10.2.dev20260603
libtpu: 0.0.44.dev20260713+nightly
codegen_flags: <defaults>
</compile_context>

<pallas_src>
import functools

import jax
import jax.numpy as jnp
from jax import lax
from jax.experimental import pallas as pl
from jax.experimental.pallas import tpu as pltpu
from jax.experimental.pallas import tpu_sc as plsc

_NC, _NS = 2, 16
_RELAYOUT_C = 131072
_NW = _NC * _NS
_L = 16


def _bias_gather_body(bw, u_hbm, i_hbm, ub_hbm, ib_hbm,
                      bu_out, bi_out,
                      uidx_v, iidx_v, bu_v, bi_v, sem):
    wid = lax.axis_index("s") * _NC + lax.axis_index("c")
    base = wid * bw
    pltpu.sync_copy(u_hbm.at[pl.ds(base, bw)], uidx_v)
    pltpu.sync_copy(i_hbm.at[pl.ds(base, bw)], iidx_v)
    c1 = pltpu.async_copy(ub_hbm.at[uidx_v], bu_v, sem)
    c2 = pltpu.async_copy(ib_hbm.at[iidx_v], bi_v, sem)
    c1.wait()
    pltpu.sync_copy(bu_v, bu_out.at[pl.ds(base, bw)])
    c2.wait()
    pltpu.sync_copy(bi_v, bi_out.at[pl.ds(base, bw)])


def _sc_bias_gather(u, i, user_bias, item_bias):
    B = u.shape[0]
    bw = B // _NW
    mesh = plsc.VectorSubcoreMesh(core_axis_name="c", subcore_axis_name="s",
                                  num_cores=_NC, num_subcores=_NS)
    f32 = jnp.float32
    k = pl.kernel(
        functools.partial(_bias_gather_body, bw),
        out_type=(
            jax.ShapeDtypeStruct((B,), f32),
            jax.ShapeDtypeStruct((B,), f32),
        ),
        mesh=mesh,
        scratch_types=[
            pltpu.VMEM((bw,), jnp.int32),
            pltpu.VMEM((bw,), jnp.int32),
            pltpu.VMEM((bw,), f32),
            pltpu.VMEM((bw,), f32),
            pltpu.SemaphoreType.DMA,
        ],
        compiler_params=pltpu.CompilerParams(use_tc_tiling_on_sc=False),
    )
    return k(u, i, user_bias, item_bias)


def _vec_gather_body(bw, sh_hi, sh_lo, idx_hbm, tab_hbm, rows_out,
                     idx_v, q_v, rows_v, sem):
    wid = lax.axis_index("s") * _NC + lax.axis_index("c")
    base = wid * bw
    pltpu.sync_copy(idx_hbm.at[pl.ds(base, bw)], idx_v)
    for k in range(bw // _L):
        sl = pl.ds(k * _L, _L)
        u = idx_v[sl]
        q_v[sl] = (lax.shift_left(lax.shift_right_logical(u, sh_hi), sh_lo)
                   | (u & ((1 << sh_lo) - 1)))
    pltpu.async_copy(tab_hbm.at[q_v], rows_v, sem).wait()
    pltpu.sync_copy(rows_v, rows_out.at[pl.ds(base, bw)])


def _sc_vec_gather(idx, tab128, sh_hi, sh_lo):
    B = idx.shape[0]
    bw = B // _NW
    mesh = plsc.VectorSubcoreMesh(core_axis_name="c", subcore_axis_name="s",
                                  num_cores=_NC, num_subcores=_NS)
    k = pl.kernel(
        functools.partial(_vec_gather_body, bw, sh_hi, sh_lo),
        out_type=jax.ShapeDtypeStruct((B, 128), jnp.float32),
        mesh=mesh,
        scratch_types=[
            pltpu.VMEM((bw,), jnp.int32),
            pltpu.VMEM((bw,), jnp.int32),
            pltpu.VMEM((bw, 128), jnp.float32),
            pltpu.SemaphoreType.DMA,
        ],
        compiler_params=pltpu.CompilerParams(use_tc_tiling_on_sc=True),
    )
    return k(idx, tab128)


def _relayout_body(C, in_ref, out_ref):
    x = in_ref[...]
    q = C // 8
    t = jnp.concatenate([x[:, c * q:(c + 1) * q] for c in range(8)],
                        axis=0)
    lo = lax.bitcast_convert_type(t[0:128, :], jnp.uint32)
    hi = lax.bitcast_convert_type(t[128:256, :], jnp.uint32)
    lo16 = lax.shift_right_logical(lo + jnp.uint32(0x8000), jnp.uint32(16))
    hi16 = (hi + jnp.uint32(0x8000)) & jnp.uint32(0xFFFF0000)
    word = lax.bitcast_convert_type(hi16 | lo16, jnp.float32)
    out_ref[...] = word.T


def _tc_relayout(uvT):
    V = uvT.shape[1]
    C = _RELAYOUT_C
    G = (V + C - 1) // C
    return pl.pallas_call(
        functools.partial(_relayout_body, C),
        grid=(G,),
        in_specs=[pl.BlockSpec((32, C), lambda b: (0, b))],
        out_specs=pl.BlockSpec((C // 8, 128), lambda b: (b, 0)),
        out_shape=jax.ShapeDtypeStruct((G * (C // 8), 128), jnp.float32),
        compiler_params=pltpu.CompilerParams(
            vmem_limit_bytes=128 * 1024 * 1024),
    )(uvT)


def _dense_body(sh_lo, gu_ref, gi_ref, u_ref, i_ref, bu_ref, bi_ref,
                w1t_ref, b1_ref, w2t_ref, b2_ref, gb_ref, out_ref):
    gu = gu_ref[...]
    gi = gi_ref[...]
    mu = (lax.shift_right_logical(u_ref[...], sh_lo) & 3)[:, None]
    mi = (lax.shift_right_logical(i_ref[...], sh_lo) & 3)[:, None]
    hu = (lax.shift_right_logical(u_ref[...], sh_lo + 2) & 1)[:, None]
    hi_ = (lax.shift_right_logical(i_ref[...], sh_lo + 2) & 1)[:, None]
    D = 32
    z = jnp.uint32(0)
    gu32 = lax.bitcast_convert_type(gu, jnp.uint32)
    gi32 = lax.bitcast_convert_type(gi, jnp.uint32)
    wu = jnp.where(mu == 0, gu32[:, 0:D], z)
    wi = jnp.where(mi == 0, gi32[:, 0:D], z)
    for j in range(1, 4):
        wu = wu | jnp.where(mu == j, gu32[:, j * D:(j + 1) * D], z)
        wi = wi | jnp.where(mi == j, gi32[:, j * D:(j + 1) * D], z)
    wu = jnp.where(hu == 1, wu & jnp.uint32(0xFFFF0000),
                   lax.shift_left(wu, jnp.uint32(16)))
    wi = jnp.where(hi_ == 1, wi & jnp.uint32(0xFFFF0000),
                   lax.shift_left(wi, jnp.uint32(16)))
    vu = lax.bitcast_convert_type(wu, jnp.float32)
    vi = lax.bitcast_convert_type(wi, jnp.float32)
    h1 = jnp.dot(vu, w1t_ref[...], preferred_element_type=jnp.float32)
    h1 = h1 + b1_ref[...]
    h2 = jnp.dot(vi, w2t_ref[...], preferred_element_type=jnp.float32)
    h2 = h2 + b2_ref[...]
    s = jnp.sum(h1 * h2, axis=1)
    out_ref[...] = s + bu_ref[...] + bi_ref[...] + gb_ref[0, 0]


def _tc_dense(gu, gi, u, i, bu, bi, W1, b1, W2, b2, glob_bias):
    B = gu.shape[0]
    nb = 8
    bb = B // nb
    vec = lambda: pl.BlockSpec((bb,), lambda b: (b,))
    full = lambda shp: pl.BlockSpec(shp, lambda b: tuple(0 for _ in shp))
    sh_lo = _RELAYOUT_C.bit_length() - 4
    return pl.pallas_call(
        functools.partial(_dense_body, sh_lo),
        grid=(nb,),
        in_specs=[
            pl.BlockSpec((bb, 128), lambda b: (b, 0)),
            pl.BlockSpec((bb, 128), lambda b: (b, 0)),
            vec(), vec(), vec(), vec(),
            full((32, 32)), full((1, 32)), full((32, 32)), full((1, 32)),
            full((1, 1)),
        ],
        out_specs=vec(),
        out_shape=jax.ShapeDtypeStruct((B,), jnp.float32),
    )(gu, gi, u, i, bu, bi, W1.T, b1.reshape(1, -1), W2.T,
      b2.reshape(1, -1), glob_bias)


def kernel(u, i, glob_bias, user_bias, user_vec, item_bias, item_vec,
           W1, b1, W2, b2):
    uv128 = _tc_relayout(user_vec.T)
    iv128 = _tc_relayout(item_vec.T)
    sh_hi = _RELAYOUT_C.bit_length() - 1
    sh_lo = sh_hi - 3
    bu, bi = _sc_bias_gather(u, i, user_bias, item_bias)
    gu = _sc_vec_gather(u, uv128, sh_hi, sh_lo)
    gi = _sc_vec_gather(i, iv128, sh_hi, sh_lo)
    return _tc_dense(gu, gi, u, i, bu, bi, W1, b1, W2, b2, glob_bias)

# --- scband reference (transcript-rebuilt; emitter-appended) ---
"""Pipeline reference for scband-mfdeep1-61005715472618 (READ-ONLY COPY).

The authoritative reference and input builder live on the scoring server;
editing this copy changes nothing except your own understanding.
"""

import jax, jax.numpy as jnp
import numpy as np

N_USERS = 1000000
N_ITEMS = 1000000
N_DIM = 32
BATCH = 16384


def setup_inputs(seed: int = 0) -> dict:
    key = jax.random.key(seed)
    ks = jax.random.split(key, 11)
    u = jax.random.randint(ks[0], (BATCH,), 0, N_USERS)
    i = jax.random.randint(ks[1], (BATCH,), 0, N_ITEMS)
    glob_bias = jnp.full((1, 1), 1e-06, dtype=jnp.float32)
    user_bias = jax.random.normal(ks[2], (N_USERS,), dtype=jnp.float32) * 0.01
    user_vec = jax.random.normal(ks[3], (N_USERS, N_DIM), dtype=jnp.float32) * 0.01
    item_bias = jax.random.normal(ks[4], (N_ITEMS,), dtype=jnp.float32) * 0.01
    item_vec = jax.random.normal(ks[5], (N_ITEMS, N_DIM), dtype=jnp.float32) * 0.01
    lim = 1.0 / np.sqrt(N_DIM)
    W1 = jax.random.uniform(ks[6], (N_DIM, N_DIM), dtype=jnp.float32, minval=-lim, maxval=lim)
    b1 = jax.random.uniform(ks[7], (N_DIM,), dtype=jnp.float32, minval=-lim, maxval=lim)
    W2 = jax.random.uniform(ks[8], (N_DIM, N_DIM), dtype=jnp.float32, minval=-lim, maxval=lim)
    b2 = jax.random.uniform(ks[9], (N_DIM,), dtype=jnp.float32, minval=-lim, maxval=lim)
    return {"u": u, "i": i, "glob_bias": glob_bias, "user_bias": user_bias,
            "user_vec": user_vec, "item_bias": item_bias, "item_vec": item_vec,
            "W1": W1, "b1": b1, "W2": W2, "b2": b2}


def reference(u, i, glob_bias, user_bias, user_vec, item_bias, item_vec, W1, b1, W2, b2):
    # bias = glob_bias.expand(len(u), 1).squeeze()
    bias = jnp.broadcast_to(glob_bias, (u.shape[0], 1)).squeeze(-1)
    # VariationalBiasedEmbedding forward (eval/mean mode): bias lookup + mean vector lookup
    bu = jnp.take(user_bias, u, axis=0)
    vu = jnp.take(user_vec, u, axis=0)
    bi = jnp.take(item_bias, i, axis=0)
    vi = jnp.take(item_vec, i, axis=0)
    h1 = vu @ W1.T + b1
    h2 = vi @ W2.T + b2
    x1 = h1 * h2
    logodds = bias + bi + bu + jnp.sum(x1, axis=1)
    return logodds

if __name__ == "__main__":
    import jax
    _d = setup_inputs()
    print(jax.jit(kernel)(*tuple(_d.values())))

</pallas_src>

<mosaic_0001>
#map = affine_map<(d0, d1) -> (0)>
#map1 = affine_map<(d0, d1) -> (0, 0)>
module attributes {stable_mosaic.version = 14 : i64} {
  func.func @_vec_gather_body(%arg0: i32, %arg1: i32, %arg2: memref<16384xi32, #tpu.memory_space<hbm>>, %arg3: memref<131072x128xf32, #tpu.memory_space<hbm>>, %arg4: memref<16384x128xf32, #tpu.memory_space<hbm>>, %arg5: memref<512xi32, #tpu.memory_space<vmem>>, %arg6: memref<512xi32, #tpu.memory_space<vmem>>, %arg7: memref<512x128xf32, #tpu.memory_space<vmem>>, %arg8: memref<!tpu.dma_semaphore, #tpu.memory_space<semaphore_mem>>) attributes {dimension_semantics = [#tpu.dimension_semantics<core_parallel>, #tpu.dimension_semantics<subcore_parallel>], iteration_bounds = array<i64: 2, 16>, scalar_prefetch = 0 : i64, scratch_operands = 4 : i64, tpu.core_type = #tpu.core_type<sc_vector_subcore>, window_params = [{transform_indices = #map}, {transform_indices = #map1}, {transform_indices = #map1}]} {
    %mul3A = arith.constant 2 : i32
    %mul3A_0 = arith.muli %arg1, %mul3A : i32
    %add3A = arith.addi %mul3A_0, %arg0 : i32
    %mul3A_1 = arith.constant 512 : i32
    %mul3A_2 = arith.muli %add3A, %mul3A_1 : i32
    "tpu.region"() ({
      %run_scoped3A = tpu.sem_alloc : memref<!tpu.dma_semaphore, #tpu.memory_space<semaphore_mem>>
      %dma_start3A_545 = tpu.memref_slice %arg2[%mul3A_2] : memref<16384xi32, #tpu.memory_space<hbm>> -> memref<512xi32, #tpu.memory_space<hbm>>
      %dma_start3A_546 = tpu.memref_slice %arg2[%mul3A_2] : memref<16384xi32, #tpu.memory_space<hbm>> -> memref<512xi32, #tpu.memory_space<hbm>>
      tpu.enqueue_dma source(%dma_start3A_546 : memref<512xi32, #tpu.memory_space<hbm>>) target(%arg5 : memref<512xi32, #tpu.memory_space<vmem>>) target_semaphore(%run_scoped3A : memref<!tpu.dma_semaphore, #tpu.memory_space<semaphore_mem>>)
      %dma_wait3A_547 = tpu.memref_slice %arg2[%mul3A_2] : memref<16384xi32, #tpu.memory_space<hbm>> -> memref<512xi32, #tpu.memory_space<hbm>>
      %dma_wait3A_548 = tpu.memref_slice %arg2[%mul3A_2] : memref<16384xi32, #tpu.memory_space<hbm>> -> memref<512xi32, #tpu.memory_space<hbm>>
      tpu.wait_dma2 semaphore(%run_scoped3A : memref<!tpu.dma_semaphore, #tpu.memory_space<semaphore_mem>>) src(%dma_wait3A_548 : memref<512xi32, #tpu.memory_space<hbm>>) dst(%arg5 : memref<512xi32, #tpu.memory_space<vmem>>)
      tpu.yield
    }) : () -> ()
    %get3A = arith.constant 0 : index
    %get3A_3 = tpu.vector_load %arg5[%get3A] {strides = array<i32>} : memref<512xi32, #tpu.memory_space<vmem>>, vector<16xi32>,
    %get3A_4 = vector.shape_cast %get3A_3 : vector<16xi32> to vector<16xi32>
    %shift_right_logical3A = arith.constant 17 : i32
    %shift_right_logical3A_5 = vector.broadcast %shift_right_logical3A : i32 to vector<16xi32>
    %shift_right_logical3A_6 = arith.shrui %get3A_4, %shift_right_logical3A_5 : vector<16xi32>
    %shift_left3A = arith.constant 14 : i32
    %shift_left3A_7 = vector.broadcast %shift_left3A : i32 to vector<16xi32>
    %shift_left3A_8 = arith.shli %shift_right_logical3A_6, %shift_left3A_7 : vector<16xi32>
    %and3A = arith.constant 16383 : i32
    %and3A_9 = vector.broadcast %and3A : i32 to vector<16xi32>
    %and3A_10 = arith.andi %get3A_4, %and3A_9 : vector<16xi32>
    %or3A = arith.ori %shift_left3A_8, %and3A_10 : vector<16xi32>
    %swap3A = arith.constant 0 : index
    %swap3A_11 = tpu.vector_load %arg6[%swap3A] {strides = array<i32>} : memref<512xi32, #tpu.memory_space<vmem>>, vector<16xi32>,
    %swap3A_12 = vector.shape_cast %swap3A_11 : vector<16xi32> to vector<16xi32>
    %swap3A_13 = vector.shape_cast %or3A : vector<16xi32> to vector<16xi32>
    tpu.vector_store %arg6[%swap3A], %swap3A_13 {strides = array<i32>} : memref<512xi32, #tpu.memory_space<vmem>>, vector<16xi32>,
    %get3A_14 = arith.constant 16 : index
    %get3A_15 = tpu.vector_load %arg5[%get3A_14] {strides = array<i32>} : memref<512xi32, #tpu.memory_space<vmem>>, vector<16xi32>,
    %get3A_16 = vector.shape_cast %get3A_15 : vector<16xi32> to vector<16xi32>
    %shift_right_logical3A_17 = arith.constant 17 : i32
    %shift_right_logical3A_18 = vector.broadcast %shift_right_logical3A_17 : i32 to vector<16xi32>
    %shift_right_logical3A_19 = arith.shrui %get3A_16, %shift_right_logical3A_18 : vector<16xi32>
    %shift_left3A_20 = arith.constant 14 : i32
    %shift_left3A_21 = vector.broadcast %shift_left3A_20 : i32 to vector<16xi32>
    %shift_left3A_22 = arith.shli %shift_right_logical3A_19, %shift_left3A_21 : vector<16xi32>
    %and3A_23 = arith.constant 16383 : i32
    %and3A_24 = vector.broadcast %and3A_23 : i32 to vector<16xi32>
    %and3A_25 = arith.andi %get3A_16, %and3A_24 : vector<16xi32>
    %or3A_26 = arith.ori %shift_left3A_22, %and3A_25 : vector<16xi32>
    %swap3A_27 = arith.constant 16 : index
    %swap3A_28 = tpu.vector_load %arg6[%swap3A_27] {strides = array<i32>} : memref<512xi32, #tpu.memory_space<vmem>>, vector<16xi32>,
    %swap3A_29 = vector.shape_cast %swap3A_28 : vector<16xi32> to vector<16xi32>
    %swap3A_30 = vector.shape_cast %or3A_26 : vector<16xi32> to vector<16xi32>
    tpu.vector_store %arg6[%swap3A_27], %swap3A_30 {strides = array<i32>} : memref<512xi32, #tpu.memory_space<vmem>>, vector<16xi32>,
    %get3A_31 = arith.constant 32 : index
    %get3A_32 = tpu.vector_load %arg5[%get3A_31] {strides = array<i32>} : memref<512xi32, #tpu.memory_space<vmem>>, vector<16xi32>,
    %get3A_33 = vector.shape_cast %get3A_32 : vector<16xi32> to vector<16xi32>
    %shift_right_logical3A_34 = arith.constant 17 : i32
    %shift_right_logical3A_35 = vector.broadcast %shift_right_logical3A_34 : i32 to vector<16xi32>
    %shift_right_logical3A_36 = arith.shrui %get3A_33, %shift_right_logical3A_35 : vector<16xi32>
    %shift_left3A_37 = arith.constant 14 : i32
    %shift_left3A_38 = vector.broadcast %shift_left3A_37 : i32 to vector<16xi32>
    %shift_left3A_39 = arith.shli %shift_right_logical3A_36, %shift_left3A_38 : vector<16xi32>
    %and3A_40 = arith.constant 16383 : i32
    %and3A_41 = vector.broadcast %and3A_40 : i32 to vector<16xi32>
    %and3A_42 = arith.andi %get3A_33, %and3A_41 : vector<16xi32>
    %or3A_43 = arith.ori %shift_left3A_39, %and3A_42 : vector<16xi32>
    %swap3A_44 = arith.constant 32 : index
    %swap3A_45 = tpu.vector_load %arg6[%swap3A_44] {strides = array<i32>} : memref<512xi32, #tpu.memory_space<vmem>>, vector<16xi32>,
    %swap3A_46 = vector.shape_cast %swap3A_45 : vector<16xi32> to vector<16xi32>
    %swap3A_47 = vector.shape_cast %or3A_43 : vector<16xi32> to vector<16xi32>
    tpu.vector_store %arg6[%swap3A_44], %swap3A_47 {strides = array<i32>} : memref<512xi32, #tpu.memory_space<vmem>>, vector<16xi32>,
    %get3A_48 = arith.constant 48 : index
    %get3A_49 = tpu.vector_load %arg5[%get3A_48] {strides = array<i32>} : memref<512xi32, #tpu.memory_space<vmem>>, vector<16xi32>,
    %get3A_50 = vector.shape_cast %get3A_49 : vector<16xi32> to vector<16xi32>
    %shift_right_logical3A_51 = arith.constant 17 : i32
    %shift_right_logical3A_52 = vector.broadcast %shift_right_logical3A_51 : i32 to vector<16xi32>
    %shift_right_logical3A_53 = arith.shrui %get3A_50, %shift_right_logical3A_52 : vector<16xi32>
    %shift_left3A_54 = arith.constant 14 : i32
    %shift_left3A_55 = vector.broadcast %shift_left3A_54 : i32 to vector<16xi32>
    %shift_left3A_56 = arith.shli %shift_right_logical3A_53, %shift_left3A_55 : vector<16xi32>
    %and3A_57 = arith.constant 16383 : i32
    %and3A_58 = vector.broadcast %and3A_57 : i32 to vector<16xi32>
    %and3A_59 = arith.andi %get3A_50, %and3A_58 : vector<16xi32>
    %or3A_60 = arith.ori %shift_left3A_56, %and3A_59 : vector<16xi32>
    %swap3A_61 = arith.constant 48 : index
    %swap3A_62 = tpu.vector_load %arg6[%swap3A_61] {strides = array<i32>} : memref<512xi32, #tpu.memory_space<vmem>>, vector<16xi32>,
    %swap3A_63 = vector.shape_cast %swap3A_62 : vector<16xi32> to vector<16xi32>
    %swap3A_64 = vector.shape_cast %or3A_60 : vector<16xi32> to vector<16xi32>
    tpu.vector_store %arg6[%swap3A_61], %swap3A_64 {strides = array<i32>} : memref<512xi32, #tpu.memory_space<vmem>>, vector<16xi32>,
    %get3A_65 = arith.constant 64 : index
    %get3A_66 = tpu.vector_load %arg5[%get3A_65] {strides = array<i32>} : memref<512xi32, #tpu.memory_space<vmem>>, vector<16xi32>,
    %get3A_67 = vector.shape_cast %get3A_66 : vector<16xi32> to vector<16xi32>
    %shift_right_logical3A_68 = arith.constant 17 : i32
    %shift_right_logical3A_69 = vector.broadcast %shift_right_logical3A_68 : i32 to vector<16xi32>
    %shift_right_logical3A_70 = arith.shrui %get3A_67, %shift_right_logical3A_69 : vector<16xi32>
    %shift_left3A_71 = arith.constant 14 : i32
    %shift_left3A_72 = vector.broadcast %shift_left3A_71 : i32 to vector<16xi32>
    %shift_left3A_73 = arith.shli %shift_right_logical3A_70, %shift_left3A_72 : vector<16xi32>
    %and3A_74 = arith.constant 16383 : i32
    %and3A_75 = vector.broadcast %and3A_74 : i32 to vector<16xi32>
    %and3A_76 = arith.andi %get3A_67, %and3A_75 : vector<16xi32>
    %or3A_77 = arith.ori %shift_left3A_73, %and3A_76 : vector<16xi32>
    %swap3A_78 = arith.constant 64 : index
    %swap3A_79 = tpu.vector_load %arg6[%swap3A_78] {strides = array<i32>} : memref<512xi32, #tpu.memory_space<vmem>>, vector<16xi32>,
    %swap3A_80 = vector.shape_cast %swap3A_79 : vector<16xi32> to vector<16xi32>
    %swap3A_81 = vector.shape_cast %or3A_77 : vector<16xi32> to vector<16xi32>
    tpu.vector_store %arg6[%swap3A_78], %swap3A_81 {strides = array<i32>} : memref<512xi32, #tpu.memory_space<vmem>>, vector<16xi32>,
    %get3A_82 = arith.constant 80 : index
    %get3A_83 = tpu.vector_load %arg5[%get3A_82] {strides = array<i32>} : memref<512xi32, #tpu.memory_space<vmem>>, vector<16xi32>,
    %get3A_84 = vector.shape_cast %get3A_83 : vector<16xi32> to vector<16xi32>
    %shift_right_logical3A_85 = arith.constant 17 : i32
    %shift_right_logical3A_86 = vector.broadcast %shift_right_logical3A_85 : i32 to vector<16xi32>
    %shift_right_logical3A_87 = arith.shrui %get3A_84, %shift_right_logical3A_86 : vector<16xi32>
    %shift_left3A_88 = arith.constant 14 : i32
    %shift_left3A_89 = vector.broadcast %shift_left3A_88 : i32 to vector<16xi32>
    %shift_left3A_90 = arith.shli %shift_right_logical3A_87, %shift_left3A_89 : vector<16xi32>
    %and3A_91 = arith.constant 16383 : i32
    %and3A_92 = vector.broadcast %and3A_91 : i32 to vector<16xi32>
    %and3A_93 = arith.andi %get3A_84, %and3A_92 : vector<16xi32>
    %or3A_94 = arith.ori %shift_left3A_90, %and3A_93 : vector<16xi32>
    %swap3A_95 = arith.constant 80 : index
    %swap3A_96 = tpu.vector_load %arg6[%swap3A_95] {strides = array<i32>} : memref<512xi32, #tpu.memory_space<vmem>>, vector<16xi32>,
    %swap3A_97 = vector.shape_cast %swap3A_96 : vector<16xi32> to vector<16xi32>
    %swap3A_98 = vector.shape_cast %or3A_94 : vector<16xi32> to vector<16xi32>
    tpu.vector_store %arg6[%swap3A_95], %swap3A_98 {strides = array<i32>} : memref<512xi32, #tpu.memory_space<vmem>>, vector<16xi32>,
    %get3A_99 = arith.constant 96 : index
    %get3A_100 = tpu.vector_load %arg5[%get3A_99] {strides = array<i32>} : memref<512xi32, #tpu.memory_space<vmem>>, vector<16xi32>,
    %get3A_101 = vector.shape_cast %get3A_100 : vector<16xi32> to vector<16xi32>
    %shift_right_logical3A_102 = arith.constant 17 : i32
    %shift_right_logical3A_103 = vector.broadcast %shift_right_logical3A_102 : i32 to vector<16xi32>
    %shift_right_logical3A_104 = arith.shrui %get3A_101, %shift_right_logical3A_103 : vector<16xi32>
    %shift_left3A_105 = arith.constant 14 : i32
    %shift_left3A_106 = vector.broadcast %shift_left3A_105 : i32 to vector<16xi32>
    %shift_left3A_107 = arith.shli %shift_right_logical3A_104, %shift_left3A_106 : vector<16xi32>
    %and3A_108 = arith.constant 16383 : i32
    %and3A_109 = vector.broadcast %and3A_108 : i32 to vector<16xi32>
    %and3A_110 = arith.andi %get3A_101, %and3A_109 : vector<16xi32>
    %or3A_111 = arith.ori %shift_left3A_107, %and3A_110 : vector<16xi32>
    %swap3A_112 = arith.constant 96 : index
    %swap3A_113 = tpu.vector_load %arg6[%swap3A_112] {strides = array<i32>} : memref<512xi32, #tpu.memory_space<vmem>>, vector<16xi32>,
    %swap3A_114 = vector.shape_cast %swap3A_113 : vector<16xi32> to vector<16xi32>
    %swap3A_115 = vector.shape_cast %or3A_111 : vector<16xi32> to vector<16xi32>
    tpu.vector_store %arg6[%swap3A_112], %swap3A_115 {strides = array<i32>} : memref<512xi32, #tpu.memory_space<vmem>>, vector<16xi32>,
    %get3A_116 = arith.constant 112 : index
    %get3A_117 = tpu.vector_load %arg5[%get3A_116] {strides = array<i32>} : memref<512xi32, #tpu.memory_space<vmem>>, vector<16xi32>,
    %get3A_118 = vector.shape_cast %get3A_117 : vector<16xi32> to vector<16xi32>
    %shift_right_logical3A_119 = arith.constant 17 : i32
    %shift_right_logical3A_120 = vector.broadcast %shift_right_logical3A_119 : i32 to vector<16xi32>
    %shift_right_logical3A_121 = arith.shrui %get3A_118, %shift_right_logical3A_120 : vector<16xi32>
    %shift_left3A_122 = arith.constant 14 : i32
    %shift_left3A_123 = vector.broadcast %shift_left3A_122 : i32 to vector<16xi32>
    %shift_left3A_124 = arith.shli %shift_right_logical3A_121, %shift_left3A_123 : vector<16xi32>
    %and3A_125 = arith.constant 16383 : i32
    %and3A_126 = vector.broadcast %and3A_125 : i32 to vector<16xi32>
    %and3A_127 = arith.andi %get3A_118, %and3A_126 : vector<16xi32>
    %or3A_128 = arith.ori %shift_left3A_124, %and3A_127 : vector<16xi32>
    %swap3A_129 = arith.constant 112 : index
    %swap3A_130 = tpu.vector_load %arg6[%swap3A_129] {strides = array<i32>} : memref<512xi32, #tpu.memory_space<vmem>>, vector<16xi32>,
    %swap3A_131 = vector.shape_cast %swap3A_130 : vector<16xi32> to vector<16xi32>
    %swap3A_132 = vector.shape_cast %or3A_128 : vector<16xi32> to vector<16xi32>
    tpu.vector_store %arg6[%swap3A_129], %swap3A_132 {strides = array<i32>} : memref<512xi32, #tpu.memory_space<vmem>>, vector<16xi32>,
    %get3A_133 = arith.constant 128 : index
    %get3A_134 = tpu.vector_load %arg5[%get3A_133] {strides = array<i32>} : memref<512xi32, #tpu.memory_space<vmem>>, vector<16xi32>,
    %get3A_135 = vector.shape_cast %get3A_134 : vector<16xi32> to vector<16xi32>
    %shift_right_logical3A_136 = arith.constant 17 : i32
    %shift_right_logical3A_137 = vector.broadcast %shift_right_logical3A_136 : i32 to vector<16xi32>
    %shift_right_logical3A_138 = arith.shrui %get3A_135, %shift_right_logical3A_137 : vector<16xi32>
    %shift_left3A_139 = arith.constant 14 : i32
    %shift_left3A_140 = vector.broadcast %shift_left3A_139 : i32 to vector<16xi32>
    %shift_left3A_141 = arith.shli %shift_right_logical3A_138, %shift_left3A_140 : vector<16xi32>
    %and3A_142 = arith.constant 16383 : i32
    %and3A_143 = vector.broadcast %and3A_142 : i32 to vector<16xi32>
    %and3A_144 = arith.andi %get3A_135, %and3A_143 : vector<16xi32>
    %or3A_145 = arith.ori %shift_left3A_141, %and3A_144 : vector<16xi32>
    %swap3A_146 = arith.constant 128 : index
    %swap3A_147 = tpu.vector_load %arg6[%swap3A_146] {strides = array<i32>} : memref<512xi32, #tpu.memory_space<vmem>>, vector<16xi32>,
    %swap3A_148 = vector.shape_cast %swap3A_147 : vector<16xi32> to vector<16xi32>
    %swap3A_149 = vector.shape_cast %or3A_145 : vector<16xi32> to vector<16xi32>
    tpu.vector_store %arg6[%swap3A_146], %swap3A_149 {strides = array<i32>} : memref<512xi32, #tpu.memory_space<vmem>>, vector<16xi32>,
    %get3A_150 = arith.constant 144 : index
    %get3A_151 = tpu.vector_load %arg5[%get3A_150] {strides = array<i32>} : memref<512xi32, #tpu.memory_space<vmem>>, vector<16xi32>,
    %get3A_152 = vector.shape_cast %get3A_151 : vector<16xi32> to vector<16xi32>
    %shift_right_logical3A_153 = arith.constant 17 : i32
    %shift_right_logical3A_154 = vector.broadcast %shift_right_logical3A_153 : i32 to vector<16xi32>
    %shift_right_logical3A_155 = arith.shrui %get3A_152, %shift_right_logical3A_154 : vector<16xi32>
    %shift_left3A_156 = arith.constant 14 : i32
    %shift_left3A_157 = vector.broadcast %shift_left3A_156 : i32 to vector<16xi32>
    %shift_left3A_158 = arith.shli %shift_right_logical3A_155, %shift_left3A_157 : vector<16xi32>
    %and3A_159 = arith.constant 16383 : i32
    %and3A_160 = vector.broadcast %and3A_159 : i32 to vector<16xi32>
    %and3A_161 = arith.andi %get3A_152, %and3A_160 : vector<16xi32>
    %or3A_162 = arith.ori %shift_left3A_158, %and3A_161 : vector<16xi32>
    %swap3A_163 = arith.constant 144 : index
    %swap3A_164 = tpu.vector_load %arg6[%swap3A_163] {strides = array<i32>} : memref<512xi32, #tpu.memory_space<vmem>>, vector<16xi32>,
    %swap3A_165 = vector.shape_cast %swap3A_164 : vector<16xi32> to vector<16xi32>
    %swap3A_166 = vector.shape_cast %or3A_162 : vector<16xi32> to vector<16xi32>
    tpu.vector_store %arg6[%swap3A_163], %swap3A_166 {strides = array<i32>} : memref<512xi32, #tpu.memory_space<vmem>>, vector<16xi32>,
    %get3A_167 = arith.constant 160 : index
    %get3A_168 = tpu.vector_load %arg5[%get3A_167] {strides = array<i32>} : memref<512xi32, #tpu.memory_space<vmem>>, vector<16xi32>,
    %get3A_169 = vector.shape_cast %get3A_168 : vector<16xi32> to vector<16xi32>
    %shift_right_logical3A_170 = arith.constant 17 : i32
    %shift_right_logical3A_171 = vector.broadcast %shift_right_logical3A_170 : i32 to vector<16xi32>
    %shift_right_logical3A_172 = arith.shrui %get3A_169, %shift_right_logical3A_171 : vector<16xi32>
    %shift_left3A_173 = arith.constant 14 : i32
    %shift_left3A_174 = vector.broadcast %shift_left3A_173 : i32 to vector<16xi32>
    %shift_left3A_175 = arith.shli %shift_right_logical3A_172, %shift_left3A_174 : vector<16xi32>
    %and3A_176 = arith.constant 16383 : i32
    %and3A_177 = vector.broadcast %and3A_176 : i32 to vector<16xi32>
    %and3A_178 = arith.andi %get3A_169, %and3A_177 : vector<16xi32>
    %or3A_179 = arith.ori %shift_left3A_175, %and3A_178 : vector<16xi32>
    %swap3A_180 = arith.constant 160 : index
    %swap3A_181 = tpu.vector_load %arg6[%swap3A_180] {strides = array<i32>} : memref<512xi32, #tpu.memory_space<vmem>>, vector<16xi32>,
    %swap3A_182 = vector.shape_cast %swap3A_181 : vector<16xi32> to vector<16xi32>
    %swap3A_183 = vector.shape_cast %or3A_179 : vector<16xi32> to vector<16xi32>
    tpu.vector_store %arg6[%swap3A_180], %swap3A_183 {strides = array<i32>} : memref<512xi32, #tpu.memory_space<vmem>>, vector<16xi32>,
    %get3A_184 = arith.constant 176 : index
    %get3A_185 = tpu.vector_load %arg5[%get3A_184] {strides = array<i32>} : memref<512xi32, #tpu.memory_space<vmem>>, vector<16xi32>,
    %get3A_186 = vector.shape_cast %get3A_185 : vector<16xi32> to vector<16xi32>
    %shift_right_logical3A_187 = arith.constant 17 : i32
    %shift_right_logical3A_188 = vector.broadcast %shift_right_logical3A_187 : i32 to vector<16xi32>
    %shift_right_logical3A_189 = arith.shrui %get3A_186, %shift_right_logical3A_188 : vector<16xi32>
    %shift_left3A_190 = arith.constant 14 : i32
    %shift_left3A_191 = vector.broadcast %shift_left3A_190 : i32 to vector<16xi32>
    %shift_left3A_192 = arith.shli %shift_right_logical3A_189, %shift_left3A_191 : vector<16xi32>
    %and3A_193 = arith.constant 16383 : i32
    %and3A_194 = vector.broadcast %and3A_193 : i32 to vector<16xi32>
    %and3A_195 = arith.andi %get3A_186, %and3A_194 : vector<16xi32>
    %or3A_196 = arith.ori %shift_left3A_192, %and3A_195 : vector<16xi32>
    %swap3A_197 = arith.constant 176 : index
    %swap3A_198 = tpu.vector_load %arg6[%swap3A_197] {strides = array<i32>} : memref<512xi32, #tpu.memory_space<vmem>>, vector<16xi32>,
    %swap3A_199 = vector.shape_cast %swap3A_198 : vector<16xi32> to vector<16xi32>
    %swap3A_200 = vector.shape_cast %or3A_196 : vector<16xi32> to vector<16xi32>
    tpu.vector_store %arg6[%swap3A_197], %swap3A_200 {strides = array<i32>} : memref<512xi32, #tpu.memory_space<vmem>>, vector<16xi32>,
    %get3A_201 = arith.constant 192 : index
    %get3A_202 = tpu.vector_load %arg5[%get3A_201] {strides = array<i32>} : memref<512xi32, #tpu.memory_space<vmem>>, vector<16xi32>,
    %get3A_203 = vector.shape_cast %get3A_202 : vector<16xi32> to vector<16xi32>
    %shift_right_logical3A_204 = arith.constant 17 : i32
    %shift_right_logical3A_205 = vector.broadcast %shift_right_logical3A_204 : i32 to vector<16xi32>
    %shift_right_logical3A_206 = arith.shrui %get3A_203, %shift_right_logical3A_205 : vector<16xi32>
    %shift_left3A_207 = arith.constant 14 : i32
    %shift_left3A_208 = vector.broadcast %shift_left3A_207 : i32 to vector<16xi32>
    %shift_left3A_209 = arith.shli %shift_right_logical3A_206, %shift_left3A_208 : vector<16xi32>
    %and3A_210 = arith.constant 16383 : i32
    %and3A_211 = vector.broadcast %and3A_210 : i32 to vector<16xi32>
    %and3A_212 = arith.andi %get3A_203, %and3A_211 : vector<16xi32>
    %or3A_213 = arith.ori %shift_left3A_209, %and3A_212 : vector<16xi32>
    %swap3A_214 = arith.constant 192 : index
    %swap3A_215 = tpu.vector_load %arg6[%swap3A_214] {strides = array<i32>} : memref<512xi32, #tpu.memory_space<vmem>>, vector<16xi32>,
    %swap3A_216 = vector.shape_cast %swap3A_215 : vector<16xi32> to vector<16xi32>
    %swap3A_217 = vector.shape_cast %or3A_213 : vector<16xi32> to vector<16xi32>
    tpu.vector_store %arg6[%swap3A_214], %swap3A_217 {strides = array<i32>} : memref<512xi32, #tpu.memory_space<vmem>>, vector<16xi32>,
    %get3A_218 = arith.constant 208 : index
    %get3A_219 = tpu.vector_load %arg5[%get3A_218] {strides = array<i32>} : memref<512xi32, #tpu.memory_space<vmem>>, vector<16xi32>,
    %get3A_220 = vector.shape_cast %get3A_219 : vector<16xi32> to vector<16xi32>
    %shift_right_logical3A_221 = arith.constant 17 : i32
    %shift_right_logical3A_222 = vector.broadcast %shift_right_logical3A_221 : i32 to vector<16xi32>
    %shift_right_logical3A_223 = arith.shrui %get3A_220, %shift_right_logical3A_222 : vector<16xi32>
    %shift_left3A_224 = arith.constant 14 : i32
    %shift_left3A_225 = vector.broadcast %shift_left3A_224 : i32 to vector<16xi32>
    %shift_left3A_226 = arith.shli %shift_right_logical3A_223, %shift_left3A_225 : vector<16xi32>
    %and3A_227 = arith.constant 16383 : i32
    %and3A_228 = vector.broadcast %and3A_227 : i32 to vector<16xi32>
    %and3A_229 = arith.andi %get3A_220, %and3A_228 : vector<16xi32>
    %or3A_230 = arith.ori %shift_left3A_226, %and3A_229 : vector<16xi32>
    %swap3A_231 = arith.constant 208 : index
    %swap3A_232 = tpu.vector_load %arg6[%swap3A_231] {strides = array<i32>} : memref<512xi32, #tpu.memory_space<vmem>>, vector<16xi32>,
    %swap3A_233 = vector.shape_cast %swap3A_232 : vector<16xi32> to vector<16xi32>
    %swap3A_234 = vector.shape_cast %or3A_230 : vector<16xi32> to vector<16xi32>
    tpu.vector_store %arg6[%swap3A_231], %swap3A_234 {strides = array<i32>} : memref<512xi32, #tpu.memory_space<vmem>>, vector<16xi32>,
    %get3A_235 = arith.constant 224 : index
    %get3A_236 = tpu.vector_load %arg5[%get3A_235] {strides = array<i32>} : memref<512xi32, #tpu.memory_space<vmem>>, vector<16xi32>,
    %get3A_237 = vector.shape_cast %get3A_236 : vector<16xi32> to vector<16xi32>
    %shift_right_logical3A_238 = arith.constant 17 : i32
    %shift_right_logical3A_239 = vector.broadcast %shift_right_logical3A_238 : i32 to vector<16xi32>
    %shift_right_logical3A_240 = arith.shrui %get3A_237, %shift_right_logical3A_239 : vector<16xi32>
    %shift_left3A_241 = arith.constant 14 : i32
    %shift_left3A_242 = vector.broadcast %shift_left3A_241 : i32 to vector<16xi32>
    %shift_left3A_243 = arith.shli %shift_right_logical3A_240, %shift_left3A_242 : vector<16xi32>
    %and3A_244 = arith.constant 16383 : i32
    %and3A_245 = vector.broadcast %and3A_244 : i32 to vector<16xi32>
    %and3A_246 = arith.andi %get3A_237, %and3A_245 : vector<16xi32>
    %or3A_247 = arith.ori %shift_left3A_243, %and3A_246 : vector<16xi32>
    %swap3A_248 = arith.constant 224 : index
    %swap3A_249 = tpu.vector_load %arg6[%swap3A_248] {strides = array<i32>} : memref<512xi32, #tpu.memory_space<vmem>>, vector<16xi32>,
    %swap3A_250 = vector.shape_cast %swap3A_249 : vector<16xi32> to vector<16xi32>
    %swap3A_251 = vector.shape_cast %or3A_247 : vector<16xi32> to vector<16xi32>
    tpu.vector_store %arg6[%swap3A_248], %swap3A_251 {strides = array<i32>} : memref<512xi32, #tpu.memory_space<vmem>>, vector<16xi32>,
    %get3A_252 = arith.constant 240 : index
    %get3A_253 = tpu.vector_load %arg5[%get3A_252] {strides = array<i32>} : memref<512xi32, #tpu.memory_space<vmem>>, vector<16xi32>,
    %get3A_254 = vector.shape_cast %get3A_253 : vector<16xi32> to vector<16xi32>
    %shift_right_logical3A_255 = arith.constant 17 : i32
    %shift_right_logical3A_256 = vector.broadcast %shift_right_logical3A_255 : i32 to vector<16xi32>
    %shift_right_logical3A_257 = arith.shrui %get3A_254, %shift_right_logical3A_256 : vector<16xi32>
    %shift_left3A_258 = arith.constant 14 : i32
    %shift_left3A_259 = vector.broadcast %shift_left3A_258 : i32 to vector<16xi32>
    %shift_left3A_260 = arith.shli %shift_right_logical3A_257, %shift_left3A_259 : vector<16xi32>
    %and3A_261 = arith.constant 16383 : i32
    %and3A_262 = vector.broadcast %and3A_261 : i32 to vector<16xi32>
    %and3A_263 = arith.andi %get3A_254, %and3A_262 : vector<16xi32>
    %or3A_264 = arith.ori %shift_left3A_260, %and3A_263 : vector<16xi32>
    %swap3A_265 = arith.constant 240 : index
    %swap3A_266 = tpu.vector_load %arg6[%swap3A_265] {strides = array<i32>} : memref<512xi32, #tpu.memory_space<vmem>>, vector<16xi32>,
    %swap3A_267 = vector.shape_cast %swap3A_266 : vector<16xi32> to vector<16xi32>
    %swap3A_268 = vector.shape_cast %or3A_264 : vector<16xi32> to vector<16xi32>
    tpu.vector_store %arg6[%swap3A_265], %swap3A_268 {strides = array<i32>} : memref<512xi32, #tpu.memory_space<vmem>>, vector<16xi32>,
    %get3A_269 = arith.constant 256 : index
    %get3A_270 = tpu.vector_load %arg5[%get3A_269] {strides = array<i32>} : memref<512xi32, #tpu.memory_space<vmem>>, vector<16xi32>,
    %get3A_271 = vector.shape_cast %get3A_270 : vector<16xi32> to vector<16xi32>
    %shift_right_logical3A_272 = arith.constant 17 : i32
    %shift_right_logical3A_273 = vector.broadcast %shift_right_logical3A_272 : i32 to vector<16xi32>
    %shift_right_logical3A_274 = arith.shrui %get3A_271, %shift_right_logical3A_273 : vector<16xi32>
    %shift_left3A_275 = arith.constant 14 : i32
    %shift_left3A_276 = vector.broadcast %shift_left3A_275 : i32 to vector<16xi32>
    %shift_left3A_277 = arith.shli %shift_right_logical3A_274, %shift_left3A_276 : vector<16xi32>
    %and3A_278 = arith.constant 16383 : i32
    %and3A_279 = vector.broadcast %and3A_278 : i32 to vector<16xi32>
    %and3A_280 = arith.andi %get3A_271, %and3A_279 : vector<16xi32>
    %or3A_281 = arith.ori %shift_left3A_277, %and3A_280 : vector<16xi32>
    %swap3A_282 = arith.constant 256 : index
    %swap3A_283 = tpu.vector_load %arg6[%swap3A_282] {strides = array<i32>} : memref<512xi32, #tpu.memory_space<vmem>>, vector<16xi32>,
    %swap3A_284 = vector.shape_cast %swap3A_283 : vector<16xi32> to vector<16xi32>
    %swap3A_285 = vector.shape_cast %or3A_281 : vector<16xi32> to vector<16xi32>
    tpu.vector_store %arg6[%swap3A_282], %swap3A_285 {strides = array<i32>} : memref<512xi32, #tpu.memory_space<vmem>>, vector<16xi32>,
    %get3A_286 = arith.constant 272 : index
    %get3A_287 = tpu.vector_load %arg5[%get3A_286] {strides = array<i32>} : memref<512xi32, #tpu.memory_space<vmem>>, vector<16xi32>,
    %get3A_288 = vector.shape_cast %get3A_287 : vector<16xi32> to vector<16xi32>
    %shift_right_logical3A_289 = arith.constant 17 : i32
    %shift_right_logical3A_290 = vector.broadcast %shift_right_logical3A_289 : i32 to vector<16xi32>
    %shift_right_logical3A_291 = arith.shrui %get3A_288, %shift_right_logical3A_290 : vector<16xi32>
    %shift_left3A_292 = arith.constant 14 : i32
    %shift_left3A_293 = vector.broadcast %shift_left3A_292 : i32 to vector<16xi32>
    %shift_left3A_294 = arith.shli %shift_right_logical3A_291, %shift_left3A_293 : vector<16xi32>
    %and3A_295 = arith.constant 16383 : i32
    %and3A_296 = vector.broadcast %and3A_295 : i32 to vector<16xi32>
    %and3A_297 = arith.andi %get3A_288, %and3A_296 : vector<16xi32>
    %or3A_298 = arith.ori %shift_left3A_294, %and3A_297 : vector<16xi32>
    %swap3A_299 = arith.constant 272 : index
    %swap3A_300 = tpu.vector_load %arg6[%swap3A_299] {strides = array<i32>} : memref<512xi32, #tpu.memory_space<vmem>>, vector<16xi32>,
    %swap3A_301 = vector.shape_cast %swap3A_300 : vector<16xi32> to vector<16xi32>
    %swap3A_302 = vector.shape_cast %or3A_298 : vector<16xi32> to vector<16xi32>
    tpu.vector_store %arg6[%swap3A_299], %swap3A_302 {strides = array<i32>} : memref<512xi32, #tpu.memory_space<vmem>>, vector<16xi32>,
    %get3A_303 = arith.constant 288 : index
    %get3A_304 = tpu.vector_load %arg5[%get3A_303] {strides = array<i32>} : memref<512xi32, #tpu.memory_space<vmem>>, vector<16xi32>,
    %get3A_305 = vector.shape_cast %get3A_304 : vector<16xi32> to vector<16xi32>
    %shift_right_logical3A_306 = arith.constant 17 : i32
    %shift_right_logical3A_307 = vector.broadcast %shift_right_logical3A_306 : i32 to vector<16xi32>
    %shift_right_logical3A_308 = arith.shrui %get3A_305, %shift_right_logical3A_307 : vector<16xi32>
    %shift_left3A_309 = arith.constant 14 : i32
    %shift_left3A_310 = vector.broadcast %shift_left3A_309 : i32 to vector<16xi32>
    %shift_left3A_311 = arith.shli %shift_right_logical3A_308, %shift_left3A_310 : vector<16xi32>
    %and3A_312 = arith.constant 16383 : i32
    %and3A_313 = vector.broadcast %and3A_312 : i32 to vector<16xi32>
    %and3A_314 = arith.andi %get3A_305, %and3A_313 : vector<16xi32>
    %or3A_315 = arith.ori %shift_left3A_311, %and3A_314 : vector<16xi32>
    %swap3A_316 = arith.constant 288 : index
    %swap3A_317 = tpu.vector_load %arg6[%swap3A_316] {strides = array<i32>} : memref<512xi32, #tpu.memory_space<vmem>>, vector<16xi32>,
    %swap3A_318 = vector.shape_cast %swap3A_317 : vector<16xi32> to vector<16xi32>
    %swap3A_319 = vector.shape_cast %or3A_315 : vector<16xi32> to vector<16xi32>
    tpu.vector_store %arg6[%swap3A_316], %swap3A_319 {strides = array<i32>} : memref<512xi32, #tpu.memory_space<vmem>>, vector<16xi32>,
    %get3A_320 = arith.constant 304 : index
    %get3A_321 = tpu.vector_load %arg5[%get3A_320] {strides = array<i32>} : memref<512xi32, #tpu.memory_space<vmem>>, vector<16xi32>,
    %get3A_322 = vector.shape_cast %get3A_321 : vector<16xi32> to vector<16xi32>
    %shift_right_logical3A_323 = arith.constant 17 : i32
    %shift_right_logical3A_324 = vector.broadcast %shift_right_logical3A_323 : i32 to vector<16xi32>
    %shift_right_logical3A_325 = arith.shrui %get3A_322, %shift_right_logical3A_324 : vector<16xi32>
    %shift_left3A_326 = arith.constant 14 : i32
    %shift_left3A_327 = vector.broadcast %shift_left3A_326 : i32 to vector<16xi32>
    %shift_left3A_328 = arith.shli %shift_right_logical3A_325, %shift_left3A_327 : vector<16xi32>
    %and3A_329 = arith.constant 16383 : i32
    %and3A_330 = vector.broadcast %and3A_329 : i32 to vector<16xi32>
    %and3A_331 = arith.andi %get3A_322, %and3A_330 : vector<16xi32>
    %or3A_332 = arith.ori %shift_left3A_328, %and3A_331 : vector<16xi32>
    %swap3A_333 = arith.constant 304 : index
    %swap3A_334 = tpu.vector_load %arg6[%swap3A_333] {strides = array<i32>} : memref<512xi32, #tpu.memory_space<vmem>>, vector<16xi32>,
    %swap3A_335 = vector.shape_cast %swap3A_334 : vector<16xi32> to vector<16xi32>
    %swap3A_336 = vector.shape_cast %or3A_332 : vector<16xi32> to vector<16xi32>
    tpu.vector_store %arg6[%swap3A_333], %swap3A_336 {strides = array<i32>} : memref<512xi32, #tpu.memory_space<vmem>>, vector<16xi32>,
    %get3A_337 = arith.constant 320 : index
    %get3A_338 = tpu.vector_load %arg5[%get3A_337] {strides = array<i32>} : memref<512xi32, #tpu.memory_space<vmem>>, vector<16xi32>,
    %get3A_339 = vector.shape_cast %get3A_338 : vector<16xi32> to vector<16xi32>
    %shift_right_logical3A_340 = arith.constant 17 : i32
    %shift_right_logical3A_341 = vector.broadcast %shift_right_logical3A_340 : i32 to vector<16xi32>
    %shift_right_logical3A_342 = arith.shrui %get3A_339, %shift_right_logical3A_341 : vector<16xi32>
    %shift_left3A_343 = arith.constant 14 : i32
    %shift_left3A_344 = vector.broadcast %shift_left3A_343 : i32 to vector<16xi32>
    %shift_left3A_345 = arith.shli %shift_right_logical3A_342, %shift_left3A_344 : vector<16xi32>
    %and3A_346 = arith.constant 16383 : i32
    %and3A_347 = vector.broadcast %and3A_346 : i32 to vector<16xi32>
    %and3A_348 = arith.andi %get3A_339, %and3A_347 : vector<16xi32>
    %or3A_349 = arith.ori %shift_left3A_345, %and3A_348 : vector<16xi32>
    %swap3A_350 = arith.constant 320 : index
    %swap3A_351 = tpu.vector_load %arg6[%swap3A_350] {strides = array<i32>} : memref<512xi32, #tpu.memory_space<vmem>>, vector<16xi32>,
    %swap3A_352 = vector.shape_cast %swap3A_351 : vector<16xi32> to vector<16xi32>
    %swap3A_353 = vector.shape_cast %or3A_349 : vector<16xi32> to vector<16xi32>
    tpu.vector_store %arg6[%swap3A_350], %swap3A_353 {strides = array<i32>} : memref<512xi32, #tpu.memory_space<vmem>>, vector<16xi32>,
    %get3A_354 = arith.constant 336 : index
    %get3A_355 = tpu.vector_load %arg5[%get3A_354] {strides = array<i32>} : memref<512xi32, #tpu.memory_space<vmem>>, vector<16xi32>,
    %get3A_356 = vector.shape_cast %get3A_355 : vector<16xi32> to vector<16xi32>
    %shift_right_logical3A_357 = arith.constant 17 : i32
    %shift_right_logical3A_358 = vector.broadcast %shift_right_logical3A_357 : i32 to vector<16xi32>
    %shift_right_logical3A_359 = arith.shrui %get3A_356, %shift_right_logical3A_358 : vector<16xi32>
    %shift_left3A_360 = arith.constant 14 : i32
    %shift_left3A_361 = vector.broadcast %shift_left3A_360 : i32 to vector<16xi32>
    %shift_left3A_362 = arith.shli %shift_right_logical3A_359, %shift_left3A_361 : vector<16xi32>
    %and3A_363 = arith.constant 16383 : i32
    %and3A_364 = vector.broadcast %and3A_363 : i32 to vector<16xi32>
    %and3A_365 = arith.andi %get3A_356, %and3A_364 : vector<16xi32>
    %or3A_366 = arith.ori %shift_left3A_362, %and3A_365 : vector<16xi32>
    %swap3A_367 = arith.constant 336 : index
    %swap3A_368 = tpu.vector_load %arg6[%swap3A_367] {strides = array<i32>} : memref<512xi32, #tpu.memory_space<vmem>>, vector<16xi32>,
    %swap3A_369 = vector.shape_cast %swap3A_368 : vector<16xi32> to vector<16xi32>
    %swap3A_370 = vector.shape_cast %or3A_366 : vector<16xi32> to vector<16xi32>
    tpu.vector_store %arg6[%swap3A_367], %swap3A_370 {strides = array<i32>} : memref<512xi32, #tpu.memory_space<vmem>>, vector<16xi32>,
    %get3A_371 = arith.constant 352 : index
    %get3A_372 = tpu.vector_load %arg5[%get3A_371] {strides = array<i32>} : memref<512xi32, #tpu.memory_space<vmem>>, vector<16xi32>,
    %get3A_373 = vector.shape_cast %get3A_372 : vector<16xi32> to vector<16xi32>
    %shift_right_logical3A_374 = arith.constant 17 : i32
    %shift_right_logical3A_375 = vector.broadcast %shift_right_logical3A_374 : i32 to vector<16xi32>
    %shift_right_logical3A_376 = arith.shrui %get3A_373, %shift_right_logical3A_375 : vector<16xi32>
    %shift_left3A_377 = arith.constant 14 : i32
    %shift_left3A_378 = vector.broadcast %shift_left3A_377 : i32 to vector<16xi32>
    %shift_left3A_379 = arith.shli %shift_right_logical3A_376, %shift_left3A_378 : vector<16xi32>
    %and3A_380 = arith.constant 16383 : i32
    %and3A_381 = vector.broadcast %and3A_380 : i32 to vector<16xi32>
    %and3A_382 = arith.andi %get3A_373, %and3A_381 : vector<16xi32>
    %or3A_383 = arith.ori %shift_left3A_379, %and3A_382 : vector<16xi32>
    %swap3A_384 = arith.constant 352 : index
    %swap3A_385 = tpu.vector_load %arg6[%swap3A_384] {strides = array<i32>} : memref<512xi32, #tpu.memory_space<vmem>>, vector<16xi32>,
    %swap3A_386 = vector.shape_cast %swap3A_385 : vector<16xi32> to vector<16xi32>
    %swap3A_387 = vector.shape_cast %or3A_383 : vector<16xi32> to vector<16xi32>
    tpu.vector_store %arg6[%swap3A_384], %swap3A_387 {strides = array<i32>} : memref<512xi32, #tpu.memory_space<vmem>>, vector<16xi32>,
    %get3A_388 = arith.constant 368 : index
    %get3A_389 = tpu.vector_load %arg5[%get3A_388] {strides = array<i32>} : memref<512xi32, #tpu.memory_space<vmem>>, vector<16xi32>,
    %get3A_390 = vector.shape_cast %get3A_389 : vector<16xi32> to vector<16xi32>
    %shift_right_logical3A_391 = arith.constant 17 : i32
    %shift_right_logical3A_392 = vector.broadcast %shift_right_logical3A_391 : i32 to vector<16xi32>
    %shift_right_logical3A_393 = arith.shrui %get3A_390, %shift_right_logical3A_392 : vector<16xi32>
    %shift_left3A_394 = arith.constant 14 : i32
    %shift_left3A_395 = vector.broadcast %shift_left3A_394 : i32 to vector<16xi32>
    %shift_left3A_396 = arith.shli %shift_right_logical3A_393, %shift_left3A_395 : vector<16xi32>
    %and3A_397 = arith.constant 16383 : i32
    %and3A_398 = vector.broadcast %and3A_397 : i32 to vector<16xi32>
    %and3A_399 = arith.andi %get3A_390, %and3A_398 : vector<16xi32>
    %or3A_400 = arith.ori %shift_left3A_396, %and3A_399 : vector<16xi32>
    %swap3A_401 = arith.constant 368 : index
    %swap3A_402 = tpu.vector_load %arg6[%swap3A_401] {strides = array<i32>} : memref<512xi32, #tpu.memory_space<vmem>>, vector<16xi32>,
    %swap3A_403 = vector.shape_cast %swap3A_402 : vector<16xi32> to vector<16xi32>
    %swap3A_404 = vector.shape_cast %or3A_400 : vector<16xi32> to vector<16xi32>
    tpu.vector_store %arg6[%swap3A_401], %swap3A_404 {strides = array<i32>} : memref<512xi32, #tpu.memory_space<vmem>>, vector<16xi32>,
    %get3A_405 = arith.constant 384 : index
    %get3A_406 = tpu.vector_load %arg5[%get3A_405] {strides = array<i32>} : memref<512xi32, #tpu.memory_space<vmem>>, vector<16xi32>,
    %get3A_407 = vector.shape_cast %get3A_406 : vector<16xi32> to vector<16xi32>
    %shift_right_logical3A_408 = arith.constant 17 : i32
    %shift_right_logical3A_409 = vector.broadcast %shift_right_logical3A_408 : i32 to vector<16xi32>
    %shift_right_logical3A_410 = arith.shrui %get3A_407, %shift_right_logical3A_409 : vector<16xi32>
    %shift_left3A_411 = arith.constant 14 : i32
    %shift_left3A_412 = vector.broadcast %shift_left3A_411 : i32 to vector<16xi32>
    %shift_left3A_413 = arith.shli %shift_right_logical3A_410, %shift_left3A_412 : vector<16xi32>
    %and3A_414 = arith.constant 16383 : i32
    %and3A_415 = vector.broadcast %and3A_414 : i32 to vector<16xi32>
    %and3A_416 = arith.andi %get3A_407, %and3A_415 : vector<16xi32>
    %or3A_417 = arith.ori %shift_left3A_413, %and3A_416 : vector<16xi32>
    %swap3A_418 = arith.constant 384 : index
    %swap3A_419 = tpu.vector_load %arg6[%swap3A_418] {strides = array<i32>} : memref<512xi32, #tpu.memory_space<vmem>>, vector<16xi32>,
    %swap3A_420 = vector.shape_cast %swap3A_419 : vector<16xi32> to vector<16xi32>
    %swap3A_421 = vector.shape_cast %or3A_417 : vector<16xi32> to vector<16xi32>
    tpu.vector_store %arg6[%swap3A_418], %swap3A_421 {strides = array<i32>} : memref<512xi32, #tpu.memory_space<vmem>>, vector<16xi32>,
    %get3A_422 = arith.constant 400 : index
    %get3A_423 = tpu.vector_load %arg5[%get3A_422] {strides = array<i32>} : memref<512xi32, #tpu.memory_space<vmem>>, vector<16xi32>,
    %get3A_424 = vector.shape_cast %get3A_423 : vector<16xi32> to vector<16xi32>
    %shift_right_logical3A_425 = arith.constant 17 : i32
    %shift_right_logical3A_426 = vector.broadcast %shift_right_logical3A_425 : i32 to vector<16xi32>
    %shift_right_logical3A_427 = arith.shrui %get3A_424, %shift_right_logical3A_426 : vector<16xi32>
    %shift_left3A_428 = arith.constant 14 : i32
    %shift_left3A_429 = vector.broadcast %shift_left3A_428 : i32 to vector<16xi32>
    %shift_left3A_430 = arith.shli %shift_right_logical3A_427, %shift_left3A_429 : vector<16xi32>
    %and3A_431 = arith.constant 16383 : i32
    %and3A_432 = vector.broadcast %and3A_431 : i32 to vector<16xi32>
    %and3A_433 = arith.andi %get3A_424, %and3A_432 : vector<16xi32>
    %or3A_434 = arith.ori %shift_left3A_430, %and3A_433 : vector<16xi32>
    %swap3A_435 = arith.constant 400 : index
    %swap3A_436 = tpu.vector_load %arg6[%swap3A_435] {strides = array<i32>} : memref<512xi32, #tpu.memory_space<vmem>>, vector<16xi32>,
    %swap3A_437 = vector.shape_cast %swap3A_436 : vector<16xi32> to vector<16xi32>
    %swap3A_438 = vector.shape_cast %or3A_434 : vector<16xi32> to vector<16xi32>
    tpu.vector_store %arg6[%swap3A_435], %swap3A_438 {strides = array<i32>} : memref<512xi32, #tpu.memory_space<vmem>>, vector<16xi32>,
    %get3A_439 = arith.constant 416 : index
    %get3A_440 = tpu.vector_load %arg5[%get3A_439] {strides = array<i32>} : memref<512xi32, #tpu.memory_space<vmem>>, vector<16xi32>,
    %get3A_441 = vector.shape_cast %get3A_440 : vector<16xi32> to vector<16xi32>
    %shift_right_logical3A_442 = arith.constant 17 : i32
    %shift_right_logical3A_443 = vector.broadcast %shift_right_logical3A_442 : i32 to vector<16xi32>
    %shift_right_logical3A_444 = arith.shrui %get3A_441, %shift_right_logical3A_443 : vector<16xi32>
    %shift_left3A_445 = arith.constant 14 : i32
    %shift_left3A_446 = vector.broadcast %shift_left3A_445 : i32 to vector<16xi32>
    %shift_left3A_447 = arith.shli %shift_right_logical3A_444, %shift_left3A_446 : vector<16xi32>
    %and3A_448 = arith.constant 16383 : i32
    %and3A_449 = vector.broadcast %and3A_448 : i32 to vector<16xi32>
    %and3A_450 = arith.andi %get3A_441, %and3A_449 : vector<16xi32>
    %or3A_451 = arith.ori %shift_left3A_447, %and3A_450 : vector<16xi32>
    %swap3A_452 = arith.constant 416 : index
    %swap3A_453 = tpu.vector_load %arg6[%swap3A_452] {strides = array<i32>} : memref<512xi32, #tpu.memory_space<vmem>>, vector<16xi32>,
    %swap3A_454 = vector.shape_cast %swap3A_453 : vector<16xi32> to vector<16xi32>
    %swap3A_455 = vector.shape_cast %or3A_451 : vector<16xi32> to vector<16xi32>
    tpu.vector_store %arg6[%swap3A_452], %swap3A_455 {strides = array<i32>} : memref<512xi32, #tpu.memory_space<vmem>>, vector<16xi32>,
    %get3A_456 = arith.constant 432 : index
    %get3A_457 = tpu.vector_load %arg5[%get3A_456] {strides = array<i32>} : memref<512xi32, #tpu.memory_space<vmem>>, vector<16xi32>,
    %get3A_458 = vector.shape_cast %get3A_457 : vector<16xi32> to vector<16xi32>
    %shift_right_logical3A_459 = arith.constant 17 : i32
    %shift_right_logical3A_460 = vector.broadcast %shift_right_logical3A_459 : i32 to vector<16xi32>
    %shift_right_logical3A_461 = arith.shrui %get3A_458, %shift_right_logical3A_460 : vector<16xi32>
    %shift_left3A_462 = arith.constant 14 : i32
    %shift_left3A_463 = vector.broadcast %shift_left3A_462 : i32 to vector<16xi32>
    %shift_left3A_464 = arith.shli %shift_right_logical3A_461, %shift_left3A_463 : vector<16xi32>
    %and3A_465 = arith.constant 16383 : i32
    %and3A_466 = vector.broadcast %and3A_465 : i32 to vector<16xi32>
    %and3A_467 = arith.andi %get3A_458, %and3A_466 : vector<16xi32>
    %or3A_468 = arith.ori %shift_left3A_464, %and3A_467 : vector<16xi32>
    %swap3A_469 = arith.constant 432 : index
    %swap3A_470 = tpu.vector_load %arg6[%swap3A_469] {strides = array<i32>} : memref<512xi32, #tpu.memory_space<vmem>>, vector<16xi32>,
    %swap3A_471 = vector.shape_cast %swap3A_470 : vector<16xi32> to vector<16xi32>
    %swap3A_472 = vector.shape_cast %or3A_468 : vector<16xi32> to vector<16xi32>
    tpu.vector_store %arg6[%swap3A_469], %swap3A_472 {strides = array<i32>} : memref<512xi32, #tpu.memory_space<vmem>>, vector<16xi32>,
    %get3A_473 = arith.constant 448 : index
    %get3A_474 = tpu.vector_load %arg5[%get3A_473] {strides = array<i32>} : memref<512xi32, #tpu.memory_space<vmem>>, vector<16xi32>,
    %get3A_475 = vector.shape_cast %get3A_474 : vector<16xi32> to vector<16xi32>
    %shift_right_logical3A_476 = arith.constant 17 : i32
    %shift_right_logical3A_477 = vector.broadcast %shift_right_logical3A_476 : i32 to vector<16xi32>
    %shift_right_logical3A_478 = arith.shrui %get3A_475, %shift_right_logical3A_477 : vector<16xi32>
    %shift_left3A_479 = arith.constant 14 : i32
    %shift_left3A_480 = vector.broadcast %shift_left3A_479 : i32 to vector<16xi32>
    %shift_left3A_481 = arith.shli %shift_right_logical3A_478, %shift_left3A_480 : vector<16xi32>
    %and3A_482 = arith.constant 16383 : i32
    %and3A_483 = vector.broadcast %and3A_482 : i32 to vector<16xi32>
    %and3A_484 = arith.andi %get3A_475, %and3A_483 : vector<16xi32>
    %or3A_485 = arith.ori %shift_left3A_481, %and3A_484 : vector<16xi32>
    %swap3A_486 = arith.constant 448 : index
    %swap3A_487 = tpu.vector_load %arg6[%swap3A_486] {strides = array<i32>} : memref<512xi32, #tpu.memory_space<vmem>>, vector<16xi32>,
    %swap3A_488 = vector.shape_cast %swap3A_487 : vector<16xi32> to vector<16xi32>
    %swap3A_489 = vector.shape_cast %or3A_485 : vector<16xi32> to vector<16xi32>
    tpu.vector_store %arg6[%swap3A_486], %swap3A_489 {strides = array<i32>} : memref<512xi32, #tpu.memory_space<vmem>>, vector<16xi32>,
    %get3A_490 = arith.constant 464 : index
    %get3A_491 = tpu.vector_load %arg5[%get3A_490] {strides = array<i32>} : memref<512xi32, #tpu.memory_space<vmem>>, vector<16xi32>,
    %get3A_492 = vector.shape_cast %get3A_491 : vector<16xi32> to vector<16xi32>
    %shift_right_logical3A_493 = arith.constant 17 : i32
    %shift_right_logical3A_494 = vector.broadcast %shift_right_logical3A_493 : i32 to vector<16xi32>
    %shift_right_logical3A_495 = arith.shrui %get3A_492, %shift_right_logical3A_494 : vector<16xi32>
    %shift_left3A_496 = arith.constant 14 : i32
    %shift_left3A_497 = vector.broadcast %shift_left3A_496 : i32 to vector<16xi32>
    %shift_left3A_498 = arith.shli %shift_right_logical3A_495, %shift_left3A_497 : vector<16xi32>
    %and3A_499 = arith.constant 16383 : i32
    %and3A_500 = vector.broadcast %and3A_499 : i32 to vector<16xi32>
    %and3A_501 = arith.andi %get3A_492, %and3A_500 : vector<16xi32>
    %or3A_502 = arith.ori %shift_left3A_498, %and3A_501 : vector<16xi32>
    %swap3A_503 = arith.constant 464 : index
    %swap3A_504 = tpu.vector_load %arg6[%swap3A_503] {strides = array<i32>} : memref<512xi32, #tpu.memory_space<vmem>>, vector<16xi32>,
    %swap3A_505 = vector.shape_cast %swap3A_504 : vector<16xi32> to vector<16xi32>
    %swap3A_506 = vector.shape_cast %or3A_502 : vector<16xi32> to vector<16xi32>
    tpu.vector_store %arg6[%swap3A_503], %swap3A_506 {strides = array<i32>} : memref<512xi32, #tpu.memory_space<vmem>>, vector<16xi32>,
    %get3A_507 = arith.constant 480 : index
    %get3A_508 = tpu.vector_load %arg5[%get3A_507] {strides = array<i32>} : memref<512xi32, #tpu.memory_space<vmem>>, vector<16xi32>,
    %get3A_509 = vector.shape_cast %get3A_508 : vector<16xi32> to vector<16xi32>
    %shift_right_logical3A_510 = arith.constant 17 : i32
    %shift_right_logical3A_511 = vector.broadcast %shift_right_logical3A_510 : i32 to vector<16xi32>
    %shift_right_logical3A_512 = arith.shrui %get3A_509, %shift_right_logical3A_511 : vector<16xi32>
    %shift_left3A_513 = arith.constant 14 : i32
    %shift_left3A_514 = vector.broadcast %shift_left3A_513 : i32 to vector<16xi32>
    %shift_left3A_515 = arith.shli %shift_right_logical3A_512, %shift_left3A_514 : vector<16xi32>
    %and3A_516 = arith.constant 16383 : i32
    %and3A_517 = vector.broadcast %and3A_516 : i32 to vector<16xi32>
    %and3A_518 = arith.andi %get3A_509, %and3A_517 : vector<16xi32>
    %or3A_519 = arith.ori %shift_left3A_515, %and3A_518 : vector<16xi32>
    %swap3A_520 = arith.constant 480 : index
    %swap3A_521 = tpu.vector_load %arg6[%swap3A_520] {strides = array<i32>} : memref<512xi32, #tpu.memory_space<vmem>>, vector<16xi32>,
    %swap3A_522 = vector.shape_cast %swap3A_521 : vector<16xi32> to vector<16xi32>
    %swap3A_523 = vector.shape_cast %or3A_519 : vector<16xi32> to vector<16xi32>
    tpu.vector_store %arg6[%swap3A_520], %swap3A_523 {strides = array<i32>} : memref<512xi32, #tpu.memory_space<vmem>>, vector<16xi32>,
    %get3A_524 = arith.constant 496 : index
    %get3A_525 = tpu.vector_load %arg5[%get3A_524] {strides = array<i32>} : memref<512xi32, #tpu.memory_space<vmem>>, vector<16xi32>,
    %get3A_526 = vector.shape_cast %get3A_525 : vector<16xi32> to vector<16xi32>
    %shift_right_logical3A_527 = arith.constant 17 : i32
    %shift_right_logical3A_528 = vector.broadcast %shift_right_logical3A_527 : i32 to vector<16xi32>
    %shift_right_logical3A_529 = arith.shrui %get3A_526, %shift_right_logical3A_528 : vector<16xi32>
    %shift_left3A_530 = arith.constant 14 : i32
    %shift_left3A_531 = vector.broadcast %shift_left3A_530 : i32 to vector<16xi32>
    %shift_left3A_532 = arith.shli %shift_right_logical3A_529, %shift_left3A_531 : vector<16xi32>
    %and3A_533 = arith.constant 16383 : i32
    %and3A_534 = vector.broadcast %and3A_533 : i32 to vector<16xi32>
    %and3A_535 = arith.andi %get3A_526, %and3A_534 : vector<16xi32>
    %or3A_536 = arith.ori %shift_left3A_532, %and3A_535 : vector<16xi32>
    %swap3A_537 = arith.constant 496 : index
    %swap3A_538 = tpu.vector_load %arg6[%swap3A_537] {strides = array<i32>} : memref<512xi32, #tpu.memory_space<vmem>>, vector<16xi32>,
    %swap3A_539 = vector.shape_cast %swap3A_538 : vector<16xi32> to vector<16xi32>
    %swap3A_540 = vector.shape_cast %or3A_536 : vector<16xi32> to vector<16xi32>
    tpu.vector_store %arg6[%swap3A_537], %swap3A_540 {strides = array<i32>} : memref<512xi32, #tpu.memory_space<vmem>>, vector<16xi32>,
    %dma_start3A = arith.constant 0 : i32
    %dma_start3A_541 = arith.constant 0 : i32
    %dma_start3A_542 = tpu.memref_slice %arg3[%dma_start3A, %dma_start3A_541] : memref<131072x128xf32, #tpu.memory_space<hbm>> -> memref<131072x128xf32, #tpu.memory_space<hbm>>
    tpu.enqueue_indirect_dma source(%dma_start3A_542 : memref<131072x128xf32, #tpu.memory_space<hbm>>) target(%arg7 : memref<512x128xf32, #tpu.memory_space<vmem>>) offsets(%arg6 : memref<512xi32, #tpu.memory_space<vmem>>) semaphore(%arg8 : memref<!tpu.dma_semaphore, #tpu.memory_space<semaphore_mem>>)
    %dma_wait3A = arith.constant 0 : i32
    %dma_wait3A_543 = arith.constant 0 : i32
    %dma_wait3A_544 = tpu.memref_slice %arg3[%dma_wait3A, %dma_wait3A_543] : memref<131072x128xf32, #tpu.memory_space<hbm>> -> memref<131072x128xf32, #tpu.memory_space<hbm>>
    tpu.wait_indirect_dma semaphore(%arg8 : memref<!tpu.dma_semaphore, #tpu.memory_space<semaphore_mem>>) src(%dma_wait3A_544 : memref<131072x128xf32, #tpu.memory_space<hbm>>) dst(%arg7 : memref<512x128xf32, #tpu.memory_space<vmem>>)
    "tpu.region"() ({
      %run_scoped3A = tpu.sem_alloc : memref<!tpu.dma_semaphore, #tpu.memory_space<semaphore_mem>>
      %dma_start3A_545 = arith.constant 0 : i32
      %dma_start3A_546 = tpu.memref_slice %arg4[%mul3A_2, %dma_start3A_545] : memref<16384x128xf32, #tpu.memory_space<hbm>> -> memref<512x128xf32, #tpu.memory_space<hbm>>
      %dma_start3A_547 = arith.constant 0 : i32
      %dma_start3A_548 = tpu.memref_slice %arg4[%mul3A_2, %dma_start3A_547] : memref<16384x128xf32, #tpu.memory_space<hbm>> -> memref<512x128xf32, #tpu.memory_space<hbm>>
      tpu.enqueue_dma source(%arg7 : memref<512x128xf32, #tpu.memory_space<vmem>>) target(%dma_start3A_548 : memref<512x128xf32, #tpu.memory_space<hbm>>) target_semaphore(%run_scoped3A : memref<!tpu.dma_semaphore, #tpu.memory_space<semaphore_mem>>)
      %dma_wait3A_549 = arith.constant 0 : i32
      %dma_wait3A_550 = tpu.memref_slice %arg4[%mul3A_2, %dma_wait3A_549] : memref<16384x128xf32, #tpu.memory_space<hbm>> -> memref<512x128xf32, #tpu.memory_space<hbm>>
      %dma_wait3A_551 = arith.constant 0 : i32
      %dma_wait3A_552 = tpu.memref_slice %arg4[%mul3A_2, %dma_wait3A_551] : memref<16384x128xf32, #tpu.memory_space<hbm>> -> memref<512x128xf32, #tpu.memory_space<hbm>>
      tpu.wait_dma2 semaphore(%run_scoped3A : memref<!tpu.dma_semaphore, #tpu.memory_space<semaphore_mem>>) src(%arg7 : memref<512x128xf32, #tpu.memory_space<vmem>>) dst(%dma_wait3A_552 : memref<512x128xf32, #tpu.memory_space<hbm>>)
      tpu.yield
    }) : () -> ()
    return
  }
}

#map = affine_map<(d0, d1) -> (0)>
#map1 = affine_map<(d0, d1) -> (0, 0)>
module attributes {stable_mosaic.version = 14 : i64} {
  func.func @_vec_gather_body(%arg0: i32, %arg1: i32, %arg2: memref<16384xi32, #tpu.memory_space<hbm>>, %arg3: memref<131072x128xf32, #tpu.memory_space<hbm>>, %arg4: memref<16384x128xf32, #tpu.memory_space<hbm>>, %arg5: memref<512xi32, #tpu.memory_space<vmem>>, %arg6: memref<512xi32, #tpu.memory_space<vmem>>, %arg7: memref<512x128xf32, #tpu.memory_space<vmem>>, %arg8: memref<!tpu.dma_semaphore, #tpu.memory_space<semaphore_mem>>) attributes {dimension_semantics = [#tpu.dimension_semantics<core_parallel>, #tpu.dimension_semantics<subcore_parallel>], iteration_bounds = array<i64: 2, 16>, scalar_prefetch = 0 : i64, scratch_operands = 4 : i64, tpu.core_type = #tpu.core_type<sc_vector_subcore>, window_params = [{transform_indices = #map}, {transform_indices = #map1}, {transform_indices = #map1}]} {
    %mul3A = arith.constant 2 : i32
    %mul3A_0 = arith.muli %arg1, %mul3A : i32
    %add3A = arith.addi %mul3A_0, %arg0 : i32
    %mul3A_1 = arith.constant 512 : i32
    %mul3A_2 = arith.muli %add3A, %mul3A_1 : i32
    "tpu.region"() ({
      %run_scoped3A = tpu.sem_alloc : memref<!tpu.dma_semaphore, #tpu.memory_space<semaphore_mem>>
      %dma_start3A_545 = tpu.memref_slice %arg2[%mul3A_2] : memref<16384xi32, #tpu.memory_space<hbm>> -> memref<512xi32, #tpu.memory_space<hbm>>
      %dma_start3A_546 = tpu.memref_slice %arg2[%mul3A_2] : memref<16384xi32, #tpu.memory_space<hbm>> -> memref<512xi32, #tpu.memory_space<hbm>>
      tpu.enqueue_dma source(%dma_start3A_546 : memref<512xi32, #tpu.memory_space<hbm>>) target(%arg5 : memref<512xi32, #tpu.memory_space<vmem>>) target_semaphore(%run_scoped3A : memref<!tpu.dma_semaphore, #tpu.memory_space<semaphore_mem>>)
      %dma_wait3A_547 = tpu.memref_slice %arg2[%mul3A_2] : memref<16384xi32, #tpu.memory_space<hbm>> -> memref<512xi32, #tpu.memory_space<hbm>>
      %dma_wait3A_548 = tpu.memref_slice %arg2[%mul3A_2] : memref<16384xi32, #tpu.memory_space<hbm>> -> memref<512xi32, #tpu.memory_space<hbm>>
      tpu.wait_dma2 semaphore(%run_scoped3A : memref<!tpu.dma_semaphore, #tpu.memory_space<semaphore_mem>>) src(%dma_wait3A_548 : memref<512xi32, #tpu.memory_space<hbm>>) dst(%arg5 : memref<512xi32, #tpu.memory_space<vmem>>)
      tpu.yield
    }) : () -> ()
    %get3A = arith.constant 0 : index
    %get3A_3 = tpu.vector_load %arg5[%get3A] {strides = array<i32>} : memref<512xi32, #tpu.memory_space<vmem>>, vector<16xi32>,
    %get3A_4 = vector.shape_cast %get3A_3 : vector<16xi32> to vector<16xi32>
    %shift_right_logical3A = arith.constant 17 : i32
    %shift_right_logical3A_5 = vector.broadcast %shift_right_logical3A : i32 to vector<16xi32>
    %shift_right_logical3A_6 = arith.shrui %get3A_4, %shift_right_logical3A_5 : vector<16xi32>
    %shift_left3A = arith.constant 14 : i32
    %shift_left3A_7 = vector.broadcast %shift_left3A : i32 to vector<16xi32>
    %shift_left3A_8 = arith.shli %shift_right_logical3A_6, %shift_left3A_7 : vector<16xi32>
    %and3A = arith.constant 16383 : i32
    %and3A_9 = vector.broadcast %and3A : i32 to vector<16xi32>
    %and3A_10 = arith.andi %get3A_4, %and3A_9 : vector<16xi32>
    %or3A = arith.ori %shift_left3A_8, %and3A_10 : vector<16xi32>
    %swap3A = arith.constant 0 : index
    %swap3A_11 = tpu.vector_load %arg6[%swap3A] {strides = array<i32>} : memref<512xi32, #tpu.memory_space<vmem>>, vector<16xi32>,
    %swap3A_12 = vector.shape_cast %swap3A_11 : vector<16xi32> to vector<16xi32>
    %swap3A_13 = vector.shape_cast %or3A : vector<16xi32> to vector<16xi32>
    tpu.vector_store %arg6[%swap3A], %swap3A_13 {strides = array<i32>} : memref<512xi32, #tpu.memory_space<vmem>>, vector<16xi32>,
    %get3A_14 = arith.constant 16 : index
    %get3A_15 = tpu.vector_load %arg5[%get3A_14] {strides = array<i32>} : memref<512xi32, #tpu.memory_space<vmem>>, vector<16xi32>,
    %get3A_16 = vector.shape_cast %get3A_15 : vector<16xi32> to vector<16xi32>
    %shift_right_logical3A_17 = arith.constant 17 : i32
    %shift_right_logical3A_18 = vector.broadcast %shift_right_logical3A_17 : i32 to vector<16xi32>
    %shift_right_logical3A_19 = arith.shrui %get3A_16, %shift_right_logical3A_18 : vector<16xi32>
    %shift_left3A_20 = arith.constant 14 : i32
    %shift_left3A_21 = vector.broadcast %shift_left3A_20 : i32 to vector<16xi32>
    %shift_left3A_22 = arith.shli %shift_right_logical3A_19, %shift_left3A_21 : vector<16xi32>
    %and3A_23 = arith.constant 16383 : i32
    %and3A_24 = vector.broadcast %and3A_23 : i32 to vector<16xi32>
    %and3A_25 = arith.andi %get3A_16, %and3A_24 : vector<16xi32>
    %or3A_26 = arith.ori %shift_left3A_22, %and3A_25 : vector<16xi32>
    %swap3A_27 = arith.constant 16 : index
    %swap3A_28 = tpu.vector_load %arg6[%swap3A_27] {strides = array<i32>} : memref<512xi32, #tpu.memory_space<vmem>>, vector<16xi32>,
    %swap3A_29 = vector.shape_cast %swap3A_28 : vector<16xi32> to vector<16xi32>
    %swap3A_30 = vector.shape_cast %or3A_26 : vector<16xi32> to vector<16xi32>
    tpu.vector_store %arg6[%swap3A_27], %swap3A_30 {strides = array<i32>} : memref<512xi32, #tpu.memory_space<vmem>>, vector<16xi32>,
    %get3A_31 = arith.constant 32 : index
    %get3A_32 = tpu.vector_load %arg5[%get3A_31] {strides = array<i32>} : memref<512xi32, #tpu.memory_space<vmem>>, vector<16xi32>,
    %get3A_33 = vector.shape_cast %get3A_32 : vector<16xi32> to vector<16xi32>
    %shift_right_logical3A_34 = arith.constant 17 : i32
    %shift_right_logical3A_35 = vector.broadcast %shift_right_logical3A_34 : i32 to vector<16xi32>
    %shift_right_logical3A_36 = arith.shrui %get3A_33, %shift_right_logical3A_35 : vector<16xi32>
    %shift_left3A_37 = arith.constant 14 : i32
    %shift_left3A_38 = vector.broadcast %shift_left3A_37 : i32 to vector<16xi32>
    %shift_left3A_39 = arith.shli %shift_right_logical3A_36, %shift_left3A_38 : vector<16xi32>
    %and3A_40 = arith.constant 16383 : i32
    %and3A_41 = vector.broadcast %and3A_40 : i32 to vector<16xi32>
    %and3A_42 = arith.andi %get3A_33, %and3A_41 : vector<16xi32>
    %or3A_43 = arith.ori %shift_left3A_39, %and3A_42 : vector<16xi32>
    %swap3A_44 = arith.constant 32 : index
    %swap3A_45 = tpu.vector_load %arg6[%swap3A_44] {strides = array<i32>} : memref<512xi32, #tpu.memory_space<vmem>>, vector<16xi32>,
    %swap3A_46 = vector.shape_cast %swap3A_45 : vector<16xi32> to vector<16xi32>
    %swap3A_47 = vector.shape_cast %or3A_43 : vector<16xi32> to vector<16xi32>
    tpu.vector_store %arg6[%swap3A_44], %swap3A_47 {strides = array<i32>} : memref<512xi32, #tpu.memory_space<vmem>>, vector<16xi32>,
    %get3A_48 = arith.constant 48 : index
    %get3A_49 = tpu.vector_load %arg5[%get3A_48] {strides = array<i32>} : memref<512xi32, #tpu.memory_space<vmem>>, vector<16xi32>,
    %get3A_50 = vector.shape_cast %get3A_49 : vector<16xi32> to vector<16xi32>
    %shift_right_logical3A_51 = arith.constant 17 : i32
    %shift_right_logical3A_52 = vector.broadcast %shift_right_logical3A_51 : i32 to vector<16xi32>
    %shift_right_logical3A_53 = arith.shrui %get3A_50, %shift_right_logical3A_52 : vector<16xi32>
    %shift_left3A_54 = arith.constant 14 : i32
    %shift_left3A_55 = vector.broadcast %shift_left3A_54 : i32 to vector<16xi32>
    %shift_left3A_56 = arith.shli %shift_right_logical3A_53, %shift_left3A_55 : vector<16xi32>
    %and3A_57 = arith.constant 16383 : i32
    %and3A_58 = vector.broadcast %and3A_57 : i32 to vector<16xi32>
    %and3A_59 = arith.andi %get3A_50, %and3A_58 : vector<16xi32>
    %or3A_60 = arith.ori %shift_left3A_56, %and3A_59 : vector<16xi32>
    %swap3A_61 = arith.constant 48 : index
    %swap3A_62 = tpu.vector_load %arg6[%swap3A_61] {strides = array<i32>} : memref<512xi32, #tpu.memory_space<vmem>>, vector<16xi32>,
    %swap3A_63 = vector.shape_cast %swap3A_62 : vector<16xi32> to vector<16xi32>
    %swap3A_64 = vector.shape_cast %or3A_60 : vector<16xi32> to vector<16xi32>
    tpu.vector_store %arg6[%swap3A_61], %swap3A_64 {strides = array<i32>} : memref<512xi32, #tpu.memory_space<vmem>>, vector<16xi32>,
    %get3A_65 = arith.constant 64 : index
    %get3A_66 = tpu.vector_load %arg5[%get3A_65] {strides = array<i32>} : memref<512xi32, #tpu.memory_space<vmem>>, vector<16xi32>,
    %get3A_67 = vector.shape_cast %get3A_66 : vector<16xi32> to vector<16xi32>
    %shift_right_logical3A_68 = arith.constant 17 : i32
    %shift_right_logical3A_69 = vector.broadcast %shift_right_logical3A_68 : i32 to vector<16xi32>
    %shift_right_logical3A_70 = arith.shrui %get3A_67, %shift_right_logical3A_69 : vector<16xi32>
    %shift_left3A_71 = arith.constant 14 : i32
    %shift_left3A_72 = vector.broadcast %shift_left3A_71 : i32 to vector<16xi32>
    %shift_left3A_73 = arith.shli %shift_right_logical3A_70, %shift_left3A_72 : vector<16xi32>
    %and3A_74 = arith.constant 16383 : i32
    %and3A_75 = vector.broadcast %and3A_74 : i32 to vector<16xi32>
    %and3A_76 = arith.andi %get3A_67, %and3A_75 : vector<16xi32>
    %or3A_77 = arith.ori %shift_left3A_73, %and3A_76 : vector<16xi32>
    %swap3A_78 = arith.constant 64 : index
    %swap3A_79 = tpu.vector_load %arg6[%swap3A_78] {strides = array<i32>} : memref<512xi32, #tpu.memory_space<vmem>>, vector<16xi32>,
    %swap3A_80 = vector.shape_cast %swap3A_79 : vector<16xi32> to vector<16xi32>
    %swap3A_81 = vector.shape_cast %or3A_77 : vector<16xi32> to vector<16xi32>
    tpu.vector_store %arg6[%swap3A_78], %swap3A_81 {strides = array<i32>} : memref<512xi32, #tpu.memory_space<vmem>>, vector<16xi32>,
    %get3A_82 = arith.constant 80 : index
    %get3A_83 = tpu.vector_load %arg5[%get3A_82] {strides = array<i32>} : memref<512xi32, #tpu.memory_space<vmem>>, vector<16xi32>,
    %get3A_84 = vector.shape_cast %get3A_83 : vector<16xi32> to vector<16xi32>
    %shift_right_logical3A_85 = arith.constant 17 : i32
    %shift_right_logical3A_86 = vector.broadcast %shift_right_logical3A_85 : i32 to vector<16xi32>
    %shift_right_logical3A_87 = arith.shrui %get3A_84, %shift_right_logical3A_86 : vector<16xi32>
    %shift_left3A_88 = arith.constant 14 : i32
    %shift_left3A_89 = vector.broadcast %shift_left3A_88 : i32 to vector<16xi32>
    %shift_left3A_90 = arith.shli %shift_right_logical3A_87, %shift_left3A_89 : vector<16xi32>
    %and3A_91 = arith.constant 16383 : i32
    %and3A_92 = vector.broadcast %and3A_91 : i32 to vector<16xi32>
    %and3A_93 = arith.andi %get3A_84, %and3A_92 : vector<16xi32>
    %or3A_94 = arith.ori %shift_left3A_90, %and3A_93 : vector<16xi32>
    %swap3A_95 = arith.constant 80 : index
    %swap3A_96 = tpu.vector_load %arg6[%swap3A_95] {strides = array<i32>} : memref<512xi32, #tpu.memory_space<vmem>>, vector<16xi32>,
    %swap3A_97 = vector.shape_cast %swap3A_96 : vector<16xi32> to vector<16xi32>
    %swap3A_98 = vector.shape_cast %or3A_94 : vector<16xi32> to vector<16xi32>
    tpu.vector_store %arg6[%swap3A_95], %swap3A_98 {strides = array<i32>} : memref<512xi32, #tpu.memory_space<vmem>>, vector<16xi32>,
    %get3A_99 = arith.constant 96 : index
    %get3A_100 = tpu.vector_load %arg5[%get3A_99] {strides = array<i32>} : memref<512xi32, #tpu.memory_space<vmem>>, vector<16xi32>,
    %get3A_101 = vector.shape_cast %get3A_100 : vector<16xi32> to vector<16xi32>
    %shift_right_logical3A_102 = arith.constant 17 : i32
    %shift_right_logical3A_103 = vector.broadcast %shift_right_logical3A_102 : i32 to vector<16xi32>
    %shift_right_logical3A_104 = arith.shrui %get3A_101, %shift_right_logical3A_103 : vector<16xi32>
    %shift_left3A_105 = arith.constant 14 : i32
    %shift_left3A_106 = vector.broadcast %shift_left3A_105 : i32 to vector<16xi32>
    %shift_left3A_107 = arith.shli %shift_right_logical3A_104, %shift_left3A_106 : vector<16xi32>
    %and3A_108 = arith.constant 16383 : i32
    %and3A_109 = vector.broadcast %and3A_108 : i32 to vector<16xi32>
    %and3A_110 = arith.andi %get3A_101, %and3A_109 : vector<16xi32>
    %or3A_111 = arith.ori %shift_left3A_107, %and3A_110 : vector<16xi32>
    %swap3A_112 = arith.constant 96 : index
    %swap3A_113 = tpu.vector_load %arg6[%swap3A_112] {strides = array<i32>} : memref<512xi32, #tpu.memory_space<vmem>>, vector<16xi32>,
    %swap3A_114 = vector.shape_cast %swap3A_113 : vector<16xi32> to vector<16xi32>
    %swap3A_115 = vector.shape_cast %or3A_111 : vector<16xi32> to vector<16xi32>
    tpu.vector_store %arg6[%swap3A_112], %swap3A_115 {strides = array<i32>} : memref<512xi32, #tpu.memory_space<vmem>>, vector<16xi32>,
    %get3A_116 = arith.constant 112 : index
    %get3A_117 = tpu.vector_load %arg5[%get3A_116] {strides = array<i32>} : memref<512xi32, #tpu.memory_space<vmem>>, vector<16xi32>,
    %get3A_118 = vector.shape_cast %get3A_117 : vector<16xi32> to vector<16xi32>
    %shift_right_logical3A_119 = arith.constant 17 : i32
    %shift_right_logical3A_120 = vector.broadcast %shift_right_logical3A_119 : i32 to vector<16xi32>
    %shift_right_logical3A_121 = arith.shrui %get3A_118, %shift_right_logical3A_120 : vector<16xi32>
    %shift_left3A_122 = arith.constant 14 : i32
    %shift_left3A_123 = vector.broadcast %shift_left3A_122 : i32 to vector<16xi32>
    %shift_left3A_124 = arith.shli %shift_right_logical3A_121, %shift_left3A_123 : vector<16xi32>
    %and3A_125 = arith.constant 16383 : i32
    %and3A_126 = vector.broadcast %and3A_125 : i32 to vector<16xi32>
    %and3A_127 = arith.andi %get3A_118, %and3A_126 : vector<16xi32>
    %or3A_128 = arith.ori %shift_left3A_124, %and3A_127 : vector<16xi32>
    %swap3A_129 = arith.constant 112 : index
    %swap3A_130 = tpu.vector_load %arg6[%swap3A_129] {strides = array<i32>} : memref<512xi32, #tpu.memory_space<vmem>>, vector<16xi32>,
    %swap3A_131 = vector.shape_cast %swap3A_130 : vector<16xi32> to vector<16xi32>
    %swap3A_132 = vector.shape_cast %or3A_128 : vector<16xi32> to vector<16xi32>
    tpu.vector_store %arg6[%swap3A_129], %swap3A_132 {strides = array<i32>} : memref<512xi32, #tpu.memory_space<vmem>>, vector<16xi32>,
    %get3A_133 = arith.constant 128 : index
    %get3A_134 = tpu.vector_load %arg5[%get3A_133] {strides = array<i32>} : memref<512xi32, #tpu.memory_space<vmem>>, vector<16xi32>,
    %get3A_135 = vector.shape_cast %get3A_134 : vector<16xi32> to vector<16xi32>
    %shift_right_logical3A_136 = arith.constant 17 : i32
    %shift_right_logical3A_137 = vector.broadcast %shift_right_logical3A_136 : i32 to vector<16xi32>
    %shift_right_logical3A_138 = arith.shrui %get3A_135, %shift_right_logical3A_137 : vector<16xi32>
    %shift_left3A_139 = arith.constant 14 : i32
    %shift_left3A_140 = vector.broadcast %shift_left3A_139 : i32 to vector<16xi32>
    %shift_left3A_141 = arith.shli %shift_right_logical3A_138, %shift_left3A_140 : vector<16xi32>
    %and3A_142 = arith.constant 16383 : i32
    %and3A_143 = vector.broadcast %and3A_142 : i32 to vector<16xi32>
    %and3A_144 = arith.andi %get3A_135, %and3A_143 : vector<16xi32>
    %or3A_145 = arith.ori %shift_left3A_141, %and3A_144 : vector<16xi32>
    %swap3A_146 = arith.constant 128 : index
    %swap3A_147 = tpu.vector_load %arg6[%swap3A_146] {strides = array<i32>} : memref<512xi32, #tpu.memory_space<vmem>>, vector<16xi32>,
    %swap3A_148 = vector.shape_cast %swap3A_147 : vector<16xi32> to vector<16xi32>
    %swap3A_149 = vector.shape_cast %or3A_145 : vector<16xi32> to vector<16xi32>
    tpu.vector_store %arg6[%swap3A_146], %swap3A_149 {strides = array<i32>} : memref<512xi32, #tpu.memory_space<vmem>>, vector<16xi32>,
    %get3A_150 = arith.constant 144 : index
    %get3A_151 = tpu.vector_load %arg5[%get3A_150] {strides = array<i32>} : memref<512xi32, #tpu.memory_space<vmem>>, vector<16xi32>,
    %get3A_152 = vector.shape_cast %get3A_151 : vector<16xi32> to vector<16xi32>
    %shift_right_logical3A_153 = arith.constant 17 : i32
    %shift_right_logical3A_154 = vector.broadcast %shift_right_logical3A_153 : i32 to vector<16xi32>
    %shift_right_logical3A_155 = arith.shrui %get3A_152, %shift_right_logical3A_154 : vector<16xi32>
    %shift_left3A_156 = arith.constant 14 : i32
    %shift_left3A_157 = vector.broadcast %shift_left3A_156 : i32 to vector<16xi32>
    %shift_left3A_158 = arith.shli %shift_right_logical3A_155, %shift_left3A_157 : vector<16xi32>
    %and3A_159 = arith.constant 16383 : i32
    %and3A_160 = vector.broadcast %and3A_159 : i32 to vector<16xi32>
    %and3A_161 = arith.andi %get3A_152, %and3A_160 : vector<16xi32>
    %or3A_162 = arith.ori %shift_left3A_158, %and3A_161 : vector<16xi32>
    %swap3A_163 = arith.constant 144 : index
    %swap3A_164 = tpu.vector_load %arg6[%swap3A_163] {strides = array<i32>} : memref<512xi32, #tpu.memory_space<vmem>>, vector<16xi32>,
    %swap3A_165 = vector.shape_cast %swap3A_164 : vector<16xi32> to vector<16xi32>
    %swap3A_166 = vector.shape_cast %or3A_162 : vector<16xi32> to vector<16xi32>
    tpu.vector_store %arg6[%swap3A_163], %swap3A_166 {strides = array<i32>} : memref<512xi32, #tpu.memory_space<vmem>>, vector<16xi32>,
    %get3A_167 = arith.constant 160 : index
    %get3A_168 = tpu.vector_load %arg5[%get3A_167] {strides = array<i32>} : memref<512xi32, #tpu.memory_space<vmem>>, vector<16xi32>,
    %get3A_169 = vector.shape_cast %get3A_168 : vector<16xi32> to vector<16xi32>
    %shift_right_logical3A_170 = arith.constant 17 : i32
    %shift_right_logical3A_171 = vector.broadcast %shift_right_logical3A_170 : i32 to vector<16xi32>
    %shift_right_logical3A_172 = arith.shrui %get3A_169, %shift_right_logical3A_171 : vector<16xi32>
    %shift_left3A_173 = arith.constant 14 : i32
    %shift_left3A_174 = vector.broadcast %shift_left3A_173 : i32 to vector<16xi32>
    %shift_left3A_175 = arith.shli %shift_right_logical3A_172, %shift_left3A_174 : vector<16xi32>
    %and3A_176 = arith.constant 16383 : i32
    %and3A_177 = vector.broadcast %and3A_176 : i32 to vector<16xi32>
    %and3A_178 = arith.andi %get3A_169, %and3A_177 : vector<16xi32>
    %or3A_179 = arith.ori %shift_left3A_175, %and3A_178 : vector<16xi32>
    %swap3A_180 = arith.constant 160 : index
    %swap3A_181 = tpu.vector_load %arg6[%swap3A_180] {strides = array<i32>} : memref<512xi32, #tpu.memory_space<vmem>>, vector<16xi32>,
    %swap3A_182 = vector.shape_cast %swap3A_181 : vector<16xi32> to vector<16xi32>
    %swap3A_183 = vector.shape_cast %or3A_179 : vector<16xi32> to vector<16xi32>
    tpu.vector_store %arg6[%swap3A_180], %swap3A_183 {strides = array<i32>} : memref<512xi32, #tpu.memory_space<vmem>>, vector<16xi32>,
    %get3A_184 = arith.constant 176 : index
    %get3A_185 = tpu.vector_load %arg5[%get3A_184] {strides = array<i32>} : memref<512xi32, #tpu.memory_space<vmem>>, vector<16xi32>,
    %get3A_186 = vector.shape_cast %get3A_185 : vector<16xi32> to vector<16xi32>
    %shift_right_logical3A_187 = arith.constant 17 : i32
    %shift_right_logical3A_188 = vector.broadcast %shift_right_logical3A_187 : i32 to vector<16xi32>
    %shift_right_logical3A_189 = arith.shrui %get3A_186, %shift_right_logical3A_188 : vector<16xi32>
    %shift_left3A_190 = arith.constant 14 : i32
    %shift_left3A_191 = vector.broadcast %shift_left3A_190 : i32 to vector<16xi32>
    %shift_left3A_192 = arith.shli %shift_right_logical3A_189, %shift_left3A_191 : vector<16xi32>
    %and3A_193 = arith.constant 16383 : i32
    %and3A_194 = vector.broadcast %and3A_193 : i32 to vector<16xi32>
    %and3A_195 = arith.andi %get3A_186, %and3A_194 : vector<16xi32>
    %or3A_196 = arith.ori %shift_left3A_192, %and3A_195 : vector<16xi32>
    %swap3A_197 = arith.constant 176 : index
    %swap3A_198 = tpu.vector_load %arg6[%swap3A_197] {strides = array<i32>} : memref<512xi32, #tpu.memory_space<vmem>>, vector<16xi32>,
    %swap3A_199 = vector.shape_cast %swap3A_198 : vector<16xi32> to vector<16xi32>
    %swap3A_200 = vector.shape_cast %or3A_196 : vector<16xi32> to vector<16xi32>
    tpu.vector_store %arg6[%swap3A_197], %swap3A_200 {strides = array<i32>} : memref<512xi32, #tpu.memory_space<vmem>>, vector<16xi32>,
    %get3A_201 = arith.constant 192 : index
    %get3A_202 = tpu.vector_load %arg5[%get3A_201] {strides = array<i32>} : memref<512xi32, #tpu.memory_space<vmem>>, vector<16xi32>,
    %get3A_203 = vector.shape_cast %get3A_202 : vector<16xi32> to vector<16xi32>
    %shift_right_logical3A_204 = arith.constant 17 : i32
    %shift_right_logical3A_205 = vector.broadcast %shift_right_logical3A_204 : i32 to vector<16xi32>
    %shift_right_logical3A_206 = arith.shrui %get3A_203, %shift_right_logical3A_205 : vector<16xi32>
    %shift_left3A_207 = arith.constant 14 : i32
    %shift_left3A_208 = vector.broadcast %shift_left3A_207 : i32 to vector<16xi32>
    %shift_left3A_209 = arith.shli %shift_right_logical3A_206, %shift_left3A_208 : vector<16xi32>
    %and3A_210 = arith.constant 16383 : i32
    %and3A_211 = vector.broadcast %and3A_210 : i32 to vector<16xi32>
    %and3A_212 = arith.andi %get3A_203, %and3A_211 : vector<16xi32>
    %or3A_213 = arith.ori %shift_left3A_209, %and3A_212 : vector<16xi32>
    %swap3A_214 = arith.constant 192 : index
    %swap3A_215 = tpu.vector_load %arg6[%swap3A_214] {strides = array<i32>} : memref<512xi32, #tpu.memory_space<vmem>>, vector<16xi32>,
    %swap3A_216 = vector.shape_cast %swap3A_215 : vector<16xi32> to vector<16xi32>
    %swap3A_217 = vector.shape_cast %or3A_213 : vector<16xi32> to vector<16xi32>
    tpu.vector_store %arg6[%swap3A_214], %swap3A_217 {strides = array<i32>} : memref<512xi32, #tpu.memory_space<vmem>>, vector<16xi32>,
    %get3A_218 = arith.constant 208 : index
    %get3A_219 = tpu.vector_load %arg5[%get3A_218] {strides = array<i32>} : memref<512xi32, #tpu.memory_space<vmem>>, vector<16xi32>,
    %get3A_220 = vector.shape_cast %get3A_219 : vector<16xi32> to vector<16xi32>
    %shift_right_logical3A_221 = arith.constant 17 : i32
    %shift_right_logical3A_222 = vector.broadcast %shift_right_logical3A_221 : i32 to vector<16xi32>
    %shift_right_logical3A_223 = arith.shrui %get3A_220, %shift_right_logical3A_222 : vector<16xi32>
    %shift_left3A_224 = arith.constant 14 : i32
    %shift_left3A_225 = vector.broadcast %shift_left3A_224 : i32 to vector<16xi32>
    %shift_left3A_226 = arith.shli %shift_right_logical3A_223, %shift_left3A_225 : vector<16xi32>
    %and3A_227 = arith.constant 16383 : i32
    %and3A_228 = vector.broadcast %and3A_227 : i32 to vector<16xi32>
    %and3A_229 = arith.andi %get3A_220, %and3A_228 : vector<16xi32>
    %or3A_230 = arith.ori %shift_left3A_226, %and3A_229 : vector<16xi32>
    %swap3A_231 = arith.constant 208 : index
    %swap3A_232 = tpu.vector_load %arg6[%swap3A_231] {strides = array<i32>} : memref<512xi32, #tpu.memory_space<vmem>>, vector<16xi32>,
    %swap3A_233 = vector.shape_cast %swap3A_232 : vector<16xi32> to vector<16xi32>
    %swap3A_234 = vector.shape_cast %or3A_230 : vector<16xi32> to vector<16xi32>
    tpu.vector_store %arg6[%swap3A_231], %swap3A_234 {strides = array<i32>} : memref<512xi32, #tpu.memory_space<vmem>>, vector<16xi32>,
    %get3A_235 = arith.constant 224 : index
    %get3A_236 = tpu.vector_load %arg5[%get3A_235] {strides = array<i32>} : memref<512xi32, #tpu.memory_space<vmem>>, vector<16xi32>,
    %get3A_237 = vector.shape_cast %get3A_236 : vector<16xi32> to vector<16xi32>
    %shift_right_logical3A_238 = arith.constant 17 : i32
    %shift_right_logical3A_239 = vector.broadcast %shift_right_logical3A_238 : i32 to vector<16xi32>
    %shift_right_logical3A_240 = arith.shrui %get3A_237, %shift_right_logical3A_239 : vector<16xi32>
    %shift_left3A_241 = arith.constant 14 : i32
    %shift_left3A_242 = vector.broadcast %shift_left3A_241 : i32 to vector<16xi32>
    %shift_left3A_243 = arith.shli %shift_right_logical3A_240, %shift_left3A_242 : vector<16xi32>
    %and3A_244 = arith.constant 16383 : i32
    %and3A_245 = vector.broadcast %and3A_244 : i32 to vector<16xi32>
    %and3A_246 = arith.andi %get3A_237, %and3A_245 : vector<16xi32>
    %or3A_247 = arith.ori %shift_left3A_243, %and3A_246 : vector<16xi32>
    %swap3A_248 = arith.constant 224 : index
    %swap3A_249 = tpu.vector_load %arg6[%swap3A_248] {strides = array<i32>} : memref<512xi32, #tpu.memory_space<vmem>>, vector<16xi32>,
    %swap3A_250 = vector.shape_cast %swap3A_249 : vector<16xi32> to vector<16xi32>
    %swap3A_251 = vector.shape_cast %or3A_247 : vector<16xi32> to vector<16xi32>
    tpu.vector_store %arg6[%swap3A_248], %swap3A_251 {strides = array<i32>} : memref<512xi32, #tpu.memory_space<vmem>>, vector<16xi32>,
    %get3A_252 = arith.constant 240 : index
    %get3A_253 = tpu.vector_load %arg5[%get3A_252] {strides = array<i32>} : memref<512xi32, #tpu.memory_space<vmem>>, vector<16xi32>,
    %get3A_254 = vector.shape_cast %get3A_253 : vector<16xi32> to vector<16xi32>
    %shift_right_logical3A_255 = arith.constant 17 : i32
    %shift_right_logical3A_256 = vector.broadcast %shift_right_logical3A_255 : i32 to vector<16xi32>
    %shift_right_logical3A_257 = arith.shrui %get3A_254, %shift_right_logical3A_256 : vector<16xi32>
    %shift_left3A_258 = arith.constant 14 : i32
    %shift_left3A_259 = vector.broadcast %shift_left3A_258 : i32 to vector<16xi32>
    %shift_left3A_260 = arith.shli %shift_right_logical3A_257, %shift_left3A_259 : vector<16xi32>
    %and3A_261 = arith.constant 16383 : i32
    %and3A_262 = vector.broadcast %and3A_261 : i32 to vector<16xi32>
    %and3A_263 = arith.andi %get3A_254, %and3A_262 : vector<16xi32>
    %or3A_264 = arith.ori %shift_left3A_260, %and3A_263 : vector<16xi32>
    %swap3A_265 = arith.constant 240 : index
    %swap3A_266 = tpu.vector_load %arg6[%swap3A_265] {strides = array<i32>} : memref<512xi32, #tpu.memory_space<vmem>>, vector<16xi32>,
    %swap3A_267 = vector.shape_cast %swap3A_266 : vector<16xi32> to vector<16xi32>
    %swap3A_268 = vector.shape_cast %or3A_264 : vector<16xi32> to vector<16xi32>
    tpu.vector_store %arg6[%swap3A_265], %swap3A_268 {strides = array<i32>} : memref<512xi32, #tpu.memory_space<vmem>>, vector<16xi32>,
    %get3A_269 = arith.constant 256 : index
    %get3A_270 = tpu.vector_load %arg5[%get3A_269] {strides = array<i32>} : memref<512xi32, #tpu.memory_space<vmem>>, vector<16xi32>,
    %get3A_271 = vector.shape_cast %get3A_270 : vector<16xi32> to vector<16xi32>
    %shift_right_logical3A_272 = arith.constant 17 : i32
    %shift_right_logical3A_273 = vector.broadcast %shift_right_logical3A_272 : i32 to vector<16xi32>
    %shift_right_logical3A_274 = arith.shrui %get3A_271, %shift_right_logical3A_273 : vector<16xi32>
    %shift_left3A_275 = arith.constant 14 : i32
    %shift_left3A_276 = vector.broadcast %shift_left3A_275 : i32 to vector<16xi32>
    %shift_left3A_277 = arith.shli %shift_right_logical3A_274, %shift_left3A_276 : vector<16xi32>
    %and3A_278 = arith.constant 16383 : i32
    %and3A_279 = vector.broadcast %and3A_278 : i32 to vector<16xi32>
    %and3A_280 = arith.andi %get3A_271, %and3A_279 : vector<16xi32>
    %or3A_281 = arith.ori %shift_left3A_277, %and3A_280 : vector<16xi32>
    %swap3A_282 = arith.constant 256 : index
    %swap3A_283 = tpu.vector_load %arg6[%swap3A_282] {strides = array<i32>} : memref<512xi32, #tpu.memory_space<vmem>>, vector<16xi32>,
    %swap3A_284 = vector.shape_cast %swap3A_283 : vector<16xi32> to vector<16xi32>
    %swap3A_285 = vector.shape_cast %or3A_281 : vector<16xi32> to vector<16xi32>
    tpu.vector_store %arg6[%swap3A_282], %swap3A_285 {strides = array<i32>} : memref<512xi32, #tpu.memory_space<vmem>>, vector<16xi32>,
    %get3A_286 = arith.constant 272 : index
    %get3A_287 = tpu.vector_load %arg5[%get3A_286] {strides = array<i32>} : memref<512xi32, #tpu.memory_space<vmem>>, vector<16xi32>,
    %get3A_288 = vector.shape_cast %get3A_287 : vector<16xi32> to vector<16xi32>
    %shift_right_logical3A_289 = arith.constant 17 : i32
    %shift_right_logical3A_290 = vector.broadcast %shift_right_logical3A_289 : i32 to vector<16xi32>
    %shift_right_logical3A_291 = arith.shrui %get3A_288, %shift_right_logical3A_290 : vector<16xi32>
    %shift_left3A_292 = arith.constant 14 : i32
    %shift_left3A_293 = vector.broadcast %shift_left3A_292 : i32 to vector<16xi32>
    %shift_left3A_294 = arith.shli %shift_right_logical3A_291, %shift_left3A_293 : vector<16xi32>
    %and3A_295 = arith.constant 16383 : i32
    %and3A_296 = vector.broadcast %and3A_295 : i32 to vector<16xi32>
    %and3A_297 = arith.andi %get3A_288, %and3A_296 : vector<16xi32>
    %or3A_298 = arith.ori %shift_left3A_294, %and3A_297 : vector<16xi32>
    %swap3A_299 = arith.constant 272 : index
    %swap3A_300 = tpu.vector_load %arg6[%swap3A_299] {strides = array<i32>} : memref<512xi32, #tpu.memory_space<vmem>>, vector<16xi32>,
    %swap3A_301 = vector.shape_cast %swap3A_300 : vector<16xi32> to vector<16xi32>
    %swap3A_302 = vector.shape_cast %or3A_298 : vector<16xi32> to vector<16xi32>
    tpu.vector_store %arg6[%swap3A_299], %swap3A_302 {strides = array<i32>} : memref<512xi32, #tpu.memory_space<vmem>>, vector<16xi32>,
    %get3A_303 = arith.constant 288 : index
    %get3A_304 = tpu.vector_load %arg5[%get3A_303] {strides = array<i32>} : memref<512xi32, #tpu.memory_space<vmem>>, vector<16xi32>,
    %get3A_305 = vector.shape_cast %get3A_304 : vector<16xi32> to vector<16xi32>
    %shift_right_logical3A_306 = arith.constant 17 : i32
    %shift_right_logical3A_307 = vector.broadcast %shift_right_logical3A_306 : i32 to vector<16xi32>
    %shift_right_logical3A_308 = arith.shrui %get3A_305, %shift_right_logical3A_307 : vector<16xi32>
    %shift_left3A_309 = arith.constant 14 : i32
    %shift_left3A_310 = vector.broadcast %shift_left3A_309 : i32 to vector<16xi32>
    %shift_left3A_311 = arith.shli %shift_right_logical3A_308, %shift_left3A_310 : vector<16xi32>
    %and3A_312 = arith.constant 16383 : i32
    %and3A_313 = vector.broadcast %and3A_312 : i32 to vector<16xi32>
    %and3A_314 = arith.andi %get3A_305, %and3A_313 : vector<16xi32>
    %or3A_315 = arith.ori %shift_left3A_311, %and3A_314 : vector<16xi32>
    %swap3A_316 = arith.constant 288 : index
    %swap3A_317 = tpu.vector_load %arg6[%swap3A_316] {strides = array<i32>} : memref<512xi32, #tpu.memory_space<vmem>>, vector<16xi32>,
    %swap3A_318 = vector.shape_cast %swap3A_317 : vector<16xi32> to vector<16xi32>
    %swap3A_319 = vector.shape_cast %or3A_315 : vector<16xi32> to vector<16xi32>
    tpu.vector_store %arg6[%swap3A_316], %swap3A_319 {strides = array<i32>} : memref<512xi32, #tpu.memory_space<vmem>>, vector<16xi32>,
    %get3A_320 = arith.constant 304 : index
    %get3A_321 = tpu.vector_load %arg5[%get3A_320] {strides = array<i32>} : memref<512xi32, #tpu.memory_space<vmem>>, vector<16xi32>,
    %get3A_322 = vector.shape_cast %get3A_321 : vector<16xi32> to vector<16xi32>
    %shift_right_logical3A_323 = arith.constant 17 : i32
    %shift_right_logical3A_324 = vector.broadcast %shift_right_logical3A_323 : i32 to vector<16xi32>
    %shift_right_logical3A_325 = arith.shrui %get3A_322, %shift_right_logical3A_324 : vector<16xi32>
    %shift_left3A_326 = arith.constant 14 : i32
    %shift_left3A_327 = vector.broadcast %shift_left3A_326 : i32 to vector<16xi32>
    %shift_left3A_328 = arith.shli %shift_right_logical3A_325, %shift_left3A_327 : vector<16xi32>
    %and3A_329 = arith.constant 16383 : i32
    %and3A_330 = vector.broadcast %and3A_329 : i32 to vector<16xi32>
    %and3A_331 = arith.andi %get3A_322, %and3A_330 : vector<16xi32>
    %or3A_332 = arith.ori %shift_left3A_328, %and3A_331 : vector<16xi32>
    %swap3A_333 = arith.constant 304 : index
    %swap3A_334 = tpu.vector_load %arg6[%swap3A_333] {strides = array<i32>} : memref<512xi32, #tpu.memory_space<vmem>>, vector<16xi32>,
    %swap3A_335 = vector.shape_cast %swap3A_334 : vector<16xi32> to vector<16xi32>
    %swap3A_336 = vector.shape_cast %or3A_332 : vector<16xi32> to vector<16xi32>
    tpu.vector_store %arg6[%swap3A_333], %swap3A_336 {strides = array<i32>} : memref<512xi32, #tpu.memory_space<vmem>>, vector<16xi32>,
    %get3A_337 = arith.constant 320 : index
    %get3A_338 = tpu.vector_load %arg5[%get3A_337] {strides = array<i32>} : memref<512xi32, #tpu.memory_space<vmem>>, vector<16xi32>,
    %get3A_339 = vector.shape_cast %get3A_338 : vector<16xi32> to vector<16xi32>
    %shift_right_logical3A_340 = arith.constant 17 : i32
    %shift_right_logical3A_341 = vector.broadcast %shift_right_logical3A_340 : i32 to vector<16xi32>
    %shift_right_logical3A_342 = arith.shrui %get3A_339, %shift_right_logical3A_341 : vector<16xi32>
    %shift_left3A_343 = arith.constant 14 : i32
    %shift_left3A_344 = vector.broadcast %shift_left3A_343 : i32 to vector<16xi32>
    %shift_left3A_345 = arith.shli %shift_right_logical3A_342, %shift_left3A_344 : vector<16xi32>
    %and3A_346 = arith.constant 16383 : i32
    %and3A_347 = vector.broadcast %and3A_346 : i32 to vector<16xi32>
    %and3A_348 = arith.andi %get3A_339, %and3A_347 : vector<16xi32>
    %or3A_349 = arith.ori %shift_left3A_345, %and3A_348 : vector<16xi32>
    %swap3A_350 = arith.constant 320 : index
    %swap3A_351 = tpu.vector_load %arg6[%swap3A_350] {strides = array<i32>} : memref<512xi32, #tpu.memory_space<vmem>>, vector<16xi32>,
    %swap3A_352 = vector.shape_cast %swap3A_351 : vector<16xi32> to vector<16xi32>
    %swap3A_353 = vector.shape_cast %or3A_349 : vector<16xi32> to vector<16xi32>
    tpu.vector_store %arg6[%swap3A_350], %swap3A_353 {strides = array<i32>} : memref<512xi32, #tpu.memory_space<vmem>>, vector<16xi32>,
    %get3A_354 = arith.constant 336 : index
    %get3A_355 = tpu.vector_load %arg5[%get3A_354] {strides = array<i32>} : memref<512xi32, #tpu.memory_space<vmem>>, vector<16xi32>,
    %get3A_356 = vector.shape_cast %get3A_355 : vector<16xi32> to vector<16xi32>
    %shift_right_logical3A_357 = arith.constant 17 : i32
    %shift_right_logical3A_358 = vector.broadcast %shift_right_logical3A_357 : i32 to vector<16xi32>
    %shift_right_logical3A_359 = arith.shrui %get3A_356, %shift_right_logical3A_358 : vector<16xi32>
    %shift_left3A_360 = arith.constant 14 : i32
    %shift_left3A_361 = vector.broadcast %shift_left3A_360 : i32 to vector<16xi32>
    %shift_left3A_362 = arith.shli %shift_right_logical3A_359, %shift_left3A_361 : vector<16xi32>
    %and3A_363 = arith.constant 16383 : i32
    %and3A_364 = vector.broadcast %and3A_363 : i32 to vector<16xi32>
    %and3A_365 = arith.andi %get3A_356, %and3A_364 : vector<16xi32>
    %or3A_366 = arith.ori %shift_left3A_362, %and3A_365 : vector<16xi32>
    %swap3A_367 = arith.constant 336 : index
    %swap3A_368 = tpu.vector_load %arg6[%swap3A_367] {strides = array<i32>} : memref<512xi32, #tpu.memory_space<vmem>>, vector<16xi32>,
    %swap3A_369 = vector.shape_cast %swap3A_368 : vector<16xi32> to vector<16xi32>
    %swap3A_370 = vector.shape_cast %or3A_366 : vector<16xi32> to vector<16xi32>
    tpu.vector_store %arg6[%swap3A_367], %swap3A_370 {strides = array<i32>} : memref<512xi32, #tpu.memory_space<vmem>>, vector<16xi32>,
    %get3A_371 = arith.constant 352 : index
    %get3A_372 = tpu.vector_load %arg5[%get3A_371] {strides = array<i32>} : memref<512xi32, #tpu.memory_space<vmem>>, vector<16xi32>,
    %get3A_373 = vector.shape_cast %get3A_372 : vector<16xi32> to vector<16xi32>
    %shift_right_logical3A_374 = arith.constant 17 : i32
    %shift_right_logical3A_375 = vector.broadcast %shift_right_logical3A_374 : i32 to vector<16xi32>
    %shift_right_logical3A_376 = arith.shrui %get3A_373, %shift_right_logical3A_375 : vector<16xi32>
    %shift_left3A_377 = arith.constant 14 : i32
    %shift_left3A_378 = vector.broadcast %shift_left3A_377 : i32 to vector<16xi32>
    %shift_left3A_379 = arith.shli %shift_right_logical3A_376, %shift_left3A_378 : vector<16xi32>
    %and3A_380 = arith.constant 16383 : i32
    %and3A_381 = vector.broadcast %and3A_380 : i32 to vector<16xi32>
    %and3A_382 = arith.andi %get3A_373, %and3A_381 : vector<16xi32>
    %or3A_383 = arith.ori %shift_left3A_379, %and3A_382 : vector<16xi32>
    %swap3A_384 = arith.constant 352 : index
    %swap3A_385 = tpu.vector_load %arg6[%swap3A_384] {strides = array<i32>} : memref<512xi32, #tpu.memory_space<vmem>>, vector<16xi32>,
    %swap3A_386 = vector.shape_cast %swap3A_385 : vector<16xi32> to vector<16xi32>
    %swap3A_387 = vector.shape_cast %or3A_383 : vector<16xi32> to vector<16xi32>
    tpu.vector_store %arg6[%swap3A_384], %swap3A_387 {strides = array<i32>} : memref<512xi32, #tpu.memory_space<vmem>>, vector<16xi32>,
    %get3A_388 = arith.constant 368 : index
    %get3A_389 = tpu.vector_load %arg5[%get3A_388] {strides = array<i32>} : memref<512xi32, #tpu.memory_space<vmem>>, vector<16xi32>,
    %get3A_390 = vector.shape_cast %get3A_389 : vector<16xi32> to vector<16xi32>
    %shift_right_logical3A_391 = arith.constant 17 : i32
    %shift_right_logical3A_392 = vector.broadcast %shift_right_logical3A_391 : i32 to vector<16xi32>
    %shift_right_logical3A_393 = arith.shrui %get3A_390, %shift_right_logical3A_392 : vector<16xi32>
    %shift_left3A_394 = arith.constant 14 : i32
    %shift_left3A_395 = vector.broadcast %shift_left3A_394 : i32 to vector<16xi32>
    %shift_left3A_396 = arith.shli %shift_right_logical3A_393, %shift_left3A_395 : vector<16xi32>
    %and3A_397 = arith.constant 16383 : i32
    %and3A_398 = vector.broadcast %and3A_397 : i32 to vector<16xi32>
    %and3A_399 = arith.andi %get3A_390, %and3A_398 : vector<16xi32>
    %or3A_400 = arith.ori %shift_left3A_396, %and3A_399 : vector<16xi32>
    %swap3A_401 = arith.constant 368 : index
    %swap3A_402 = tpu.vector_load %arg6[%swap3A_401] {strides = array<i32>} : memref<512xi32, #tpu.memory_space<vmem>>, vector<16xi32>,
    %swap3A_403 = vector.shape_cast %swap3A_402 : vector<16xi32> to vector<16xi32>
    %swap3A_404 = vector.shape_cast %or3A_400 : vector<16xi32> to vector<16xi32>
    tpu.vector_store %arg6[%swap3A_401], %swap3A_404 {strides = array<i32>} : memref<512xi32, #tpu.memory_space<vmem>>, vector<16xi32>,
    %get3A_405 = arith.constant 384 : index
    %get3A_406 = tpu.vector_load %arg5[%get3A_405] {strides = array<i32>} : memref<512xi32, #tpu.memory_space<vmem>>, vector<16xi32>,
    %get3A_407 = vector.shape_cast %get3A_406 : vector<16xi32> to vector<16xi32>
    %shift_right_logical3A_408 = arith.constant 17 : i32
    %shift_right_logical3A_409 = vector.broadcast %shift_right_logical3A_408 : i32 to vector<16xi32>
    %shift_right_logical3A_410 = arith.shrui %get3A_407, %shift_right_logical3A_409 : vector<16xi32>
    %shift_left3A_411 = arith.constant 14 : i32
    %shift_left3A_412 = vector.broadcast %shift_left3A_411 : i32 to vector<16xi32>
    %shift_left3A_413 = arith.shli %shift_right_logical3A_410, %shift_left3A_412 : vector<16xi32>
    %and3A_414 = arith.constant 16383 : i32
    %and3A_415 = vector.broadcast %and3A_414 : i32 to vector<16xi32>
    %and3A_416 = arith.andi %get3A_407, %and3A_415 : vector<16xi32>
    %or3A_417 = arith.ori %shift_left3A_413, %and3A_416 : vector<16xi32>
    %swap3A_418 = arith.constant 384 : index
    %swap3A_419 = tpu.vector_load %arg6[%swap3A_418] {strides = array<i32>} : memref<512xi32, #tpu.memory_space<vmem>>, vector<16xi32>,
    %swap3A_420 = vector.shape_cast %swap3A_419 : vector<16xi32> to vector<16xi32>
    %swap3A_421 = vector.shape_cast %or3A_417 : vector<16xi32> to vector<16xi32>
    tpu.vector_store %arg6[%swap3A_418], %swap3A_421 {strides = array<i32>} : memref<512xi32, #tpu.memory_space<vmem>>, vector<16xi32>,
    %get3A_422 = arith.constant 400 : index
    %get3A_423 = tpu.vector_load %arg5[%get3A_422] {strides = array<i32>} : memref<512xi32, #tpu.memory_space<vmem>>, vector<16xi32>,
    %get3A_424 = vector.shape_cast %get3A_423 : vector<16xi32> to vector<16xi32>
    %shift_right_logical3A_425 = arith.constant 17 : i32
    %shift_right_logical3A_426 = vector.broadcast %shift_right_logical3A_425 : i32 to vector<16xi32>
    %shift_right_logical3A_427 = arith.shrui %get3A_424, %shift_right_logical3A_426 : vector<16xi32>
    %shift_left3A_428 = arith.constant 14 : i32
    %shift_left3A_429 = vector.broadcast %shift_left3A_428 : i32 to vector<16xi32>
    %shift_left3A_430 = arith.shli %shift_right_logical3A_427, %shift_left3A_429 : vector<16xi32>
    %and3A_431 = arith.constant 16383 : i32
    %and3A_432 = vector.broadcast %and3A_431 : i32 to vector<16xi32>
    %and3A_433 = arith.andi %get3A_424, %and3A_432 : vector<16xi32>
    %or3A_434 = arith.ori %shift_left3A_430, %and3A_433 : vector<16xi32>
    %swap3A_435 = arith.constant 400 : index
    %swap3A_436 = tpu.vector_load %arg6[%swap3A_435] {strides = array<i32>} : memref<512xi32, #tpu.memory_space<vmem>>, vector<16xi32>,
    %swap3A_437 = vector.shape_cast %swap3A_436 : vector<16xi32> to vector<16xi32>
    %swap3A_438 = vector.shape_cast %or3A_434 : vector<16xi32> to vector<16xi32>
    tpu.vector_store %arg6[%swap3A_435], %swap3A_438 {strides = array<i32>} : memref<512xi32, #tpu.memory_space<vmem>>, vector<16xi32>,
    %get3A_439 = arith.constant 416 : index
    %get3A_440 = tpu.vector_load %arg5[%get3A_439] {strides = array<i32>} : memref<512xi32, #tpu.memory_space<vmem>>, vector<16xi32>,
    %get3A_441 = vector.shape_cast %get3A_440 : vector<16xi32> to vector<16xi32>
    %shift_right_logical3A_442 = arith.constant 17 : i32
    %shift_right_logical3A_443 = vector.broadcast %shift_right_logical3A_442 : i32 to vector<16xi32>
    %shift_right_logical3A_444 = arith.shrui %get3A_441, %shift_right_logical3A_443 : vector<16xi32>
    %shift_left3A_445 = arith.constant 14 : i32
    %shift_left3A_446 = vector.broadcast %shift_left3A_445 : i32 to vector<16xi32>
    %shift_left3A_447 = arith.shli %shift_right_logical3A_444, %shift_left3A_446 : vector<16xi32>
    %and3A_448 = arith.constant 16383 : i32
    %and3A_449 = vector.broadcast %and3A_448 : i32 to vector<16xi32>
    %and3A_450 = arith.andi %get3A_441, %and3A_449 : vector<16xi32>
    %or3A_451 = arith.ori %shift_left3A_447, %and3A_450 : vector<16xi32>
    %swap3A_452 = arith.constant 416 : index
    %swap3A_453 = tpu.vector_load %arg6[%swap3A_452] {strides = array<i32>} : memref<512xi32, #tpu.memory_space<vmem>>, vector<16xi32>,
    %swap3A_454 = vector.shape_cast %swap3A_453 : vector<16xi32> to vector<16xi32>
    %swap3A_455 = vector.shape_cast %or3A_451 : vector<16xi32> to vector<16xi32>
    tpu.vector_store %arg6[%swap3A_452], %swap3A_455 {strides = array<i32>} : memref<512xi32, #tpu.memory_space<vmem>>, vector<16xi32>,
    %get3A_456 = arith.constant 432 : index
    %get3A_457 = tpu.vector_load %arg5[%get3A_456] {strides = array<i32>} : memref<512xi32, #tpu.memory_space<vmem>>, vector<16xi32>,
    %get3A_458 = vector.shape_cast %get3A_457 : vector<16xi32> to vector<16xi32>
    %shift_right_logical3A_459 = arith.constant 17 : i32
    %shift_right_logical3A_460 = vector.broadcast %shift_right_logical3A_459 : i32 to vector<16xi32>
    %shift_right_logical3A_461 = arith.shrui %get3A_458, %shift_right_logical3A_460 : vector<16xi32>
    %shift_left3A_462 = arith.constant 14 : i32
    %shift_left3A_463 = vector.broadcast %shift_left3A_462 : i32 to vector<16xi32>
    %shift_left3A_464 = arith.shli %shift_right_logical3A_461, %shift_left3A_463 : vector<16xi32>
    %and3A_465 = arith.constant 16383 : i32
    %and3A_466 = vector.broadcast %and3A_465 : i32 to vector<16xi32>
    %and3A_467 = arith.andi %get3A_458, %and3A_466 : vector<16xi32>
    %or3A_468 = arith.ori %shift_left3A_464, %and3A_467 : vector<16xi32>
    %swap3A_469 = arith.constant 432 : index
    %swap3A_470 = tpu.vector_load %arg6[%swap3A_469] {strides = array<i32>} : memref<512xi32, #tpu.memory_space<vmem>>, vector<16xi32>,
    %swap3A_471 = vector.shape_cast %swap3A_470 : vector<16xi32> to vector<16xi32>
    %swap3A_472 = vector.shape_cast %or3A_468 : vector<16xi32> to vector<16xi32>
    tpu.vector_store %arg6[%swap3A_469], %swap3A_472 {strides = array<i32>} : memref<512xi32, #tpu.memory_space<vmem>>, vector<16xi32>,
    %get3A_473 = arith.constant 448 : index
    %get3A_474 = tpu.vector_load %arg5[%get3A_473] {strides = array<i32>} : memref<512xi32, #tpu.memory_space<vmem>>, vector<16xi32>,
    %get3A_475 = vector.shape_cast %get3A_474 : vector<16xi32> to vector<16xi32>
    %shift_right_logical3A_476 = arith.constant 17 : i32
    %shift_right_logical3A_477 = vector.broadcast %shift_right_logical3A_476 : i32 to vector<16xi32>
    %shift_right_logical3A_478 = arith.shrui %get3A_475, %shift_right_logical3A_477 : vector<16xi32>
    %shift_left3A_479 = arith.constant 14 : i32
    %shift_left3A_480 = vector.broadcast %shift_left3A_479 : i32 to vector<16xi32>
    %shift_left3A_481 = arith.shli %shift_right_logical3A_478, %shift_left3A_480 : vector<16xi32>
    %and3A_482 = arith.constant 16383 : i32
    %and3A_483 = vector.broadcast %and3A_482 : i32 to vector<16xi32>
    %and3A_484 = arith.andi %get3A_475, %and3A_483 : vector<16xi32>
    %or3A_485 = arith.ori %shift_left3A_481, %and3A_484 : vector<16xi32>
    %swap3A_486 = arith.constant 448 : index
    %swap3A_487 = tpu.vector_load %arg6[%swap3A_486] {strides = array<i32>} : memref<512xi32, #tpu.memory_space<vmem>>, vector<16xi32>,
    %swap3A_488 = vector.shape_cast %swap3A_487 : vector<16xi32> to vector<16xi32>
    %swap3A_489 = vector.shape_cast %or3A_485 : vector<16xi32> to vector<16xi32>
    tpu.vector_store %arg6[%swap3A_486], %swap3A_489 {strides = array<i32>} : memref<512xi32, #tpu.memory_space<vmem>>, vector<16xi32>,
    %get3A_490 = arith.constant 464 : index
    %get3A_491 = tpu.vector_load %arg5[%get3A_490] {strides = array<i32>} : memref<512xi32, #tpu.memory_space<vmem>>, vector<16xi32>,
    %get3A_492 = vector.shape_cast %get3A_491 : vector<16xi32> to vector<16xi32>
    %shift_right_logical3A_493 = arith.constant 17 : i32
    %shift_right_logical3A_494 = vector.broadcast %shift_right_logical3A_493 : i32 to vector<16xi32>
    %shift_right_logical3A_495 = arith.shrui %get3A_492, %shift_right_logical3A_494 : vector<16xi32>
    %shift_left3A_496 = arith.constant 14 : i32
    %shift_left3A_497 = vector.broadcast %shift_left3A_496 : i32 to vector<16xi32>
    %shift_left3A_498 = arith.shli %shift_right_logical3A_495, %shift_left3A_497 : vector<16xi32>
    %and3A_499 = arith.constant 16383 : i32
    %and3A_500 = vector.broadcast %and3A_499 : i32 to vector<16xi32>
    %and3A_501 = arith.andi %get3A_492, %and3A_500 : vector<16xi32>
    %or3A_502 = arith.ori %shift_left3A_498, %and3A_501 : vector<16xi32>
    %swap3A_503 = arith.constant 464 : index
    %swap3A_504 = tpu.vector_load %arg6[%swap3A_503] {strides = array<i32>} : memref<512xi32, #tpu.memory_space<vmem>>, vector<16xi32>,
    %swap3A_505 = vector.shape_cast %swap3A_504 : vector<16xi32> to vector<16xi32>
    %swap3A_506 = vector.shape_cast %or3A_502 : vector<16xi32> to vector<16xi32>
    tpu.vector_store %arg6[%swap3A_503], %swap3A_506 {strides = array<i32>} : memref<512xi32, #tpu.memory_space<vmem>>, vector<16xi32>,
    %get3A_507 = arith.constant 480 : index
    %get3A_508 = tpu.vector_load %arg5[%get3A_507] {strides = array<i32>} : memref<512xi32, #tpu.memory_space<vmem>>, vector<16xi32>,
    %get3A_509 = vector.shape_cast %get3A_508 : vector<16xi32> to vector<16xi32>
    %shift_right_logical3A_510 = arith.constant 17 : i32
    %shift_right_logical3A_511 = vector.broadcast %shift_right_logical3A_510 : i32 to vector<16xi32>
    %shift_right_logical3A_512 = arith.shrui %get3A_509, %shift_right_logical3A_511 : vector<16xi32>
    %shift_left3A_513 = arith.constant 14 : i32
    %shift_left3A_514 = vector.broadcast %shift_left3A_513 : i32 to vector<16xi32>
    %shift_left3A_515 = arith.shli %shift_right_logical3A_512, %shift_left3A_514 : vector<16xi32>
    %and3A_516 = arith.constant 16383 : i32
    %and3A_517 = vector.broadcast %and3A_516 : i32 to vector<16xi32>
    %and3A_518 = arith.andi %get3A_509, %and3A_517 : vector<16xi32>
    %or3A_519 = arith.ori %shift_left3A_515, %and3A_518 : vector<16xi32>
    %swap3A_520 = arith.constant 480 : index
    %swap3A_521 = tpu.vector_load %arg6[%swap3A_520] {strides = array<i32>} : memref<512xi32, #tpu.memory_space<vmem>>, vector<16xi32>,
    %swap3A_522 = vector.shape_cast %swap3A_521 : vector<16xi32> to vector<16xi32>
    %swap3A_523 = vector.shape_cast %or3A_519 : vector<16xi32> to vector<16xi32>
    tpu.vector_store %arg6[%swap3A_520], %swap3A_523 {strides = array<i32>} : memref<512xi32, #tpu.memory_space<vmem>>, vector<16xi32>,
    %get3A_524 = arith.constant 496 : index
    %get3A_525 = tpu.vector_load %arg5[%get3A_524] {strides = array<i32>} : memref<512xi32, #tpu.memory_space<vmem>>, vector<16xi32>,
    %get3A_526 = vector.shape_cast %get3A_525 : vector<16xi32> to vector<16xi32>
    %shift_right_logical3A_527 = arith.constant 17 : i32
    %shift_right_logical3A_528 = vector.broadcast %shift_right_logical3A_527 : i32 to vector<16xi32>
    %shift_right_logical3A_529 = arith.shrui %get3A_526, %shift_right_logical3A_528 : vector<16xi32>
    %shift_left3A_530 = arith.constant 14 : i32
    %shift_left3A_531 = vector.broadcast %shift_left3A_530 : i32 to vector<16xi32>
    %shift_left3A_532 = arith.shli %shift_right_logical3A_529, %shift_left3A_531 : vector<16xi32>
    %and3A_533 = arith.constant 16383 : i32
    %and3A_534 = vector.broadcast %and3A_533 : i32 to vector<16xi32>
    %and3A_535 = arith.andi %get3A_526, %and3A_534 : vector<16xi32>
    %or3A_536 = arith.ori %shift_left3A_532, %and3A_535 : vector<16xi32>
    %swap3A_537 = arith.constant 496 : index
    %swap3A_538 = tpu.vector_load %arg6[%swap3A_537] {strides = array<i32>} : memref<512xi32, #tpu.memory_space<vmem>>, vector<16xi32>,
    %swap3A_539 = vector.shape_cast %swap3A_538 : vector<16xi32> to vector<16xi32>
    %swap3A_540 = vector.shape_cast %or3A_536 : vector<16xi32> to vector<16xi32>
    tpu.vector_store %arg6[%swap3A_537], %swap3A_540 {strides = array<i32>} : memref<512xi32, #tpu.memory_space<vmem>>, vector<16xi32>,
    %dma_start3A = arith.constant 0 : i32
    %dma_start3A_541 = arith.constant 0 : i32
    %dma_start3A_542 = tpu.memref_slice %arg3[%dma_start3A, %dma_start3A_541] : memref<131072x128xf32, #tpu.memory_space<hbm>> -> memref<131072x128xf32, #tpu.memory_space<hbm>>
    tpu.enqueue_indirect_dma source(%dma_start3A_542 : memref<131072x128xf32, #tpu.memory_space<hbm>>) target(%arg7 : memref<512x128xf32, #tpu.memory_space<vmem>>) offsets(%arg6 : memref<512xi32, #tpu.memory_space<vmem>>) semaphore(%arg8 : memref<!tpu.dma_semaphore, #tpu.memory_space<semaphore_mem>>)
    %dma_wait3A = arith.constant 0 : i32
    %dma_wait3A_543 = arith.constant 0 : i32
    %dma_wait3A_544 = tpu.memref_slice %arg3[%dma_wait3A, %dma_wait3A_543] : memref<131072x128xf32, #tpu.memory_space<hbm>> -> memref<131072x128xf32, #tpu.memory_space<hbm>>
    tpu.wait_indirect_dma semaphore(%arg8 : memref<!tpu.dma_semaphore, #tpu.memory_space<semaphore_mem>>) src(%dma_wait3A_544 : memref<131072x128xf32, #tpu.memory_space<hbm>>) dst(%arg7 : memref<512x128xf32, #tpu.memory_space<vmem>>)
    "tpu.region"() ({
      %run_scoped3A = tpu.sem_alloc : memref<!tpu.dma_semaphore, #tpu.memory_space<semaphore_mem>>
      %dma_start3A_545 = arith.constant 0 : i32
      %dma_start3A_546 = tpu.memref_slice %arg4[%mul3A_2, %dma_start3A_545] : memref<16384x128xf32, #tpu.memory_space<hbm>> -> memref<512x128xf32, #tpu.memory_space<hbm>>
      %dma_start3A_547 = arith.constant 0 : i32
      %dma_start3A_548 = tpu.memref_slice %arg4[%mul3A_2, %dma_start3A_547] : memref<16384x128xf32, #tpu.memory_space<hbm>> -> memref<512x128xf32, #tpu.memory_space<hbm>>
      tpu.enqueue_dma source(%arg7 : memref<512x128xf32, #tpu.memory_space<vmem>>) target(%dma_start3A_548 : memref<512x128xf32, #tpu.memory_space<hbm>>) target_semaphore(%run_scoped3A : memref<!tpu.dma_semaphore, #tpu.memory_space<semaphore_mem>>)
      %dma_wait3A_549 = arith.constant 0 : i32
      %dma_wait3A_550 = tpu.memref_slice %arg4[%mul3A_2, %dma_wait3A_549] : memref<16384x128xf32, #tpu.memory_space<hbm>> -> memref<512x128xf32, #tpu.memory_space<hbm>>
      %dma_wait3A_551 = arith.constant 0 : i32
      %dma_wait3A_552 = tpu.memref_slice %arg4[%mul3A_2, %dma_wait3A_551] : memref<16384x128xf32, #tpu.memory_space<hbm>> -> memref<512x128xf32, #tpu.memory_space<hbm>>
      tpu.wait_dma2 semaphore(%run_scoped3A : memref<!tpu.dma_semaphore, #tpu.memory_space<semaphore_mem>>) src(%arg7 : memref<512x128xf32, #tpu.memory_space<vmem>>) dst(%dma_wait3A_552 : memref<512x128xf32, #tpu.memory_space<hbm>>)
      tpu.yield
    }) : () -> ()
    return
  }
}

#map = affine_map<(d0, d1) -> (0)>
module attributes {stable_mosaic.version = 14 : i64} {
  func.func @_bias_gather_body(%arg0: i32, %arg1: i32, %arg2: memref<16384xi32, #tpu.memory_space<hbm>>, %arg3: memref<16384xi32, #tpu.memory_space<hbm>>, %arg4: memref<1000000xf32, #tpu.memory_space<hbm>>, %arg5: memref<1000000xf32, #tpu.memory_space<hbm>>, %arg6: memref<16384xf32, #tpu.memory_space<hbm>>, %arg7: memref<16384xf32, #tpu.memory_space<hbm>>, %arg8: memref<512xi32, #tpu.memory_space<vmem>>, %arg9: memref<512xi32, #tpu.memory_space<vmem>>, %arg10: memref<512xf32, #tpu.memory_space<vmem>>, %arg11: memref<512xf32, #tpu.memory_space<vmem>>, %arg12: memref<!tpu.dma_semaphore, #tpu.memory_space<semaphore_mem>>) attributes {dimension_semantics = [#tpu.dimension_semantics<core_parallel>, #tpu.dimension_semantics<subcore_parallel>], iteration_bounds = array<i64: 2, 16>, scalar_prefetch = 0 : i64, scratch_operands = 5 : i64, tpu.core_type = #tpu.core_type<sc_vector_subcore>, window_params = [{transform_indices = #map}, {transform_indices = #map}, {transform_indices = #map}, {transform_indices = #map}, {transform_indices = #map}, {transform_indices = #map}]} {
    %mul3A = arith.constant 2 : i32
    %mul3A_0 = arith.muli %arg1, %mul3A : i32
    %add3A = arith.addi %mul3A_0, %arg0 : i32
    %mul3A_1 = arith.constant 512 : i32
    %mul3A_2 = arith.muli %add3A, %mul3A_1 : i32
    "tpu.region"() ({
      %run_scoped3A = tpu.sem_alloc : memref<!tpu.dma_semaphore, #tpu.memory_space<semaphore_mem>>
      %dma_start3A_9 = tpu.memref_slice %arg2[%mul3A_2] : memref<16384xi32, #tpu.memory_space<hbm>> -> memref<512xi32, #tpu.memory_space<hbm>>
      %dma_start3A_10 = tpu.memref_slice %arg2[%mul3A_2] : memref<16384xi32, #tpu.memory_space<hbm>> -> memref<512xi32, #tpu.memory_space<hbm>>
      tpu.enqueue_dma source(%dma_start3A_10 : memref<512xi32, #tpu.memory_space<hbm>>) target(%arg8 : memref<512xi32, #tpu.memory_space<vmem>>) target_semaphore(%run_scoped3A : memref<!tpu.dma_semaphore, #tpu.memory_space<semaphore_mem>>)
      %dma_wait3A_11 = tpu.memref_slice %arg2[%mul3A_2] : memref<16384xi32, #tpu.memory_space<hbm>> -> memref<512xi32, #tpu.memory_space<hbm>>
      %dma_wait3A_12 = tpu.memref_slice %arg2[%mul3A_2] : memref<16384xi32, #tpu.memory_space<hbm>> -> memref<512xi32, #tpu.memory_space<hbm>>
      tpu.wait_dma2 semaphore(%run_scoped3A : memref<!tpu.dma_semaphore, #tpu.memory_space<semaphore_mem>>) src(%dma_wait3A_12 : memref<512xi32, #tpu.memory_space<hbm>>) dst(%arg8 : memref<512xi32, #tpu.memory_space<vmem>>)
      tpu.yield
    }) : () -> ()
    "tpu.region"() ({
      %run_scoped3A = tpu.sem_alloc : memref<!tpu.dma_semaphore, #tpu.memory_space<semaphore_mem>>
      %dma_start3A_9 = tpu.memref_slice %arg3[%mul3A_2] : memref<16384xi32, #tpu.memory_space<hbm>> -> memref<512xi32, #tpu.memory_space<hbm>>
      %dma_start3A_10 = tpu.memref_slice %arg3[%mul3A_2] : memref<16384xi32, #tpu.memory_space<hbm>> -> memref<512xi32, #tpu.memory_space<hbm>>
      tpu.enqueue_dma source(%dma_start3A_10 : memref<512xi32, #tpu.memory_space<hbm>>) target(%arg9 : memref<512xi32, #tpu.memory_space<vmem>>) target_semaphore(%run_scoped3A : memref<!tpu.dma_semaphore, #tpu.memory_space<semaphore_mem>>)
      %dma_wait3A_11 = tpu.memref_slice %arg3[%mul3A_2] : memref<16384xi32, #tpu.memory_space<hbm>> -> memref<512xi32, #tpu.memory_space<hbm>>
      %dma_wait3A_12 = tpu.memref_slice %arg3[%mul3A_2] : memref<16384xi32, #tpu.memory_space<hbm>> -> memref<512xi32, #tpu.memory_space<hbm>>
      tpu.wait_dma2 semaphore(%run_scoped3A : memref<!tpu.dma_semaphore, #tpu.memory_space<semaphore_mem>>) src(%dma_wait3A_12 : memref<512xi32, #tpu.memory_space<hbm>>) dst(%arg9 : memref<512xi32, #tpu.memory_space<vmem>>)
      tpu.yield
    }) : () -> ()
    %dma_start3A = arith.constant 0 : i32
    %dma_start3A_3 = tpu.memref_slice %arg4[%dma_start3A] : memref<1000000xf32, #tpu.memory_space<hbm>> -> memref<1000000xf32, #tpu.memory_space<hbm>>
    tpu.enqueue_indirect_dma source(%dma_start3A_3 : memref<1000000xf32, #tpu.memory_space<hbm>>) target(%arg10 : memref<512xf32, #tpu.memory_space<vmem>>) offsets(%arg8 : memref<512xi32, #tpu.memory_space<vmem>>) semaphore(%arg12 : memref<!tpu.dma_semaphore, #tpu.memory_space<semaphore_mem>>)
    %dma_start3A_4 = arith.constant 0 : i32
    %dma_start3A_5 = tpu.memref_slice %arg5[%dma_start3A_4] : memref<1000000xf32, #tpu.memory_space<hbm>> -> memref<1000000xf32, #tpu.memory_space<hbm>>
    tpu.enqueue_indirect_dma source(%dma_start3A_5 : memref<1000000xf32, #tpu.memory_space<hbm>>) target(%arg11 : memref<512xf32, #tpu.memory_space<vmem>>) offsets(%arg9 : memref<512xi32, #tpu.memory_space<vmem>>) semaphore(%arg12 : memref<!tpu.dma_semaphore, #tpu.memory_space<semaphore_mem>>)
    %dma_wait3A = arith.constant 0 : i32
    %dma_wait3A_6 = tpu.memref_slice %arg4[%dma_wait3A] : memref<1000000xf32, #tpu.memory_space<hbm>> -> memref<1000000xf32, #tpu.memory_space<hbm>>
    tpu.wait_indirect_dma semaphore(%arg12 : memref<!tpu.dma_semaphore, #tpu.memory_space<semaphore_mem>>) src(%dma_wait3A_6 : memref<1000000xf32, #tpu.memory_space<hbm>>) dst(%arg10 : memref<512xf32, #tpu.memory_space<vmem>>)
    "tpu.region"() ({
      %run_scoped3A = tpu.sem_alloc : memref<!tpu.dma_semaphore, #tpu.memory_space<semaphore_mem>>
      %dma_start3A_9 = tpu.memref_slice %arg6[%mul3A_2] : memref<16384xf32, #tpu.memory_space<hbm>> -> memref<512xf32, #tpu.memory_space<hbm>>
      %dma_start3A_10 = tpu.memref_slice %arg6[%mul3A_2] : memref<16384xf32, #tpu.memory_space<hbm>> -> memref<512xf32, #tpu.memory_space<hbm>>
      tpu.enqueue_dma source(%arg10 : memref<512xf32, #tpu.memory_space<vmem>>) target(%dma_start3A_10 : memref<512xf32, #tpu.memory_space<hbm>>) target_semaphore(%run_scoped3A : memref<!tpu.dma_semaphore, #tpu.memory_space<semaphore_mem>>)
      %dma_wait3A_11 = tpu.memref_slice %arg6[%mul3A_2] : memref<16384xf32, #tpu.memory_space<hbm>> -> memref<512xf32, #tpu.memory_space<hbm>>
      %dma_wait3A_12 = tpu.memref_slice %arg6[%mul3A_2] : memref<16384xf32, #tpu.memory_space<hbm>> -> memref<512xf32, #tpu.memory_space<hbm>>
      tpu.wait_dma2 semaphore(%run_scoped3A : memref<!tpu.dma_semaphore, #tpu.memory_space<semaphore_mem>>) src(%arg10 : memref<512xf32, #tpu.memory_space<vmem>>) dst(%dma_wait3A_12 : memref<512xf32, #tpu.memory_space<hbm>>)
      tpu.yield
    }) : () -> ()
    %dma_wait3A_7 = arith.constant 0 : i32
    %dma_wait3A_8 = tpu.memref_slice %arg5[%dma_wait3A_7] : memref<1000000xf32, #tpu.memory_space<hbm>> -> memref<1000000xf32, #tpu.memory_space<hbm>>
    tpu.wait_indirect_dma semaphore(%arg12 : memref<!tpu.dma_semaphore, #tpu.memory_space<semaphore_mem>>) src(%dma_wait3A_8 : memref<1000000xf32, #tpu.memory_space<hbm>>) dst(%arg11 : memref<512xf32, #tpu.memory_space<vmem>>)
    "tpu.region"() ({
      %run_scoped3A = tpu.sem_alloc : memref<!tpu.dma_semaphore, #tpu.memory_space<semaphore_mem>>
      %dma_start3A_9 = tpu.memref_slice %arg7[%mul3A_2] : memref<16384xf32, #tpu.memory_space<hbm>> -> memref<512xf32, #tpu.memory_space<hbm>>
      %dma_start3A_10 = tpu.memref_slice %arg7[%mul3A_2] : memref<16384xf32, #tpu.memory_space<hbm>> -> memref<512xf32, #tpu.memory_space<hbm>>
      tpu.enqueue_dma source(%arg11 : memref<512xf32, #tpu.memory_space<vmem>>) target(%dma_start3A_10 : memref<512xf32, #tpu.memory_space<hbm>>) target_semaphore(%run_scoped3A : memref<!tpu.dma_semaphore, #tpu.memory_space<semaphore_mem>>)
      %dma_wait3A_11 = tpu.memref_slice %arg7[%mul3A_2] : memref<16384xf32, #tpu.memory_space<hbm>> -> memref<512xf32, #tpu.memory_space<hbm>>
      %dma_wait3A_12 = tpu.memref_slice %arg7[%mul3A_2] : memref<16384xf32, #tpu.memory_space<hbm>> -> memref<512xf32, #tpu.memory_space<hbm>>
      tpu.wait_dma2 semaphore(%run_scoped3A : memref<!tpu.dma_semaphore, #tpu.memory_space<semaphore_mem>>) src(%arg11 : memref<512xf32, #tpu.memory_space<vmem>>) dst(%dma_wait3A_12 : memref<512xf32, #tpu.memory_space<hbm>>)
      tpu.yield
    }) : () -> ()
    return
  }
}

module attributes {stable_mosaic.version = 14 : i64} {
  func.func @_relayout_body(%arg0: i32, %arg1: memref<32x131072xf32, #tpu.memory_space<vmem>>, %arg2: memref<16384x128xf32, #tpu.memory_space<vmem>>) attributes {dimension_semantics = [#tpu.dimension_semantics<arbitrary>], iteration_bounds = array<i64: 8>, scalar_prefetch = 0 : i64, scratch_operands = 0 : i64, tpu.core_type = #tpu.core_type<tc>, window_params = [{transform_indices = @transform_0, window_bounds = array<i64: 32, 131072>}, {transform_indices = @transform_1, window_bounds = array<i64: 16384, 128>}]} {
    %get3A = arith.constant 0 : index
    %get3A_0 = arith.constant 0 : index
    %get3A_1 = vector.load %arg1[%get3A, %get3A_0] : memref<32x131072xf32, #tpu.memory_space<vmem>>, vector<32x131072xf32>
    %slice3A = vector.extract_strided_slice %get3A_1 {offsets = [0, 0], sizes = [32, 16384], strides = [1, 1]} : vector<32x131072xf32> to vector<32x16384xf32>
    %slice3A_2 = vector.extract_strided_slice %get3A_1 {offsets = [0, 16384], sizes = [32, 16384], strides = [1, 1]} : vector<32x131072xf32> to vector<32x16384xf32>
    %slice3A_3 = vector.extract_strided_slice %get3A_1 {offsets = [0, 32768], sizes = [32, 16384], strides = [1, 1]} : vector<32x131072xf32> to vector<32x16384xf32>
    %slice3A_4 = vector.extract_strided_slice %get3A_1 {offsets = [0, 49152], sizes = [32, 16384], strides = [1, 1]} : vector<32x131072xf32> to vector<32x16384xf32>
    %slice3A_5 = vector.extract_strided_slice %get3A_1 {offsets = [0, 65536], sizes = [32, 16384], strides = [1, 1]} : vector<32x131072xf32> to vector<32x16384xf32>
    %slice3A_6 = vector.extract_strided_slice %get3A_1 {offsets = [0, 81920], sizes = [32, 16384], strides = [1, 1]} : vector<32x131072xf32> to vector<32x16384xf32>
    %slice3A_7 = vector.extract_strided_slice %get3A_1 {offsets = [0, 98304], sizes = [32, 16384], strides = [1, 1]} : vector<32x131072xf32> to vector<32x16384xf32>
    %slice3A_8 = vector.extract_strided_slice %get3A_1 {offsets = [0, 114688], sizes = [32, 16384], strides = [1, 1]} : vector<32x131072xf32> to vector<32x16384xf32>
    %concatenate3A = tpu.concatenate %slice3A, %slice3A_2, %slice3A_3, %slice3A_4, %slice3A_5, %slice3A_6, %slice3A_7, %slice3A_8 in 0 : vector<32x16384xf32>, vector<32x16384xf32>, vector<32x16384xf32>, vector<32x16384xf32>, vector<32x16384xf32>, vector<32x16384xf32>, vector<32x16384xf32>, vector<32x16384xf32> -> vector<256x16384xf32>
    %slice3A_9 = vector.extract_strided_slice %concatenate3A {offsets = [0, 0], sizes = [128, 16384], strides = [1, 1]} : vector<256x16384xf32> to vector<128x16384xf32>
    %bitcast_convert_type3A = tpu.bitcast %slice3A_9 : vector<128x16384xf32> -> vector<128x16384xi32>
    %slice3A_10 = vector.extract_strided_slice %concatenate3A {offsets = [128, 0], sizes = [128, 16384], strides = [1, 1]} : vector<256x16384xf32> to vector<128x16384xf32>
    %bitcast_convert_type3A_11 = tpu.bitcast %slice3A_10 : vector<128x16384xf32> -> vector<128x16384xi32>
    %add3A = arith.constant 32768 : i32
    %add3A_12 = vector.broadcast %add3A : i32 to vector<128x16384xi32>
    %add3A_13 = arith.addi %bitcast_convert_type3A, %add3A_12 : vector<128x16384xi32>
    %shift_right_logical3A = arith.constant 16 : i32
    %shift_right_logical3A_14 = vector.broadcast %shift_right_logical3A : i32 to vector<128x16384xi32>
    %shift_right_logical3A_15 = arith.shrui %add3A_13, %shift_right_logical3A_14 : vector<128x16384xi32>
    %add3A_16 = arith.constant 32768 : i32
    %add3A_17 = vector.broadcast %add3A_16 : i32 to vector<128x16384xi32>
    %add3A_18 = arith.addi %bitcast_convert_type3A_11, %add3A_17 : vector<128x16384xi32>
    %and3A = arith.constant -65536 : i32
    %and3A_19 = vector.broadcast %and3A : i32 to vector<128x16384xi32>
    %and3A_20 = arith.andi %add3A_18, %and3A_19 : vector<128x16384xi32>
    %or3A = arith.ori %and3A_20, %shift_right_logical3A_15 : vector<128x16384xi32>
    %bitcast_convert_type3A_21 = tpu.bitcast %or3A : vector<128x16384xi32> -> vector<128x16384xf32>
    %transpose3A = tpu.transpose %bitcast_convert_type3A_21, [1, 0] : vector<128x16384xf32> -> vector<16384x128xf32>
    %swap3A = arith.constant 0 : index
    %swap3A_22 = arith.constant 0 : index
    %swap3A_23 = vector.load %arg2[%swap3A, %swap3A_22] : memref<16384x128xf32, #tpu.memory_space<vmem>>, vector<16384x128xf32>
    tpu.vector_store %arg2[%swap3A, %swap3A_22], %transpose3A {strides = array<i32>} : memref<16384x128xf32, #tpu.memory_space<vmem>>, vector<16384x128xf32>,
    return
  }
  func.func @transform_0(%arg0: i32) -> (i32, i32) {
    %c0_i32 = arith.constant 0 : i32
    %c0_i32_0 = arith.constant 0 : i32
    return %c0_i32, %arg0 : i32, i32
  }
  func.func @transform_1(%arg0: i32) -> (i32, i32) {
    %c0_i32 = arith.constant 0 : i32
    %c0_i32_0 = arith.constant 0 : i32
    return %arg0, %c0_i32 : i32, i32
  }
}

module attributes {stable_mosaic.version = 14 : i64} {
  func.func @_dense_body(%arg0: i32, %arg1: memref<2048x128xf32, #tpu.memory_space<vmem>>, %arg2: memref<2048x128xf32, #tpu.memory_space<vmem>>, %arg3: memref<2048xi32, #tpu.memory_space<vmem>>, %arg4: memref<2048xi32, #tpu.memory_space<vmem>>, %arg5: memref<2048xf32, #tpu.memory_space<vmem>>, %arg6: memref<2048xf32, #tpu.memory_space<vmem>>, %arg7: memref<32x32xf32, #tpu.memory_space<vmem>>, %arg8: memref<1x32xf32, #tpu.memory_space<vmem>>, %arg9: memref<32x32xf32, #tpu.memory_space<vmem>>, %arg10: memref<1x32xf32, #tpu.memory_space<vmem>>, %arg11: memref<1x1xf32, #tpu.memory_space<vmem>>, %arg12: memref<2048xf32, #tpu.memory_space<vmem>>) attributes {dimension_semantics = [#tpu.dimension_semantics<arbitrary>], iteration_bounds = array<i64: 8>, scalar_prefetch = 0 : i64, scratch_operands = 0 : i64, tpu.core_type = #tpu.core_type<tc>, window_params = [{transform_indices = @transform_0, window_bounds = array<i64: 2048, 128>}, {transform_indices = @transform_1, window_bounds = array<i64: 2048, 128>}, {transform_indices = @transform_2, window_bounds = array<i64: 2048>}, {transform_indices = @transform_3, window_bounds = array<i64: 2048>}, {transform_indices = @transform_4, window_bounds = array<i64: 2048>}, {transform_indices = @transform_5, window_bounds = array<i64: 2048>}, {pipeline_mode = #tpu.pipeline_mode<synchronous>, transform_indices = @transform_6, window_bounds = array<i64: 32, 32>}, {pipeline_mode = #tpu.pipeline_mode<synchronous>, transform_indices = @transform_7, window_bounds = array<i64: 1, 32>}, {pipeline_mode = #tpu.pipeline_mode<synchronous>, transform_indices = @transform_8, window_bounds = array<i64: 32, 32>}, {pipeline_mode = #tpu.pipeline_mode<synchronous>, transform_indices = @transform_9, window_bounds = array<i64: 1, 32>}, {pipeline_mode = #tpu.pipeline_mode<synchronous>, transform_indices = @transform_10, window_bounds = array<i64: 1, 1>}, {transform_indices = @transform_11, window_bounds = array<i64: 2048>}]} {
    %get3A = arith.constant 0 : index
    %get3A_0 = arith.constant 0 : index
    %get3A_1 = vector.load %arg1[%get3A, %get3A_0] : memref<2048x128xf32, #tpu.memory_space<vmem>>, vector<2048x128xf32>
    %get3A_2 = arith.constant 0 : index
    %get3A_3 = arith.constant 0 : index
    %get3A_4 = vector.load %arg2[%get3A_2, %get3A_3] : memref<2048x128xf32, #tpu.memory_space<vmem>>, vector<2048x128xf32>
    %get3A_5 = arith.constant 0 : index
    %get3A_6 = vector.load %arg3[%get3A_5] : memref<2048xi32, #tpu.memory_space<vmem>>, vector<2048xi32>
    %shift_right_logical3A = arith.constant 14 : i32
    %shift_right_logical3A_7 = vector.broadcast %shift_right_logical3A : i32 to vector<2048xi32>
    %shift_right_logical3A_8 = arith.shrui %get3A_6, %shift_right_logical3A_7 : vector<2048xi32>
    %and3A = arith.constant 3 : i32
    %and3A_9 = vector.broadcast %and3A : i32 to vector<2048xi32>
    %and3A_10 = arith.andi %shift_right_logical3A_8, %and3A_9 : vector<2048xi32>
    %broadcast_in_dim3A = vector.shape_cast %and3A_10 : vector<2048xi32> to vector<2048x1xi32>
    %get3A_11 = arith.constant 0 : index
    %get3A_12 = vector.load %arg4[%get3A_11] : memref<2048xi32, #tpu.memory_space<vmem>>, vector<2048xi32>
    %shift_right_logical3A_13 = arith.constant 14 : i32
    %shift_right_logical3A_14 = vector.broadcast %shift_right_logical3A_13 : i32 to vector<2048xi32>
    %shift_right_logical3A_15 = arith.shrui %get3A_12, %shift_right_logical3A_14 : vector<2048xi32>
    %and3A_16 = arith.constant 3 : i32
    %and3A_17 = vector.broadcast %and3A_16 : i32 to vector<2048xi32>
    %and3A_18 = arith.andi %shift_right_logical3A_15, %and3A_17 : vector<2048xi32>
    %broadcast_in_dim3A_19 = vector.shape_cast %and3A_18 : vector<2048xi32> to vector<2048x1xi32>
    %get3A_20 = arith.constant 0 : index
    %get3A_21 = vector.load %arg3[%get3A_20] : memref<2048xi32, #tpu.memory_space<vmem>>, vector<2048xi32>
    %shift_right_logical3A_22 = arith.constant 16 : i32
    %shift_right_logical3A_23 = vector.broadcast %shift_right_logical3A_22 : i32 to vector<2048xi32>
    %shift_right_logical3A_24 = arith.shrui %get3A_21, %shift_right_logical3A_23 : vector<2048xi32>
    %and3A_25 = arith.constant 1 : i32
    %and3A_26 = vector.broadcast %and3A_25 : i32 to vector<2048xi32>
    %and3A_27 = arith.andi %shift_right_logical3A_24, %and3A_26 : vector<2048xi32>
    %broadcast_in_dim3A_28 = vector.shape_cast %and3A_27 : vector<2048xi32> to vector<2048x1xi32>
    %get3A_29 = arith.constant 0 : index
    %get3A_30 = vector.load %arg4[%get3A_29] : memref<2048xi32, #tpu.memory_space<vmem>>, vector<2048xi32>
    %shift_right_logical3A_31 = arith.constant 16 : i32
    %shift_right_logical3A_32 = vector.broadcast %shift_right_logical3A_31 : i32 to vector<2048xi32>
    %shift_right_logical3A_33 = arith.shrui %get3A_30, %shift_right_logical3A_32 : vector<2048xi32>
    %and3A_34 = arith.constant 1 : i32
    %and3A_35 = vector.broadcast %and3A_34 : i32 to vector<2048xi32>
    %and3A_36 = arith.andi %shift_right_logical3A_33, %and3A_35 : vector<2048xi32>
    %broadcast_in_dim3A_37 = vector.shape_cast %and3A_36 : vector<2048xi32> to vector<2048x1xi32>
    %bitcast_convert_type3A = tpu.bitcast %get3A_1 : vector<2048x128xf32> -> vector<2048x128xi32>
    %bitcast_convert_type3A_38 = tpu.bitcast %get3A_4 : vector<2048x128xf32> -> vector<2048x128xi32>
    %eq3A = arith.constant 0 : i32
    %eq3A_39 = vector.broadcast %eq3A : i32 to vector<2048x1xi32>
    %eq3A_40 = arith.cmpi eq, %broadcast_in_dim3A, %eq3A_39 : vector<2048x1xi32>
    %slice3A = vector.extract_strided_slice %bitcast_convert_type3A {offsets = [0, 0], sizes = [2048, 32], strides = [1, 1]} : vector<2048x128xi32> to vector<2048x32xi32>
    %jit3A = arith.constant 0 : i32
    %broadcast_in_dim3A_41 = vector.shape_cast %eq3A_40 : vector<2048x1xi1> to vector<2048x1xi1>
    %broadcast_in_dim3A_42 = vector.broadcast %broadcast_in_dim3A_41 : vector<2048x1xi1> to vector<2048x32xi1>
    %broadcast_in_dim3A_43 = vector.broadcast %jit3A : i32 to vector<2048x32xi32>
    %select_n3A = arith.select %broadcast_in_dim3A_42, %slice3A, %broadcast_in_dim3A_43 : vector<2048x32xi1>, vector<2048x32xi32>
    %eq3A_44 = arith.constant 0 : i32
    %eq3A_45 = vector.broadcast %eq3A_44 : i32 to vector<2048x1xi32>
    %eq3A_46 = arith.cmpi eq, %broadcast_in_dim3A_19, %eq3A_45 : vector<2048x1xi32>
    %slice3A_47 = vector.extract_strided_slice %bitcast_convert_type3A_38 {offsets = [0, 0], sizes = [2048, 32], strides = [1, 1]} : vector<2048x128xi32> to vector<2048x32xi32>
    %jit3A_48 = arith.constant 0 : i32
    %broadcast_in_dim3A_49 = vector.shape_cast %eq3A_46 : vector<2048x1xi1> to vector<2048x1xi1>
    %broadcast_in_dim3A_50 = vector.broadcast %broadcast_in_dim3A_49 : vector<2048x1xi1> to vector<2048x32xi1>
    %broadcast_in_dim3A_51 = vector.broadcast %jit3A_48 : i32 to vector<2048x32xi32>
    %select_n3A_52 = arith.select %broadcast_in_dim3A_50, %slice3A_47, %broadcast_in_dim3A_51 : vector<2048x32xi1>, vector<2048x32xi32>
    %eq3A_53 = arith.constant 1 : i32
    %eq3A_54 = vector.broadcast %eq3A_53 : i32 to vector<2048x1xi32>
    %eq3A_55 = arith.cmpi eq, %broadcast_in_dim3A, %eq3A_54 : vector<2048x1xi32>
    %slice3A_56 = vector.extract_strided_slice %bitcast_convert_type3A {offsets = [0, 32], sizes = [2048, 32], strides = [1, 1]} : vector<2048x128xi32> to vector<2048x32xi32>
    %jit3A_57 = arith.constant 0 : i32
    %broadcast_in_dim3A_58 = vector.shape_cast %eq3A_55 : vector<2048x1xi1> to vector<2048x1xi1>
    %broadcast_in_dim3A_59 = vector.broadcast %broadcast_in_dim3A_58 : vector<2048x1xi1> to vector<2048x32xi1>
    %broadcast_in_dim3A_60 = vector.broadcast %jit3A_57 : i32 to vector<2048x32xi32>
    %select_n3A_61 = arith.select %broadcast_in_dim3A_59, %slice3A_56, %broadcast_in_dim3A_60 : vector<2048x32xi1>, vector<2048x32xi32>
    %or3A = arith.ori %select_n3A, %select_n3A_61 : vector<2048x32xi32>
    %eq3A_62 = arith.constant 1 : i32
    %eq3A_63 = vector.broadcast %eq3A_62 : i32 to vector<2048x1xi32>
    %eq3A_64 = arith.cmpi eq, %broadcast_in_dim3A_19, %eq3A_63 : vector<2048x1xi32>
    %slice3A_65 = vector.extract_strided_slice %bitcast_convert_type3A_38 {offsets = [0, 32], sizes = [2048, 32], strides = [1, 1]} : vector<2048x128xi32> to vector<2048x32xi32>
    %jit3A_66 = arith.constant 0 : i32
    %broadcast_in_dim3A_67 = vector.shape_cast %eq3A_64 : vector<2048x1xi1> to vector<2048x1xi1>
    %broadcast_in_dim3A_68 = vector.broadcast %broadcast_in_dim3A_67 : vector<2048x1xi1> to vector<2048x32xi1>
    %broadcast_in_dim3A_69 = vector.broadcast %jit3A_66 : i32 to vector<2048x32xi32>
    %select_n3A_70 = arith.select %broadcast_in_dim3A_68, %slice3A_65, %broadcast_in_dim3A_69 : vector<2048x32xi1>, vector<2048x32xi32>
    %or3A_71 = arith.ori %select_n3A_52, %select_n3A_70 : vector<2048x32xi32>
    %eq3A_72 = arith.constant 2 : i32
    %eq3A_73 = vector.broadcast %eq3A_72 : i32 to vector<2048x1xi32>
    %eq3A_74 = arith.cmpi eq, %broadcast_in_dim3A, %eq3A_73 : vector<2048x1xi32>
    %slice3A_75 = vector.extract_strided_slice %bitcast_convert_type3A {offsets = [0, 64], sizes = [2048, 32], strides = [1, 1]} : vector<2048x128xi32> to vector<2048x32xi32>
    %jit3A_76 = arith.constant 0 : i32
    %broadcast_in_dim3A_77 = vector.shape_cast %eq3A_74 : vector<2048x1xi1> to vector<2048x1xi1>
    %broadcast_in_dim3A_78 = vector.broadcast %broadcast_in_dim3A_77 : vector<2048x1xi1> to vector<2048x32xi1>
    %broadcast_in_dim3A_79 = vector.broadcast %jit3A_76 : i32 to vector<2048x32xi32>
    %select_n3A_80 = arith.select %broadcast_in_dim3A_78, %slice3A_75, %broadcast_in_dim3A_79 : vector<2048x32xi1>, vector<2048x32xi32>
    %or3A_81 = arith.ori %or3A, %select_n3A_80 : vector<2048x32xi32>
    %eq3A_82 = arith.constant 2 : i32
    %eq3A_83 = vector.broadcast %eq3A_82 : i32 to vector<2048x1xi32>
    %eq3A_84 = arith.cmpi eq, %broadcast_in_dim3A_19, %eq3A_83 : vector<2048x1xi32>
    %slice3A_85 = vector.extract_strided_slice %bitcast_convert_type3A_38 {offsets = [0, 64], sizes = [2048, 32], strides = [1, 1]} : vector<2048x128xi32> to vector<2048x32xi32>
    %jit3A_86 = arith.constant 0 : i32
    %broadcast_in_dim3A_87 = vector.shape_cast %eq3A_84 : vector<2048x1xi1> to vector<2048x1xi1>
    %broadcast_in_dim3A_88 = vector.broadcast %broadcast_in_dim3A_87 : vector<2048x1xi1> to vector<2048x32xi1>
    %broadcast_in_dim3A_89 = vector.broadcast %jit3A_86 : i32 to vector<2048x32xi32>
    %select_n3A_90 = arith.select %broadcast_in_dim3A_88, %slice3A_85, %broadcast_in_dim3A_89 : vector<2048x32xi1>, vector<2048x32xi32>
    %or3A_91 = arith.ori %or3A_71, %select_n3A_90 : vector<2048x32xi32>
    %eq3A_92 = arith.constant 3 : i32
    %eq3A_93 = vector.broadcast %eq3A_92 : i32 to vector<2048x1xi32>
    %eq3A_94 = arith.cmpi eq, %broadcast_in_dim3A, %eq3A_93 : vector<2048x1xi32>
    %slice3A_95 = vector.extract_strided_slice %bitcast_convert_type3A {offsets = [0, 96], sizes = [2048, 32], strides = [1, 1]} : vector<2048x128xi32> to vector<2048x32xi32>
    %jit3A_96 = arith.constant 0 : i32
    %broadcast_in_dim3A_97 = vector.shape_cast %eq3A_94 : vector<2048x1xi1> to vector<2048x1xi1>
    %broadcast_in_dim3A_98 = vector.broadcast %broadcast_in_dim3A_97 : vector<2048x1xi1> to vector<2048x32xi1>
    %broadcast_in_dim3A_99 = vector.broadcast %jit3A_96 : i32 to vector<2048x32xi32>
    %select_n3A_100 = arith.select %broadcast_in_dim3A_98, %slice3A_95, %broadcast_in_dim3A_99 : vector<2048x32xi1>, vector<2048x32xi32>
    %or3A_101 = arith.ori %or3A_81, %select_n3A_100 : vector<2048x32xi32>
    %eq3A_102 = arith.constant 3 : i32
    %eq3A_103 = vector.broadcast %eq3A_102 : i32 to vector<2048x1xi32>
    %eq3A_104 = arith.cmpi eq, %broadcast_in_dim3A_19, %eq3A_103 : vector<2048x1xi32>
    %slice3A_105 = vector.extract_strided_slice %bitcast_convert_type3A_38 {offsets = [0, 96], sizes = [2048, 32], strides = [1, 1]} : vector<2048x128xi32> to vector<2048x32xi32>
    %jit3A_106 = arith.constant 0 : i32
    %broadcast_in_dim3A_107 = vector.shape_cast %eq3A_104 : vector<2048x1xi1> to vector<2048x1xi1>
    %broadcast_in_dim3A_108 = vector.broadcast %broadcast_in_dim3A_107 : vector<2048x1xi1> to vector<2048x32xi1>
    %broadcast_in_dim3A_109 = vector.broadcast %jit3A_106 : i32 to vector<2048x32xi32>
    %select_n3A_110 = arith.select %broadcast_in_dim3A_108, %slice3A_105, %broadcast_in_dim3A_109 : vector<2048x32xi1>, vector<2048x32xi32>
    %or3A_111 = arith.ori %or3A_91, %select_n3A_110 : vector<2048x32xi32>
    %eq3A_112 = arith.constant 1 : i32
    %eq3A_113 = vector.broadcast %eq3A_112 : i32 to vector<2048x1xi32>
    %eq3A_114 = arith.cmpi eq, %broadcast_in_dim3A_28, %eq3A_113 : vector<2048x1xi32>
    %and3A_115 = arith.constant -65536 : i32
    %and3A_116 = vector.broadcast %and3A_115 : i32 to vector<2048x32xi32>
    %and3A_117 = arith.andi %or3A_101, %and3A_116 : vector<2048x32xi32>
    %shift_left3A = arith.constant 16 : i32
    %shift_left3A_118 = vector.broadcast %shift_left3A : i32 to vector<2048x32xi32>
    %shift_left3A_119 = arith.shli %or3A_101, %shift_left3A_118 : vector<2048x32xi32>
    %broadcast_in_dim3A_120 = vector.shape_cast %eq3A_114 : vector<2048x1xi1> to vector<2048x1xi1>
    %broadcast_in_dim3A_121 = vector.broadcast %broadcast_in_dim3A_120 : vector<2048x1xi1> to vector<2048x32xi1>
    %select_n3A_122 = arith.select %broadcast_in_dim3A_121, %and3A_117, %shift_left3A_119 : vector<2048x32xi1>, vector<2048x32xi32>
    %eq3A_123 = arith.constant 1 : i32
    %eq3A_124 = vector.broadcast %eq3A_123 : i32 to vector<2048x1xi32>
    %eq3A_125 = arith.cmpi eq, %broadcast_in_dim3A_37, %eq3A_124 : vector<2048x1xi32>
    %and3A_126 = arith.constant -65536 : i32
    %and3A_127 = vector.broadcast %and3A_126 : i32 to vector<2048x32xi32>
    %and3A_128 = arith.andi %or3A_111, %and3A_127 : vector<2048x32xi32>
    %shift_left3A_129 = arith.constant 16 : i32
    %shift_left3A_130 = vector.broadcast %shift_left3A_129 : i32 to vector<2048x32xi32>
    %shift_left3A_131 = arith.shli %or3A_111, %shift_left3A_130 : vector<2048x32xi32>
    %broadcast_in_dim3A_132 = vector.shape_cast %eq3A_125 : vector<2048x1xi1> to vector<2048x1xi1>
    %broadcast_in_dim3A_133 = vector.broadcast %broadcast_in_dim3A_132 : vector<2048x1xi1> to vector<2048x32xi1>
    %select_n3A_134 = arith.select %broadcast_in_dim3A_133, %and3A_128, %shift_left3A_131 : vector<2048x32xi1>, vector<2048x32xi32>
    %bitcast_convert_type3A_135 = tpu.bitcast %select_n3A_122 : vector<2048x32xi32> -> vector<2048x32xf32>
    %bitcast_convert_type3A_136 = tpu.bitcast %select_n3A_134 : vector<2048x32xi32> -> vector<2048x32xf32>
    %get3A_137 = arith.constant 0 : index
    %get3A_138 = arith.constant 0 : index
    %get3A_139 = vector.load %arg7[%get3A_137, %get3A_138] : memref<32x32xf32, #tpu.memory_space<vmem>>, vector<32x32xf32>
    %dot_general3A = arith.constant dense<0.000000e+00> : vector<2048x32xf32>
    %dot_general3A_140 = tpu.matmul %bitcast_convert_type3A_135, %get3A_139, %dot_general3A {dimension_numbers = #tpu.dot_dimension_numbers<[1], [0], [0], [1], [0, 0, 1, 1], [], []>, transpose_lhs_hint = false} : vector<2048x32xf32>, vector<32x32xf32>, vector<2048x32xf32> -> vector<2048x32xf32>
    %get3A_141 = arith.constant 0 : index
    %get3A_142 = arith.constant 0 : index
    %get3A_143 = vector.load %arg8[%get3A_141, %get3A_142] : memref<1x32xf32, #tpu.memory_space<vmem>>, vector<1x32xf32>
    %add3A = vector.broadcast %get3A_143 : vector<1x32xf32> to vector<2048x32xf32>
    %add3A_144 = arith.addf %dot_general3A_140, %add3A : vector<2048x32xf32>
    %get3A_145 = arith.constant 0 : index
    %get3A_146 = arith.constant 0 : index
    %get3A_147 = vector.load %arg9[%get3A_145, %get3A_146] : memref<32x32xf32, #tpu.memory_space<vmem>>, vector<32x32xf32>
    %dot_general3A_148 = arith.constant dense<0.000000e+00> : vector<2048x32xf32>
    %dot_general3A_149 = tpu.matmul %bitcast_convert_type3A_136, %get3A_147, %dot_general3A_148 {dimension_numbers = #tpu.dot_dimension_numbers<[1], [0], [0], [1], [0, 0, 1, 1], [], []>, transpose_lhs_hint = false} : vector<2048x32xf32>, vector<32x32xf32>, vector<2048x32xf32> -> vector<2048x32xf32>
    %get3A_150 = arith.constant 0 : index
    %get3A_151 = arith.constant 0 : index
    %get3A_152 = vector.load %arg10[%get3A_150, %get3A_151] : memref<1x32xf32, #tpu.memory_space<vmem>>, vector<1x32xf32>
    %add3A_153 = vector.broadcast %get3A_152 : vector<1x32xf32> to vector<2048x32xf32>
    %add3A_154 = arith.addf %dot_general3A_149, %add3A_153 : vector<2048x32xf32>
    %mul3A = arith.mulf %add3A_144, %add3A_154 : vector<2048x32xf32>
    %reduce_sum3A = arith.constant dense<0.000000e+00> : vector<2048xf32>
    %reduce_sum3A_155 = vector.multi_reduction <add>, %mul3A, %reduce_sum3A [1] : vector<2048x32xf32> to vector<2048xf32>
    %get3A_156 = arith.constant 0 : index
    %get3A_157 = vector.load %arg5[%get3A_156] : memref<2048xf32, #tpu.memory_space<vmem>>, vector<2048xf32>
    %add3A_158 = arith.addf %reduce_sum3A_155, %get3A_157 : vector<2048xf32>
    %get3A_159 = arith.constant 0 : index
    %get3A_160 = vector.load %arg6[%get3A_159] : memref<2048xf32, #tpu.memory_space<vmem>>, vector<2048xf32>
    %add3A_161 = arith.addf %add3A_158, %get3A_160 : vector<2048xf32>
    %get3A_162 = arith.constant 0 : index
    %get3A_163 = arith.constant 0 : index
    %get3A_164 = vector.load %arg11[%get3A_162, %get3A_163] : memref<1x1xf32, #tpu.memory_space<vmem>>, vector<1x1xf32>
    %get3A_165 = vector.extract %get3A_164[0, 0] : f32 from vector<1x1xf32>
    %add3A_166 = vector.broadcast %get3A_165 : f32 to vector<2048xf32>
    %add3A_167 = arith.addf %add3A_161, %add3A_166 : vector<2048xf32>
    %swap3A = arith.constant 0 : index
    %swap3A_168 = vector.load %arg12[%swap3A] : memref<2048xf32, #tpu.memory_space<vmem>>, vector<2048xf32>
    tpu.vector_store %arg12[%swap3A], %add3A_167 {strides = array<i32>} : memref<2048xf32, #tpu.memory_space<vmem>>, vector<2048xf32>,
    return
  }
  func.func @transform_0(%arg0: i32) -> (i32, i32) {
    %c0_i32 = arith.constant 0 : i32
    %c0_i32_0 = arith.constant 0 : i32
    return %arg0, %c0_i32 : i32, i32
  }
  func.func @transform_1(%arg0: i32) -> (i32, i32) {
    %c0_i32 = arith.constant 0 : i32
    %c0_i32_0 = arith.constant 0 : i32
    return %arg0, %c0_i32 : i32, i32
  }
  func.func @transform_2(%arg0: i32) -> i32 {
    %c0_i32 = arith.constant 0 : i32
    return %arg0 : i32
  }
  func.func @transform_3(%arg0: i32) -> i32 {
    %c0_i32 = arith.constant 0 : i32
    return %arg0 : i32
  }
  func.func @transform_4(%arg0: i32) -> i32 {
    %c0_i32 = arith.constant 0 : i32
    return %arg0 : i32
  }
  func.func @transform_5(%arg0: i32) -> i32 {
    %c0_i32 = arith.constant 0 : i32
    return %arg0 : i32
  }
  func.func @transform_6(%arg0: i32) -> (i32, i32) {
    %c0_i32 = arith.constant 0 : i32
    %c0_i32_0 = arith.constant 0 : i32
    %c0_i32_1 = arith.constant 0 : i32
    return %c0_i32, %c0_i32_0 : i32, i32
  }
  func.func @transform_7(%arg0: i32) -> (i32, i32) {
    %c0_i32 = arith.constant 0 : i32
    %c0_i32_0 = arith.constant 0 : i32
    %c0_i32_1 = arith.constant 0 : i32
    return %c0_i32, %c0_i32_0 : i32, i32
  }
  func.func @transform_8(%arg0: i32) -> (i32, i32) {
    %c0_i32 = arith.constant 0 : i32
    %c0_i32_0 = arith.constant 0 : i32
    %c0_i32_1 = arith.constant 0 : i32
    return %c0_i32, %c0_i32_0 : i32, i32
  }
  func.func @transform_9(%arg0: i32) -> (i32, i32) {
    %c0_i32 = arith.constant 0 : i32
    %c0_i32_0 = arith.constant 0 : i32
    %c0_i32_1 = arith.constant 0 : i32
    return %c0_i32, %c0_i32_0 : i32, i32
  }
  func.func @transform_10(%arg0: i32) -> (i32, i32) {
    %c0_i32 = arith.constant 0 : i32
    %c0_i32_0 = arith.constant 0 : i32
    %c0_i32_1 = arith.constant 0 : i32
    return %c0_i32, %c0_i32_0 : i32, i32
  }
  func.func @transform_11(%arg0: i32) -> i32 {
    %c0_i32 = arith.constant 0 : i32
    return %arg0 : i32
  }
}

</mosaic_0001>

<sc_bundles>
// kernel: kernel.11.cloned.1.call-start
scs
__scs_entry_jumppad:
0x0: {  	(pc) =	sbr.rel $0x88, $3  }
0x1: {  	(tag) =	ssettag $0x0;
	lr =	simm.s32 $0x1  }
0x2: {  	[smem:$0x3F96] =	sst lr;
	_ =	strace $0xD0000000  }
0x3: {  	_ = 	snop  }
0x4: {  	_ = 	snop  }
0x5: {  	_ = 	snop  }
0x6: {  	_ = 	snop  }
0x7: {  	_ = 	snop  }
__scs_overlays_trampoline_lowered:
0x8: {  	[smem:$0x3FA5] =	sst s0  }
0x9: {  	[smem:$0x3FA6] =	sst s1  }
0xa: {  	[smem:$0x3FA7] =	sst s2  }
0xb: {  	[smem:$0x3FA8] =	sst s3  }
0xc: {  	[smem:$0x3FA9] =	sst s4  }
0xd: {  	[smem:$0x3FAA] =	sst s5  }
0xe: {  	[smem:$0x3FAB] =	sst s6  }
0xf: {  	[smem:$0x3FAC] =	sst s7  }
0x10: {  	[smem:$0x3FAD] =	sst s8  }
0x11: {  	[smem:$0x3FAE] =	sst s9;
	s0 =	simm.s32 @!p0 $0x0  }
0x12: {  	s1 =	sld [smem:$0x3F94];
	s0 =	simm.s32 @p0 $0x1  }
0x13: {  	[smem:$0x3FAF] =	sst s0;
	s0 =	simm.s32 @!p1 $0x0  }
0x14: {  	s2 =	sld [smem:$0x3F93];
	s0 =	simm.s32 @p1 $0x1  }
0x15: {  	[smem:$0x3FB0] =	sst s0;
	s0 =	simm.s32 @!p2 $0x0  }
0x16: {  	s3 =	sld [smem:$0x3FDB];
	s0 =	simm.s32 @p2 $0x1  }
0x17: {  	s4 =	simm.s32 $0x1BF5;
	[smem:$0x3FB2] =	sst s0  }
0x18: {  	s0 =	sld [smem:$0x3F95];
	_ =	swait.ge [sflag:s4], $0x0  }
0x19: {  	s7 =	sld [smem:$0x3F96]  }
0x1a: {  	s8 =	sadd.s32 $0xFFFFE003, lr  }
0x1b: {  	s9 =	sadd.s32 $0xFFFFFEF7, lr;
	s5 =	simm.s32 $0xFFFFFFFF;
	p2 =	slt.u32 s8, $0xFFFFF086  }
0x1c: {  	p1 =	slt.u32 s9, $0xF7A;
	s5 =	simm.s32 @!p2 $0x0  }
0x1d: {  	s5 =	simm.s32 @p1 $0x1;
	p0 =	seq.s32 s7, s2  }
0x1e: {  	s7 =	smul.u32 @!p0 $0xF7A, s2;
	p2 =	seq.s32 @!p0 s5, $0x0  }
0x1f: {  	s9 =	smul.u32 $0xF7A, s1;
	s8 =	simm.s32 @!p0 $0x1BF5;
	p2 =	por !p2, p0  }
0x20: {  	[sflag:s8] =	ssyncset.s32 @!p0 $0xFFFFF086;
	s6 =	sadd.s32 @!p0 s3, s7;
	s7 =	simm.s32 @!p0 $0x108  }
0x21: {  	s3 =	sadd.s32 s3, s9;
	s6 =	sadd.s32 @!p0 $0x88, s6;
	s7 =	simm.s32 @p2 $0x1082  }
0x22: {  	[simem:s7], [sflag:s8] =	dma.local @!p0 [hbm:s6], $0xF7A  }
0x23: {  	s9 =	sor.u32 $0xD0000000, s2;
	s6 =	simm.s32 $0x108;
	_ =	swait.ge @!p0 [sflag:s8], $0x0  }
0x24: {  	s3 =	sadd.s32 $0x88, s3;
	s6 =	simm.s32 @!p1 $0x1082;
	[sflag:s4] =	ssyncset.s32 $0xFFFFF086  }
0x25: {  	[simem:s6], [sflag:s4] =	dma.local [hbm:s3], $0xF7A  }
0x26: {  	[smem:$0x3F96] =	sst s1;
	(tag) =	ssettag s2;
	_ =	strace s9  }
0x27: {  	s1 =	sld [smem:$0x3FA6]  }
0x28: {  	s2 =	sld [smem:$0x3FA7]  }
0x29: {  	s4 =	sld [smem:$0x3FA9]  }
0x2a: {  	p0 =	seq.s32 s5, $0x0;
	s5 =	sld [smem:$0x3FAA]  }
0x2b: {  	s6 =	sld [smem:$0x3FAB]  }
0x2c: {  	s7 =	sld [smem:$0x3FAC]  }
0x2d: {  	s3 =	simm.s32 $0x108;
	s8 =	sld [smem:$0x3FAD]  }
0x2e: {  	s3 =	simm.s32 @!p0 $0x1082;
	s9 =	sld [smem:$0x3FAE]  }
0x2f: {  	lr =	sadd.s32 s0, s3;
	s0 =	sld [smem:$0x3FA5]  }
0x30: {  	s3 =	sld [smem:$0x3FA8]  }
0x31: {  	[smem:$0x3FB1] =	sst s10  }
0x32: {  	s10 =	sld [smem:$0x3FAF];
	_ =	sdelay $0x3  }
0x33: {  	p0 =	seq.s32 s10, $0x1;
	s10 =	sld [smem:$0x3FB1];
	_ =	sdelay $0x3  }
0x34: {  	[smem:$0x3FB1] =	sst s10  }
0x35: {  	s10 =	sld [smem:$0x3FB0];
	_ =	sdelay $0x3  }
0x36: {  	p1 =	seq.s32 s10, $0x1;
	s10 =	sld [smem:$0x3FB1];
	_ =	sdelay $0x3  }
0x37: {  	[smem:$0x3FB1] =	sst s10  }
0x38: {  	s10 =	sld [smem:$0x3FB2]  }
0x39: {  	_ = 	snop;
	(pc) =	sbr.ind lr, $3  }
0x3a: {  	_ = 	snop  }
0x3b: {  	_ = 	snop  }
0x3c: {  	p2 =	seq.s32 s10, $0x1;
	s10 =	sld [smem:$0x3FB1]  }
0x3d: {  	_ =	shalt  }
0x3e: {  	_ =	shalt  }
0x3f: {  	_ =	shalt  }
0x40: {  	_ =	shalt  }
0x41: {  	_ =	shalt  }
0x42: {  	_ =	shalt  }
0x43: {  	_ =	shalt  }
0x44: {  	_ =	shalt  }
0x45: {  	_ =	shalt  }
0x46: {  	_ =	shalt  }
0x47: {  	_ =	shalt  }
0x48: {  	_ =	shalt  }
0x49: {  	_ =	shalt  }
0x4a: {  	_ =	shalt  }
0x4b: {  	_ =	shalt  }
0x4c: {  	_ =	shalt  }
0x4d: {  	_ =	shalt  }
0x4e: {  	_ =	shalt  }
0x4f: {  	_ =	shalt  }
0x50: {  	_ =	shalt  }
0x51: {  	_ =	shalt  }
0x52: {  	_ =	shalt  }
0x53: {  	_ =	shalt  }
0x54: {  	_ =	shalt  }
0x55: {  	_ =	shalt  }
0x56: {  	_ =	shalt  }
0x57: {  	_ =	shalt  }
0x58: {  	_ =	shalt  }
0x59: {  	_ =	shalt  }
0x5a: {  	_ =	shalt  }
0x5b: {  	_ =	shalt  }
0x5c: {  	_ =	shalt  }
0x5d: {  	_ =	shalt  }
0x5e: {  	_ =	shalt  }
0x5f: {  	_ =	shalt  }
0x60: {  	_ =	shalt  }
0x61: {  	_ =	shalt  }
0x62: {  	_ =	shalt  }
0x63: {  	_ =	shalt  }
0x64: {  	_ =	shalt  }
0x65: {  	_ =	shalt  }
0x66: {  	_ =	shalt  }
0x67: {  	_ =	shalt  }
0x68: {  	_ =	shalt  }
0x69: {  	_ =	shalt  }
0x6a: {  	_ =	shalt  }
0x6b: {  	_ =	shalt  }
0x6c: {  	_ =	shalt  }
0x6d: {  	_ =	shalt  }
0x6e: {  	_ =	shalt  }
0x6f: {  	_ =	shalt  }
0x70: {  	_ =	shalt  }
0x71: {  	_ =	shalt  }
0x72: {  	_ =	shalt  }
0x73: {  	_ =	shalt  }
0x74: {  	_ =	shalt  }
0x75: {  	_ =	shalt  }
0x76: {  	_ =	shalt  }
0x77: {  	_ =	shalt  }
0x78: {  	_ =	shalt  }
0x79: {  	_ =	shalt  }
0x7a: {  	_ =	shalt  }
0x7b: {  	_ =	shalt  }
0x7c: {  	_ =	shalt  }
0x7d: {  	_ =	shalt  }
0x7e: {  	_ =	shalt  }
0x7f: {  	_ =	shalt  }
0x80: {  	_ =	shalt  }
0x81: {  	_ =	shalt  }
0x82: {  	_ =	shalt  }
0x83: {  	_ =	shalt  }
0x84: {  	_ =	shalt  }
0x85: {  	_ =	shalt  }
0x86: {  	_ =	shalt  }
0x87: {  	_ =	shalt  }
.Lfunc_end0:
.L_simem_size_0:
called_computation.1_lowered:
.L_overlay_start_0:
0x88: {  	s2 =	sld [smem:$0x3FD9]  }
0x89: {  	s3 =	sld [smem:$0x3FFE];
	_ =	sdelay $0x1  }
0x8a: {  	s1 =	srdreg.scid  }
0x8b: {  	s0 =	sand.u32 $0x1, s1  }
0x8c: {  	s17 =	sshll.u32 s0, $0xA;
	s2 =	sadd.s32 s3, s2  }
0x8d: {  	s2 =	sadd.s32 s2, s17  }
0x8e: {  	[smem:$0x3FBD] =	sst s2  }
0x8f: {  	_ = 	snop  }
0x90: {  	s2 =	sld [smem:$0x3FC9];
	(tm) =	ssettm $0x1  }
0x91: {  	s18 =	sld [smem:$0x3FFB];
	_ =	sdelay $0x3  }
0x92: {  	_ =	strace s18  }
0x93: {  	s3 =	sld [smem:$0x3FFC];
	_ =	sdelay $0x3  }
0x94: {  	_ =	strace s3  }
0x95: {  	s3 =	sld [smem:$0x3FFD];
	_ =	sdelay $0x3  }
0x96: {  	_ =	strace s3  }
0x97: {  	_ =	strace $0x8FFFFFFF  }
0x98: {  	s19 =	sld [smem:$0x3FDB];
	_ =	sdelay $0x1  }
0x99: {  	s4 =	simm.s32 $_scs_section_size  }
0x9a: {  	s5 =	simm.s32 $_size__tile_overlayer_lowered;
	s6 =	simm.s32 $_tile_overlayer_lowered  }
0x9b: {  	s22 =	simm.s32 $0x1BFF;
	s21 =	sshll.u32 s6, $0x1;
	s3 =	sadd.s32 s4, s19  }
0x9c: {  	s7 =	simm.s32 $0x0;
	s20 =	sshll.u32 s5, $0x1;
	s5 =	sadd.s32 s21, s3  }
0x9d: {  	[timem:s7], [sflag:s22] =	dma.local [hbm:s5], s20  }
0x9e: {  	_ =	swait.ge [sflag:s22], s20  }
0x9f: {  	s4 =	ssub.s32 $0x0, s20;
	[sflag:s22] =	ssyncset.done $0x0  }
0xa0: {  	[sflag:s22] =	ssyncadd.s32 s4;
	_ =	sdelay $0x1  }
0xa1: {  	s23 =	simm.s32 $0x1B8B  }
0xa2: {  	_ =	swait.ge [sflag:s23], $0x1  }
0xa3: {  	[sflag:s23] =	ssyncset.done $0x0  }
0xa4: {  	s25 =	simm.s32 $0x1B8E;
	s24 =	sld [smem:$0x3FFE];
	[sflag:s23] =	ssyncadd.s32 $0xFFFFFFFF  }
0xa5: {  	s26 =	simm.s32 $execute0_lowered;
	[smem:$0x3FD2] =	sst s25  }
0xa6: {  	s5 =	sshll.u32 s26, $0x1;
	_ =	strace $0x80000046;
	[dreg:$0x1] =	wrdreg $0xFFFFFFFF  }
0xa7: {  	s28 =	simm.s32 $_size_execute0_lowered;
	s3 =	sadd.s32 s3, s5;
	[dreg:$0x0] =	wrdreg $0x0  }
0xa8: {  	s5 =	sshll.u32 s28, $0x1;
	[dreg:$0x2] =	wrdreg s3  }
0xa9: {  	[dreg:$0x3] =	wrdreg s5  }
0xaa: {  	[dreg:$0x4] =	wrdreg $0xC0  }
0xab: {  	_ =	task [dreg:s7], $0x5FFFF  }
0xac: {  	[dreg:$0x1] =	wrdreg $0xFFFFFFFF  }
0xad: {  	[dreg:$0x0] =	wrdreg $0x60  }
0xae: {  	[dreg:$0x2] =	wrdreg s2  }
0xaf: {  	[dreg:$0x3] =	wrdreg s24  }
0xb0: {  	[dreg:$0x4] =	wrdreg $0xA  }
0xb1: {  	_ =	task.clear_ibuf [dreg:s7], $0x5FFFF;
	_ =	strace $0x90000046  }
0xb2: {  	s29 =	simm.s32 $0xA;
	_ =	strace $0x80000048  }
0xb3: {  	_ =	swait.ge [sflag:s29], $0x1  }
0xb4: {  	[sflag:s29] =	ssyncadd.s32 $0xFFFFFFFF  }
0xb5: {  	_ =	strace $0x90000048  }
0xb6: {  	_ =	sfence  }
0xb7: {  	s30 =	sld [smem:$0x0];
	_ =	sdelay $0x2  }
0xb8: {  	s31 =	sshll.u32 s1, $0xD;
	s1 =	sshrl.u32 s1, $0x2  }
0xb9: {  	s3 =	sand.u32 $0x4000, s31;
	s1 =	sadd.s32 s1, s30  }
0xba: {  	s0 =	sor.u32 s3, s0;
	s1 =	sshll.u32 s1, $0x11  }
0xbb: {  	s0 =	sor.u32 s1, s0  }
0xbc: {  	s0 =	sadd.s32 $0x8F2B, s0  }
0xbd: {  	[sflag:s0] =	ssyncadd.remote.s32 $0x1  }
0xbe: {  	_ =	sfence.sel $0xFFFF  }
0xbf: {  	[dreg:$0x0] =	wrdreg $0xFFFFFFFF;
	(pc) =	sbr.abs _section_cstart, $3  }
0xc0: {  	[dreg:$0x1] =	wrdreg $0xFFFFFFFF  }
0xc1: {  	_ =	task.clear_ibuf [dreg:s7], $0x2FFFF;
	_ =	strace $0x9FFFFFFF  }
0xc2: {  	(tm) =	ssettm $0x7FFFFFFF  }
0xc3: {  	_ =	shalt  }
tec
execute0_lowered:
.L_overlay_start_1:
0x0: {  	(tag) =	ssettag $0x1  }
0x1: {  	s1 =	srdreg.scid  }
0x2: {  	s3 =	rddreg [dreg:$0x0];
	s0 =	stileid.u32;
	s4 =	sand.u32 $0x1, s1  }
0x3: {  	s5 =	rddreg [dreg:$0x1];
	s6 =	sshll.u32 s0, $0xA;
	s7 =	sshll.u32 s4, $0x9  }
0x4: {  	s2 =	simm.s32 $0x0;
	s1 =	rddreg [dreg:$0x2];
	s6 =	sor.u32 s7, s6  }
0x5: {  	[smem:$0x7FF] =	sst s2;
	s7 =	sshrl.u32 s6, $0x3  }
0x6: {  	_ =	strace $0x80000047;
	s9 =	sadd.s32 s3, s7;
	s3 =	simm.s32 $0x2  }
0x7: {  	[tilespmem:s2], [sflag:$0x2] =	stream.linear.gather [hbm4b:s9+s2], $0x200, $0x38;
	[tilespmem:$0x10400] =	vst v63  }
0x8: {  	_ =	swait.ge [sflag:s3], $0x200  }
0x9: {  	[sflag:s3] =	ssyncset.done $0x0  }
0xa: {  	[sflag:s3] =	ssyncadd.s32 $0xFFFFFE00  }
0xb: {  	v0 =	vld [tilespmem:$0x1F0]  }
0xc: {  	v1 =	vld [tilespmem:$0x1B0]  }
0xd: {  	v3 =	vld [tilespmem:$0xC0]  }
0xe: {  	v7 =	vld [tilespmem:$0x20]  }
0xf: {  	v2 =	vld [tilespmem:$0x50]  }
0x10: {  	v8 =	vld [tilespmem:$0x10]  }
0x11: {  	s4 =	ssub.s32 $0x2, s4;
	v12 =	vld [tilespmem:$0x1E0];
	v4 =	vshrl.u32 v0, $0x3;
	v5 =	vshrl.u32 v1, $0x3  }
0x12: {  	s31 =	sshrl.u32 s4, $0x1;
	v11 =	vld [tilespmem:$0x30];
	v0 =	vand.u32 $0x3FFF, v0;
	v1 =	vand.u32 $0x3FFF, v1;
	v4 =	vand.u32 $0x1FFFC000, v4  }
0x13: {  	s7 =	ssub.s32 s4, s31;
	v13 =	vld [tilespmem:$0x0];
	v16 =	vand.u32 $0x3FFF, v7;
	v10 =	vor.u32 v0, v4;
	v0 =	vshrl.u32 v3, $0x3  }
0x14: {  	s10 =	smax.u32 s7, $0x1;
	v6 =	vld [tilespmem:$0x60];
	v4 =	vand.u32 $0x1FFFC000, v5;
	v3 =	vand.u32 $0x3FFF, v3;
	v5 =	vshrl.u32 v2, $0x3  }
0x15: {  	p0 =	sne.s32 s10, $0x1;
	v9 =	vld [tilespmem:$0x70];
	v0 =	vand.u32 $0x1FFFC000, v0;
	v14 =	vor.u32 v1, v4;
	v4 =	vand.u32 $0x3FFF, v2  }
.Ltmp0:
0x16: {  	v1 =	vshrl.u32 v8, $0x3;
	[tilespmem:$0x3F0] =	vst v10;
	v10 =	vshrl.u32 v7, $0x3;
	v7 =	vld [tilespmem:$0x90];
	v2 =	vshrl.u32 v12, $0x3;
	(pc) =	sbr.rel @!p0 .LBB2_2-.Ltmp0, $4  }
0x17: {  	v15 =	vor.u32 v3, v0;
	v0 =	vand.u32 $0x3FFF, v8;
	v3 =	vshrl.u32 v11, $0x3;
	v8 =	vld [tilespmem:$0x80]  }
0x18: {  	s8 =	simm.s32 $0x1;
	s6 =	sshll.u32 s6, $0x4;
	[tilespmem:$0x3B0] =	vst v14;
	v14 =	vand.u32 $0x1FFFC000, v10;
	v10 =	vld [tilespmem:$0xA0];
	v11 =	vand.u32 $0x3FFF, v11;
	v17 =	vand.u32 $0x1FFFC000, v3  }
0x19: {  	s4 =	sadd.s32 $0x2400, s5;
	s5 =	sadd.s32 s6, s5;
	s6 =	simm.s32 $0x200;
	v3 =	vand.u32 $0x3FFF, v12;
	[tilespmem:$0x2C0] =	vst v15;
	v15 =	vshrl.u32 v13, $0x3;
	v16 =	vor.u32 v16, v14;
	v12 =	vld [tilespmem:$0xB0]  }
0x1a: {  	s5 =	sadd.s32 $0x202400, s5;
	s7 =	simm.s32 $0x400;
	s10 =	sadd.s32 $0xFFFFFFFF, s10;
	v14 =	vand.u32 $0x3FFF, v13;
	[tilespmem:$0x220] =	vst v16;
	v13 =	vor.u32 v11, v17;
	v11 =	vld [tilespmem:$0x40];
	v16 =	vand.u32 $0x3FFF, v9  }
.LBB2_1:
0x1b: {  	p0 =	sne.s32 s10, $0x1;
	s10 =	sadd.s32 $0xFFFFFFFF, s10;
	v15 =	vand.u32 $0x1FFFC000, v15;
	v17 =	vshrl.u32 v6, $0x3;
	v9 =	vshrl.u32 v9, $0x3;
	v18 =	vld [tilespmem:$0xD0]  }
0x1c: {  	v19 =	vand.u32 $0x3FFF, v8;
	v17 =	vand.u32 $0x1FFFC000, v17;
	v9 =	vand.u32 $0x1FFFC000, v9;
	v20 =	vld [tilespmem:$0xE0]  }
0x1d: {  	v6 =	vand.u32 $0x3FFF, v6;
	[tilespmem:$0x230] =	vst v13;
	v9 =	vor.u32 v16, v9;
	v13 =	vand.u32 $0x3FFF, v7;
	v16 =	vld [tilespmem:$0xF0]  }
0x1e: {  	v8 =	vshrl.u32 v8, $0x3;
	v14 =	vor.u32 v14, v15;
	[tilespmem:$0x270] =	vst v9;
	v9 =	vand.u32 $0x3FFF, v10;
	v15 =	vld [tilespmem:$0x100]  }
0x1f: {  	v10 =	vshrl.u32 v10, $0x3;
	v22 =	vand.u32 $0x3FFF, v12;
	v21 =	vand.u32 $0x3FFF, v11;
	v23 =	vld [tilespmem:$0x110]  }
0x20: {  	v7 =	vshrl.u32 v7, $0x3;
	v12 =	vshrl.u32 v12, $0x3;
	v10 =	vand.u32 $0x1FFFC000, v10;
	v24 =	vld [tilespmem:$0x120]  }
0x21: {  	v9 =	vor.u32 v9, v10;
	v10 =	vand.u32 $0x1FFFC000, v12;
	v12 =	vand.u32 $0x3FFF, v18;
	[tilespmem:$0x200] =	vst v14;
	v14 =	vld [tilespmem:$0x130]  }
0x22: {  	v7 =	vand.u32 $0x1FFFC000, v7;
	v11 =	vshrl.u32 v11, $0x3;
	[tilespmem:$0x2A0] =	vst v9;
	v9 =	vor.u32 v22, v10;
	v10 =	vld [tilespmem:$0x140]  }
0x23: {  	v5 =	vand.u32 $0x1FFFC000, v5;
	v7 =	vor.u32 v13, v7;
	[tilespmem:$0x2B0] =	vst v9;
	v9 =	vshrl.u32 v18, $0x3;
	v13 =	vld [tilespmem:$0x150]  }
0x24: {  	v4 =	vor.u32 v4, v5;
	v5 =	vand.u32 $0x3FFF, v20;
	[tilespmem:$0x290] =	vst v7;
	v7 =	vand.u32 $0x3FFF, v15;
	v18 =	vld [tilespmem:$0x160]  }
0x25: {  	v6 =	vor.u32 v6, v17;
	v17 =	vshrl.u32 v23, $0x3;
	v22 =	vshrl.u32 v24, $0x3;
	v25 =	vld [tilespmem:$0x170]  }
0x26: {  	v17 =	vand.u32 $0x1FFFC000, v17;
	[tilespmem:$0x260] =	vst v6;
	v6 =	vshrl.u32 v20, $0x3;
	v20 =	vand.u32 $0x3FFF, v23;
	v23 =	vld [tilespmem:$0x180]  }
0x27: {  	[tilespmem:$0x250] =	vst v4;
	v4 =	vshrl.u32 v16, $0x3;
	v17 =	vor.u32 v20, v17;
	v20 =	vand.u32 $0x3FFF, v14;
	v26 =	vld [tilespmem:$0x190]  }
0x28: {  	v15 =	vshrl.u32 v15, $0x3;
	v6 =	vand.u32 $0x1FFFC000, v6;
	v14 =	vshrl.u32 v14, $0x3;
	[tilespmem:$0x310] =	vst v17;
	v17 =	vld [tilespmem:$0x1A0]  }
0x29: {  	v11 =	vand.u32 $0x1FFFC000, v11;
	v9 =	vand.u32 $0x1FFFC000, v9;
	v27 =	vand.u32 $0x3FFF, v10;
	v28 =	vld [tilespmem:$0x1C0]  }
0x2a: {  	v11 =	vor.u32 v21, v11;
	v9 =	vor.u32 v12, v9;
	v12 =	vand.u32 $0x3FFF, v16;
	v16 =	vld [tilespmem:$0x1D0]  }
0x2b: {  	v8 =	vand.u32 $0x1FFFC000, v8;
	v4 =	vand.u32 $0x1FFFC000, v4;
	[tilespmem:$0x240] =	vst v11;
	v11 =	vand.u32 $0x3FFF, v25  }
0x2c: {  	v2 =	vand.u32 $0x1FFFC000, v2;
	v8 =	vor.u32 v19, v8;
	v10 =	vshrl.u32 v10, $0x3  }
0x2d: {  	v1 =	vand.u32 $0x1FFFC000, v1;
	v2 =	vor.u32 v3, v2;
	v5 =	vor.u32 v5, v6;
	[tilespmem:$0x2D0] =	vst v9  }
0x2e: {  	v0 =	vor.u32 v0, v1;
	v1 =	vshrl.u32 v18, $0x3;
	v3 =	vand.u32 $0x3FFF, v26;
	[tilespmem:$0x3E0] =	vst v2  }
0x2f: {  	v1 =	vand.u32 $0x1FFFC000, v1;
	v2 =	vand.u32 $0x3FFF, v18;
	[tilespmem:$0x210] =	vst v0;
	v0 =	vand.u32 $0x1FFFC000, v15  }
0x30: {  	v6 =	vand.u32 $0x1FFFC000, v10;
	[tilespmem:$0x280] =	vst v8;
	v0 =	vor.u32 v7, v0;
	v7 =	vshrl.u32 v13, $0x3  }
0x31: {  	v4 =	vor.u32 v12, v4;
	[tilespmem:$0x2E0] =	vst v5;
	v5 =	vor.u32 v27, v6;
	v6 =	vand.u32 $0x3FFF, v28  }
0x32: {  	v1 =	vor.u32 v2, v1;
	v2 =	vshrl.u32 v28, $0x3;
	[tilespmem:$0x2F0] =	vst v4;
	v4 =	vand.u32 $0x3FFF, v13  }
0x33: {  	v10 =	vshrl.u32 v25, $0x3;
	v9 =	vand.u32 $0x3FFF, v24;
	v8 =	vand.u32 $0x1FFFC000, v22  }
0x34: {  	v8 =	vor.u32 v9, v8;
	v9 =	vshrl.u32 v26, $0x3;
	[tilespmem:$0x360] =	vst v1;
	v1 =	vand.u32 $0x1FFFC000, v10  }
0x35: {  	v2 =	vand.u32 $0x1FFFC000, v2;
	[tilespmem:$0x320] =	vst v8;
	v1 =	vor.u32 v11, v1;
	v8 =	vand.u32 $0x1FFFC000, v9  }
0x36: {  	v2 =	vor.u32 v6, v2;
	[tilespmem:$0x370] =	vst v1;
	v1 =	vor.u32 v3, v8;
	v3 =	vshrl.u32 v17, $0x3  }
0x37: {  	v6 =	vand.u32 $0x3FFF, v17;
	[tilespmem:$0x340] =	vst v5;
	v5 =	vand.u32 $0x1FFFC000, v7;
	v3 =	vand.u32 $0x1FFFC000, v3  }
0x38: {  	v4 =	vor.u32 v4, v5;
	v5 =	vshrl.u32 v23, $0x3;
	v3 =	vor.u32 v6, v3;
	[tilespmem:$0x3C0] =	vst v2  }
0x39: {  	v2 =	vand.u32 $0x1FFFC000, v14;
	v6 =	vand.u32 $0x3FFF, v23;
	v5 =	vand.u32 $0x1FFFC000, v5;
	[tilespmem:$0x3A0] =	vst v3  }
0x3a: {  	v3 =	vshrl.u32 v16, $0x3;
	[tilespmem:$0x300] =	vst v0;
	v0 =	vor.u32 v20, v2;
	v2 =	vor.u32 v6, v5  }
0x3b: {  	[tilespmem:$0x330] =	vst v0;
	v0 =	vand.u32 $0x1FFFC000, v3;
	v3 =	vand.u32 $0x3FFF, v16  }
0x3c: {  	[tilespmem:$0x380] =	vst v2;
	v0 =	vor.u32 v3, v0  }
0x3d: {  	[tilespmem:$0x3D0] =	vst v0  }
0x3e: {  	[tilespmem:$0x350] =	vst v4  }
0x3f: {  	[tilespmem:$0x390] =	vst v1  }
0x40: {  	[tilespmem:s7], [sflag:$0x1] =	stream.indirect.gather [hbm4b:s4+s6], $0x80, s6, s6, $0xb8;
	[tilespmem:$0x10400] =	vst v63  }
0x41: {  	_ =	swait.ge [sflag:s8], $0x10000  }
0x42: {  	[sflag:s8] =	ssyncset.done $0x0  }
0x43: {  	[sflag:s8] =	ssyncadd.s32 $0xFFFF0000  }
0x44: {  	[hbm4b:s5+s2] =	stream.linear.scatter [tilespmem:s7], [sflag:$0x2], $0x10000, $0x38;
	[tilespmem:$0x10400] =	vst v63  }
0x45: {  	_ =	swait.ge [sflag:s3], $0x10000  }
0x46: {  	[sflag:s3] =	ssyncset.done $0x0  }
0x47: {  	[sflag:s3] =	ssyncadd.s32 $0xFFFF0000  }
0x48: {  	[tilespmem:s2], [sflag:$0x2] =	stream.linear.gather [hbm4b:s9+s2], $0x200, $0x38;
	[tilespmem:$0x10400] =	vst v63  }
0x49: {  	_ =	swait.ge [sflag:s3], $0x200  }
0x4a: {  	[sflag:s3] =	ssyncset.done $0x0  }
0x4b: {  	[sflag:s3] =	ssyncadd.s32 $0xFFFFFE00  }
0x4c: {  	v0 =	vld [tilespmem:$0x1F0]  }
0x4d: {  	v1 =	vld [tilespmem:$0x1B0]  }
0x4e: {  	v2 =	vld [tilespmem:$0x50]  }
0x4f: {  	v3 =	vld [tilespmem:$0xC0]  }
0x50: {  	v7 =	vld [tilespmem:$0x20]  }
0x51: {  	v11 =	vld [tilespmem:$0x30];
	v4 =	vshrl.u32 v0, $0x3  }
0x52: {  	v0 =	vand.u32 $0x3FFF, v0;
	v8 =	vld [tilespmem:$0x10];
	v5 =	vshrl.u32 v1, $0x3;
	v4 =	vand.u32 $0x1FFFC000, v4  }
0x53: {  	v1 =	vand.u32 $0x3FFF, v1;
	v12 =	vld [tilespmem:$0x1E0];
	v0 =	vor.u32 v0, v4  }
0x54: {  	v5 =	vand.u32 $0x1FFFC000, v5;
	v13 =	vld [tilespmem:$0x0];
	v4 =	vshrl.u32 v3, $0x3;
	[tilespmem:$0x3F0] =	vst v0  }
0x55: {  	v3 =	vand.u32 $0x3FFF, v3;
	v1 =	vor.u32 v1, v5;
	v6 =	vld [tilespmem:$0x60];
	v0 =	vand.u32 $0x1FFFC000, v4  }
0x56: {  	v5 =	vshrl.u32 v2, $0x3;
	v4 =	vand.u32 $0x3FFF, v2;
	v9 =	vld [tilespmem:$0x70];
	v2 =	vor.u32 v3, v0;
	[tilespmem:$0x3B0] =	vst v1  }
.Ltmp1:
0x57: {  	v3 =	vshrl.u32 v11, $0x3;
	v1 =	vshrl.u32 v8, $0x3;
	v0 =	vand.u32 $0x3FFF, v8;
	v8 =	vld [tilespmem:$0x80];
	[tilespmem:$0x2C0] =	vst v2;
	(pc) =	sbr.rel @p0 .LBB2_1-.Ltmp1, $4  }
0x58: {  	v10 =	vshrl.u32 v7, $0x3;
	v14 =	vand.u32 $0x3FFF, v7;
	v7 =	vld [tilespmem:$0x90];
	v2 =	vshrl.u32 v12, $0x3  }
0x59: {  	v16 =	vand.u32 $0x1FFFC000, v10;
	v17 =	vand.u32 $0x1FFFC000, v3;
	v3 =	vand.u32 $0x3FFF, v12;
	v10 =	vld [tilespmem:$0xA0]  }
0x5a: {  	v11 =	vand.u32 $0x3FFF, v11;
	v16 =	vor.u32 v14, v16;
	v15 =	vshrl.u32 v13, $0x3;
	v12 =	vld [tilespmem:$0xB0]  }
0x5b: {  	v14 =	vand.u32 $0x3FFF, v13;
	v13 =	vor.u32 v11, v17;
	[tilespmem:$0x220] =	vst v16;
	v11 =	vld [tilespmem:$0x40];
	v16 =	vand.u32 $0x3FFF, v9  }
.LBB2_2:
0x5c: {  	v17 =	vshrl.u32 v6, $0x3;
	v9 =	vshrl.u32 v9, $0x3  }
0x5d: {  	v15 =	vand.u32 $0x1FFFC000, v15;
	v41 =	vand.u32 $0x3FFF, v6;
	v5 =	vand.u32 $0x1FFFC000, v5  }
0x5e: {  	v2 =	vand.u32 $0x1FFFC000, v2;
	v1 =	vand.u32 $0x1FFFC000, v1;
	v17 =	vand.u32 $0x1FFFC000, v17  }
0x5f: {  	v18 =	vld [tilespmem:$0xD0];
	v9 =	vand.u32 $0x1FFFC000, v9;
	v19 =	vand.u32 $0x3FFF, v8;
	v20 =	vand.u32 $0x3FFF, v7  }
0x60: {  	v42 =	vld [tilespmem:$0xE0];
	v14 =	vor.u32 v14, v15;
	v43 =	vshrl.u32 v8, $0x3;
	v47 =	vshrl.u32 v7, $0x3  }
0x61: {  	v21 =	vld [tilespmem:$0x100];
	v4 =	vor.u32 v4, v5;
	v2 =	vor.u32 v3, v2;
	v0 =	vor.u32 v0, v1  }
0x62: {  	v24 =	vld [tilespmem:$0x110];
	v9 =	vor.u32 v16, v9;
	v44 =	vand.u32 $0x3FFF, v10;
	v45 =	vshrl.u32 v10, $0x3  }
0x63: {  	v25 =	vld [tilespmem:$0x120];
	[tilespmem:$0x230] =	vst v13;
	v7 =	vand.u32 $0x1FFFC000, v47;
	v6 =	vor.u32 v41, v17;
	v8 =	vand.u32 $0x1FFFC000, v43  }
0x64: {  	v48 =	vld [tilespmem:$0xF0];
	[tilespmem:$0x200] =	vst v14;
	v23 =	vand.u32 $0x3FFF, v12;
	v10 =	vand.u32 $0x1FFFC000, v45;
	v46 =	vshrl.u32 v12, $0x3  }
0x65: {  	v51 =	vld [tilespmem:$0x130];
	[tilespmem:$0x250] =	vst v4;
	v7 =	vor.u32 v20, v7;
	v8 =	vor.u32 v19, v8;
	v22 =	vand.u32 $0x3FFF, v11  }
0x66: {  	v54 =	vld [tilespmem:$0x140];
	[tilespmem:$0x3E0] =	vst v2;
	v10 =	vor.u32 v44, v10;
	v12 =	vand.u32 $0x1FFFC000, v46;
	v50 =	vshrl.u32 v11, $0x3  }
0x67: {  	v61 =	vld [tilespmem:$0x170];
	[tilespmem:$0x210] =	vst v0;
	v49 =	vand.u32 $0x3FFF, v18;
	v12 =	vor.u32 v23, v12;
	v52 =	vshrl.u32 v18, $0x3  }
0x68: {  	v63 =	vld [tilespmem:$0x160];
	[tilespmem:$0x270] =	vst v9;
	v53 =	vand.u32 $0x3FFF, v42;
	v55 =	vand.u32 $0x3FFF, v21;
	v56 =	vshrl.u32 v24, $0x3  }
0x69: {  	[tilespmem:$0x260] =	vst v6;
	v57 =	vshrl.u32 v25, $0x3;
	v58 =	vand.u32 $0x3FFF, v24;
	v59 =	vshrl.u32 v42, $0x3  }
0x6a: {  	[tilespmem:$0x290] =	vst v7;
	v60 =	vshrl.u32 v48, $0x3;
	v62 =	vand.u32 $0x3FFF, v51;
	v21 =	vshrl.u32 v21, $0x3  }
0x6b: {  	[tilespmem:$0x280] =	vst v8;
	v24 =	vshrl.u32 v51, $0x3;
	v26 =	vand.u32 $0x1FFFC000, v50;
	v28 =	vand.u32 $0x3FFF, v54  }
0x6c: {  	v31 =	vld [tilespmem:$0x1C0];
	[tilespmem:$0x2A0] =	vst v10;
	v13 =	vand.u32 $0x3FFF, v48;
	v30 =	vand.u32 $0x3FFF, v61;
	v32 =	vshrl.u32 v54, $0x3  }
0x6d: {  	v33 =	vshrl.u32 v63, $0x3;
	[tilespmem:$0x2B0] =	vst v12;
	v17 =	vand.u32 $0x1FFFC000, v56;
	v9 =	vor.u32 v22, v26  }
0x6e: {  	v34 =	vld [tilespmem:$0x1A0];
	v36 =	vand.u32 $0x3FFF, v63;
	v27 =	vand.u32 $0x1FFFC000, v52;
	v17 =	vor.u32 v58, v17;
	[tilespmem:$0x240] =	vst v9  }
0x6f: {  	v41 =	vand.u32 $0x3FFF, v25;
	v7 =	vand.u32 $0x1FFFC000, v59;
	v11 =	vor.u32 v49, v27;
	[tilespmem:$0x310] =	vst v17  }
0x70: {  	v37 =	vld [tilespmem:$0x150];
	v42 =	vshrl.u32 v61, $0x3;
	v29 =	vand.u32 $0x1FFFC000, v60;
	v5 =	vor.u32 v53, v7;
	[tilespmem:$0x2D0] =	vst v11  }
0x71: {  	v39 =	vld [tilespmem:$0x180];
	v45 =	vshrl.u32 v31, $0x3;
	v43 =	vand.u32 $0x1FFFC000, v42;
	v38 =	vor.u32 v13, v29;
	[tilespmem:$0x2E0] =	vst v5  }
0x72: {  	v1 =	vand.u32 $0x3FFF, v31;
	v2 =	vand.u32 $0x1FFFC000, v32;
	v3 =	vor.u32 v30, v43;
	[tilespmem:$0x2F0] =	vst v38  }
0x73: {  	v47 =	vshrl.u32 v34, $0x3;
	v46 =	vand.u32 $0x1FFFC000, v45;
	v2 =	vor.u32 v28, v2;
	[tilespmem:$0x370] =	vst v3  }
0x74: {  	v0 =	vand.u32 $0x3FFF, v34;
	v35 =	vand.u32 $0x1FFFC000, v21;
	v1 =	vor.u32 v1, v46;
	[tilespmem:$0x340] =	vst v2  }
0x75: {  	v44 =	vld [tilespmem:$0x1D0];
	v50 =	vshrl.u32 v37, $0x3;
	v7 =	vand.u32 $0x1FFFC000, v33;
	v10 =	vor.u32 v55, v35;
	[tilespmem:$0x3C0] =	vst v1  }
0x76: {  	v48 =	vld [tilespmem:$0x190];
	v51 =	vshrl.u32 v39, $0x3;
	v40 =	vand.u32 $0x1FFFC000, v57;
	v7 =	vor.u32 v36, v7;
	[tilespmem:$0x300] =	vst v10  }
0x77: {  	v52 =	vand.u32 $0x3FFF, v37;
	v49 =	vand.u32 $0x1FFFC000, v47;
	v5 =	vor.u32 v41, v40;
	[tilespmem:$0x360] =	vst v7  }
0x78: {  	v54 =	vand.u32 $0x1FFFC000, v51;
	v53 =	vand.u32 $0x1FFFC000, v24;
	v0 =	vor.u32 v0, v49;
	[tilespmem:$0x320] =	vst v5  }
0x79: {  	v55 =	vand.u32 $0x3FFF, v39;
	v2 =	vor.u32 v62, v53;
	v3 =	vand.u32 $0x1FFFC000, v50;
	[tilespmem:$0x3A0] =	vst v0  }
0x7a: {  	v56 =	vshrl.u32 v44, $0x3;
	v0 =	vor.u32 v55, v54;
	[tilespmem:$0x330] =	vst v2;
	v58 =	vand.u32 $0x3FFF, v44  }
0x7b: {  	v1 =	vor.u32 v52, v3;
	v57 =	vand.u32 $0x1FFFC000, v56;
	v59 =	vshrl.u32 v48, $0x3;
	[tilespmem:$0x380] =	vst v0  }
0x7c: {  	v61 =	vand.u32 $0x3FFF, v48;
	[tilespmem:$0x350] =	vst v1;
	v60 =	vor.u32 v58, v57;
	v62 =	vand.u32 $0x1FFFC000, v59  }
0x7d: {  	[tilespmem:$0x3D0] =	vst v60;
	v63 =	vor.u32 v61, v62  }
0x7e: {  	[tilespmem:$0x390] =	vst v63  }
0x7f: {  	[tilespmem:s7], [sflag:$0x1] =	stream.indirect.gather [hbm4b:s4+s6], $0x80, s6, s6, $0xb8;
	[tilespmem:$0x10400] =	vst v63  }
0x80: {  	_ =	swait.ge [sflag:s8], $0x10000  }
0x81: {  	[sflag:s8] =	ssyncset.done $0x0  }
0x82: {  	[sflag:s8] =	ssyncadd.s32 $0xFFFF0000  }
0x83: {  	[hbm4b:s5+s2] =	stream.linear.scatter [tilespmem:s7], [sflag:$0x2], $0x10000, $0x38;
	[tilespmem:$0x10400] =	vst v63  }
0x84: {  	_ =	swait.ge [sflag:s3], $0x10000  }
0x85: {  	[sflag:s3] =	ssyncset.done $0x0  }
0x86: {  	[sflag:s3] =	ssyncadd.s32 $0xFFFF0000  }
0x87: {  	_ =	sfence.sel $0x180000  }
0x88: {  	[bflag:$0x0] =	sbarrier.arrive $0xFFFF  }
0x89: {  	p0 =	sne.s32 s0, $0x0;
	_ =	strace $0x90000047  }
0x8a: {  	s0 =	sadd.s32 @!p0 $0x100000, s1;
	[bflag:$0x2] =	sbarrier.arrive $0xFFFF  }
0x8b: {  	[sflag:s0] =	ssyncadd.tile.s32 @!p0 $0x1;
	_ =	shalt  }
.Lfunc_end2:
_tile_overlayer_lowered:
.L_overlay_start_2:
0x8c: {  	(tag) =	ssettag $0x2  }
0x8d: {  	s0 =	rddreg [dreg:$0x0];
	s2 =	stileid.u32  }
0x8e: {  	s1 =	rddreg [dreg:$0x1];
	p0 =	sne.s32 s2, $0x0  }
0x8f: {  	s3 =	rddreg [dreg:$0x2];
	[bflag:$0x3] =	sbarrier.arrive $0xFFFF;
	s2 =	simm.s32 @!p0 $0x1C02  }
0x90: {  	[timem:s3], [sflag:s2] =	dma.local @!p0 [hbm:s0], s1  }
0x91: {  	s0 =	simm.s32 @!p0 $0x2  }
0x92: {  	_ =	swait.ge @!p0 [sflag:s0], s1  }
0x93: {  	s1 =	ssub.s32 @!p0 $0x0, s1;
	[sflag:s0] =	ssyncset.done @!p0 $0x0  }
0x94: {  	[sflag:s0] =	ssyncadd.s32 @!p0 s1  }
0x95: {  	[bflag:$0x3] =	sbarrier.arrive $0xFFFF  }
0x96: {  	_ =	shalt  }

// kernel: kernel.14.cloned.1.call-start
scs
__scs_entry_jumppad:
0x0: {  	(pc) =	sbr.rel $0x88, $3  }
0x1: {  	(tag) =	ssettag $0x0;
	lr =	simm.s32 $0x1  }
0x2: {  	[smem:$0x3F96] =	sst lr;
	_ =	strace $0xD0000000  }
0x3: {  	_ = 	snop  }
0x4: {  	_ = 	snop  }
0x5: {  	_ = 	snop  }
0x6: {  	_ = 	snop  }
0x7: {  	_ = 	snop  }
__scs_overlays_trampoline_lowered:
0x8: {  	[smem:$0x3FA5] =	sst s0  }
0x9: {  	[smem:$0x3FA6] =	sst s1  }
0xa: {  	[smem:$0x3FA7] =	sst s2  }
0xb: {  	[smem:$0x3FA8] =	sst s3  }
0xc: {  	[smem:$0x3FA9] =	sst s4  }
0xd: {  	[smem:$0x3FAA] =	sst s5  }
0xe: {  	[smem:$0x3FAB] =	sst s6  }
0xf: {  	[smem:$0x3FAC] =	sst s7  }
0x10: {  	[smem:$0x3FAD] =	sst s8  }
0x11: {  	[smem:$0x3FAE] =	sst s9;
	s0 =	simm.s32 @!p0 $0x0  }
0x12: {  	s1 =	sld [smem:$0x3F94];
	s0 =	simm.s32 @p0 $0x1  }
0x13: {  	[smem:$0x3FAF] =	sst s0;
	s0 =	simm.s32 @!p1 $0x0  }
0x14: {  	s2 =	sld [smem:$0x3F93];
	s0 =	simm.s32 @p1 $0x1  }
0x15: {  	[smem:$0x3FB0] =	sst s0;
	s0 =	simm.s32 @!p2 $0x0  }
0x16: {  	s3 =	sld [smem:$0x3FDB];
	s0 =	simm.s32 @p2 $0x1  }
0x17: {  	s4 =	simm.s32 $0x1BF5;
	[smem:$0x3FB2] =	sst s0  }
0x18: {  	s0 =	sld [smem:$0x3F95];
	_ =	swait.ge [sflag:s4], $0x0  }
0x19: {  	s7 =	sld [smem:$0x3F96]  }
0x1a: {  	s8 =	sadd.s32 $0xFFFFE003, lr  }
0x1b: {  	s9 =	sadd.s32 $0xFFFFFEF7, lr;
	s5 =	simm.s32 $0xFFFFFFFF;
	p2 =	slt.u32 s8, $0xFFFFF086  }
0x1c: {  	p1 =	slt.u32 s9, $0xF7A;
	s5 =	simm.s32 @!p2 $0x0  }
0x1d: {  	s5 =	simm.s32 @p1 $0x1;
	p0 =	seq.s32 s7, s2  }
0x1e: {  	s7 =	smul.u32 @!p0 $0xF7A, s2;
	p2 =	seq.s32 @!p0 s5, $0x0  }
0x1f: {  	s9 =	smul.u32 $0xF7A, s1;
	s8 =	simm.s32 @!p0 $0x1BF5;
	p2 =	por !p2, p0  }
0x20: {  	[sflag:s8] =	ssyncset.s32 @!p0 $0xFFFFF086;
	s6 =	sadd.s32 @!p0 s3, s7;
	s7 =	simm.s32 @!p0 $0x108  }
0x21: {  	s3 =	sadd.s32 s3, s9;
	s6 =	sadd.s32 @!p0 $0x88, s6;
	s7 =	simm.s32 @p2 $0x1082  }
0x22: {  	[simem:s7], [sflag:s8] =	dma.local @!p0 [hbm:s6], $0xF7A  }
0x23: {  	s9 =	sor.u32 $0xD0000000, s2;
	s6 =	simm.s32 $0x108;
	_ =	swait.ge @!p0 [sflag:s8], $0x0  }
0x24: {  	s3 =	sadd.s32 $0x88, s3;
	s6 =	simm.s32 @!p1 $0x1082;
	[sflag:s4] =	ssyncset.s32 $0xFFFFF086  }
0x25: {  	[simem:s6], [sflag:s4] =	dma.local [hbm:s3], $0xF7A  }
0x26: {  	[smem:$0x3F96] =	sst s1;
	(tag) =	ssettag s2;
	_ =	strace s9  }
0x27: {  	s1 =	sld [smem:$0x3FA6]  }
0x28: {  	s2 =	sld [smem:$0x3FA7]  }
0x29: {  	s4 =	sld [smem:$0x3FA9]  }
0x2a: {  	p0 =	seq.s32 s5, $0x0;
	s5 =	sld [smem:$0x3FAA]  }
0x2b: {  	s6 =	sld [smem:$0x3FAB]  }
0x2c: {  	s7 =	sld [smem:$0x3FAC]  }
0x2d: {  	s3 =	simm.s32 $0x108;
	s8 =	sld [smem:$0x3FAD]  }
0x2e: {  	s3 =	simm.s32 @!p0 $0x1082;
	s9 =	sld [smem:$0x3FAE]  }
0x2f: {  	lr =	sadd.s32 s0, s3;
	s0 =	sld [smem:$0x3FA5]  }
0x30: {  	s3 =	sld [smem:$0x3FA8]  }
0x31: {  	[smem:$0x3FB1] =	sst s10  }
0x32: {  	s10 =	sld [smem:$0x3FAF];
	_ =	sdelay $0x3  }
0x33: {  	p0 =	seq.s32 s10, $0x1;
	s10 =	sld [smem:$0x3FB1];
	_ =	sdelay $0x3  }
0x34: {  	[smem:$0x3FB1] =	sst s10  }
0x35: {  	s10 =	sld [smem:$0x3FB0];
	_ =	sdelay $0x3  }
0x36: {  	p1 =	seq.s32 s10, $0x1;
	s10 =	sld [smem:$0x3FB1];
	_ =	sdelay $0x3  }
0x37: {  	[smem:$0x3FB1] =	sst s10  }
0x38: {  	s10 =	sld [smem:$0x3FB2]  }
0x39: {  	_ = 	snop;
	(pc) =	sbr.ind lr, $3  }
0x3a: {  	_ = 	snop  }
0x3b: {  	_ = 	snop  }
0x3c: {  	p2 =	seq.s32 s10, $0x1;
	s10 =	sld [smem:$0x3FB1]  }
0x3d: {  	_ =	shalt  }
0x3e: {  	_ =	shalt  }
0x3f: {  	_ =	shalt  }
0x40: {  	_ =	shalt  }
0x41: {  	_ =	shalt  }
0x42: {  	_ =	shalt  }
0x43: {  	_ =	shalt  }
0x44: {  	_ =	shalt  }
0x45: {  	_ =	shalt  }
0x46: {  	_ =	shalt  }
0x47: {  	_ =	shalt  }
0x48: {  	_ =	shalt  }
0x49: {  	_ =	shalt  }
0x4a: {  	_ =	shalt  }
0x4b: {  	_ =	shalt  }
0x4c: {  	_ =	shalt  }
0x4d: {  	_ =	shalt  }
0x4e: {  	_ =	shalt  }
0x4f: {  	_ =	shalt  }
0x50: {  	_ =	shalt  }
0x51: {  	_ =	shalt  }
0x52: {  	_ =	shalt  }
0x53: {  	_ =	shalt  }
0x54: {  	_ =	shalt  }
0x55: {  	_ =	shalt  }
0x56: {  	_ =	shalt  }
0x57: {  	_ =	shalt  }
0x58: {  	_ =	shalt  }
0x59: {  	_ =	shalt  }
0x5a: {  	_ =	shalt  }
0x5b: {  	_ =	shalt  }
0x5c: {  	_ =	shalt  }
0x5d: {  	_ =	shalt  }
0x5e: {  	_ =	shalt  }
0x5f: {  	_ =	shalt  }
0x60: {  	_ =	shalt  }
0x61: {  	_ =	shalt  }
0x62: {  	_ =	shalt  }
0x63: {  	_ =	shalt  }
0x64: {  	_ =	shalt  }
0x65: {  	_ =	shalt  }
0x66: {  	_ =	shalt  }
0x67: {  	_ =	shalt  }
0x68: {  	_ =	shalt  }
0x69: {  	_ =	shalt  }
0x6a: {  	_ =	shalt  }
0x6b: {  	_ =	shalt  }
0x6c: {  	_ =	shalt  }
0x6d: {  	_ =	shalt  }
0x6e: {  	_ =	shalt  }
0x6f: {  	_ =	shalt  }
0x70: {  	_ =	shalt  }
0x71: {  	_ =	shalt  }
0x72: {  	_ =	shalt  }
0x73: {  	_ =	shalt  }
0x74: {  	_ =	shalt  }
0x75: {  	_ =	shalt  }
0x76: {  	_ =	shalt  }
0x77: {  	_ =	shalt  }
0x78: {  	_ =	shalt  }
0x79: {  	_ =	shalt  }
0x7a: {  	_ =	shalt  }
0x7b: {  	_ =	shalt  }
0x7c: {  	_ =	shalt  }
0x7d: {  	_ =	shalt  }
0x7e: {  	_ =	shalt  }
0x7f: {  	_ =	shalt  }
0x80: {  	_ =	shalt  }
0x81: {  	_ =	shalt  }
0x82: {  	_ =	shalt  }
0x83: {  	_ =	shalt  }
0x84: {  	_ =	shalt  }
0x85: {  	_ =	shalt  }
0x86: {  	_ =	shalt  }
0x87: {  	_ =	shalt  }
.Lfunc_end0:
.L_simem_size_0:
called_computation.2_lowered:
.L_overlay_start_0:
0x88: {  	s2 =	sld [smem:$0x3FD9]  }
0x89: {  	s3 =	sld [smem:$0x3FFE];
	_ =	sdelay $0x1  }
0x8a: {  	s1 =	srdreg.scid  }
0x8b: {  	s0 =	sand.u32 $0x1, s1  }
0x8c: {  	s17 =	sshll.u32 s0, $0xA;
	s2 =	sadd.s32 s3, s2  }
0x8d: {  	s2 =	sadd.s32 s2, s17  }
0x8e: {  	[smem:$0x3FBD] =	sst s2  }
0x8f: {  	_ = 	snop  }
0x90: {  	s18 =	sld [smem:$0x3FC8];
	(tm) =	ssettm $0x1  }
0x91: {  	s19 =	sld [smem:$0x3FFB];
	_ =	sdelay $0x3  }
0x92: {  	_ =	strace s19  }
0x93: {  	s2 =	sld [smem:$0x3FFC];
	_ =	sdelay $0x3  }
0x94: {  	_ =	strace s2  }
0x95: {  	s2 =	sld [smem:$0x3FFD];
	_ =	sdelay $0x3  }
0x96: {  	_ =	strace s2  }
0x97: {  	_ =	strace $0x8FFFFFFF  }
0x98: {  	s20 =	sld [smem:$0x3FDB];
	_ =	sdelay $0x1  }
0x99: {  	s4 =	simm.s32 $_scs_section_size  }
0x9a: {  	s5 =	simm.s32 $_size__tile_overlayer_lowered;
	s6 =	simm.s32 $_tile_overlayer_lowered  }
0x9b: {  	s7 =	simm.s32 $0x1BFF;
	s21 =	sshll.u32 s6, $0x1;
	s4 =	sadd.s32 s4, s20  }
0x9c: {  	s22 =	simm.s32 $0x0;
	s5 =	sshll.u32 s5, $0x1;
	s6 =	sadd.s32 s21, s4  }
0x9d: {  	[timem:s22], [sflag:s7] =	dma.local [hbm:s6], s5  }
0x9e: {  	_ =	swait.ge [sflag:s7], s5  }
0x9f: {  	s5 =	ssub.s32 $0x0, s5;
	[sflag:s7] =	ssyncset.done $0x0  }
0xa0: {  	[sflag:s7] =	ssyncadd.s32 s5;
	_ =	sdelay $0x1  }
0xa1: {  	s23 =	simm.s32 $0x1B8B  }
0xa2: {  	_ =	swait.ge [sflag:s23], $0x1  }
0xa3: {  	[sflag:s23] =	ssyncset.done $0x0  }
0xa4: {  	[sflag:s23] =	ssyncadd.s32 $0xFFFFFFFF  }
0xa5: {  	s5 =	sld [smem:$0x0]  }
0xa6: {  	s6 =	sand.u32 $0xFFFFFFFE, s1  }
0xa7: {  	p0 =	sne.s32 s1, s6  }
0xa8: {  	s6 =	sshll.u32 @p0 s6, $0xE  }
0xa9: {  	s6 =	sadd.s32 @p0 $0x11B8D, s6;
	s7 =	sshll.u32 @p0 s5, $0x11  }
0xaa: {  	s6 =	sor.u32 @p0 s7, s6  }
0xab: {  	[sflag:s6] =	ssyncadd.remote.s32 @p0 $0x1;
	_ =	sdelay $0x1  }
0xac: {  	s6 =	simm.s32 @p0 $0x1B8D  }
0xad: {  	_ =	swait.eq @p0 [sflag:s6], $0x1  }
0xae: {  	[sflag:s6] =	ssyncadd.s32 @p0 $0xFFFFFFFF  }
0xaf: {  	s7 =	sshll.u32 @!p0 s1, $0xE  }
0xb0: {  	s7 =	sor.u32 @!p0 $0x4000, s7;
	s6 =	simm.s32 @!p0 $0x1B8D  }
0xb1: {  	s5 =	sshll.u32 @!p0 s5, $0x11;
	s7 =	sadd.s32 @!p0 $0x11B8D, s7;
	_ =	swait.eq @!p0 [sflag:s6], $0x1  }
0xb2: {  	s5 =	sor.u32 @!p0 s5, s7;
	[sflag:s6] =	ssyncadd.s32 @!p0 $0xFFFFFFFF  }
0xb3: {  	s25 =	simm.s32 $0x1B8E;
	s24 =	sld [smem:$0x3FFE];
	[sflag:s5] =	ssyncadd.remote.s32 @!p0 $0x1  }
0xb4: {  	s26 =	simm.s32 $execute0_lowered;
	[smem:$0x3FD2] =	sst s25  }
0xb5: {  	s6 =	sshll.u32 s26, $0x1;
	_ =	strace $0x80000049;
	[dreg:$0x1] =	wrdreg $0xFFFFFFFF  }
0xb6: {  	s28 =	simm.s32 $_size_execute0_lowered;
	s4 =	sadd.s32 s4, s6;
	[dreg:$0x0] =	wrdreg $0x0  }
0xb7: {  	s6 =	sshll.u32 s28, $0x1;
	[dreg:$0x2] =	wrdreg s4  }
0xb8: {  	[dreg:$0x3] =	wrdreg s6  }
0xb9: {  	[dreg:$0x4] =	wrdreg $0xC0  }
0xba: {  	_ =	task [dreg:s22], $0x5FFFF  }
0xbb: {  	[dreg:$0x1] =	wrdreg $0xFFFFFFFF  }
0xbc: {  	[dreg:$0x0] =	wrdreg $0x60  }
0xbd: {  	[dreg:$0x2] =	wrdreg s18  }
0xbe: {  	[dreg:$0x3] =	wrdreg s24  }
0xbf: {  	[dreg:$0x4] =	wrdreg $0xB  }
0xc0: {  	_ =	task.clear_ibuf [dreg:s22], $0x5FFFF;
	_ =	strace $0x90000049  }
0xc1: {  	s29 =	simm.s32 $0xB;
	_ =	strace $0x8000004B  }
0xc2: {  	_ =	swait.ge [sflag:s29], $0x1  }
0xc3: {  	[sflag:s29] =	ssyncadd.s32 $0xFFFFFFFF  }
0xc4: {  	_ =	strace $0x9000004B  }
0xc5: {  	_ =	sfence  }
0xc6: {  	s30 =	sld [smem:$0x0];
	_ =	sdelay $0x2  }
0xc7: {  	s31 =	sshll.u32 s1, $0xD;
	s1 =	sshrl.u32 s1, $0x2  }
0xc8: {  	s4 =	sand.u32 $0x4000, s31;
	s1 =	sadd.s32 s1, s30  }
0xc9: {  	s0 =	sor.u32 s4, s0;
	s1 =	sshll.u32 s1, $0x11  }
0xca: {  	s0 =	sor.u32 s1, s0  }
0xcb: {  	s0 =	sadd.s32 $0x8F2B, s0  }
0xcc: {  	[sflag:s0] =	ssyncadd.remote.s32 $0x1  }
0xcd: {  	_ =	sfence.sel $0xFFFF  }
0xce: {  	[dreg:$0x0] =	wrdreg $0xFFFFFFFF;
	(pc) =	sbr.abs _section_cstart, $3  }
0xcf: {  	[dreg:$0x1] =	wrdreg $0xFFFFFFFF  }
0xd0: {  	_ =	task.clear_ibuf [dreg:s22], $0x2FFFF;
	_ =	strace $0x9FFFFFFF  }
0xd1: {  	(tm) =	ssettm $0x7FFFFFFF  }
tec
execute0_lowered:
.L_overlay_start_1:
0x0: {  	(tag) =	ssettag $0x1  }
0x1: {  	s1 =	srdreg.scid  }
0x2: {  	s3 =	rddreg [dreg:$0x0];
	s0 =	stileid.u32;
	s4 =	sand.u32 $0x1, s1  }
0x3: {  	s5 =	rddreg [dreg:$0x1];
	s6 =	sshll.u32 s0, $0xA;
	s7 =	sshll.u32 s4, $0x9  }
0x4: {  	s2 =	simm.s32 $0x0;
	s1 =	rddreg [dreg:$0x2];
	s6 =	sor.u32 s7, s6  }
0x5: {  	[smem:$0x7FF] =	sst s2;
	s7 =	sshrl.u32 s6, $0x3  }
0x6: {  	_ =	strace $0x8000004A;
	s9 =	sadd.s32 s3, s7;
	s3 =	simm.s32 $0x2  }
0x7: {  	[tilespmem:s2], [sflag:$0x2] =	stream.linear.gather [hbm4b:s9+s2], $0x200, $0x38;
	[tilespmem:$0x10400] =	vst v63  }
0x8: {  	_ =	swait.ge [sflag:s3], $0x200  }
0x9: {  	[sflag:s3] =	ssyncset.done $0x0  }
0xa: {  	[sflag:s3] =	ssyncadd.s32 $0xFFFFFE00  }
0xb: {  	v0 =	vld [tilespmem:$0x1F0]  }
0xc: {  	v1 =	vld [tilespmem:$0x1B0]  }
0xd: {  	v3 =	vld [tilespmem:$0xC0]  }
0xe: {  	v7 =	vld [tilespmem:$0x20]  }
0xf: {  	v2 =	vld [tilespmem:$0x50]  }
0x10: {  	v8 =	vld [tilespmem:$0x10]  }
0x11: {  	s4 =	ssub.s32 $0x2, s4;
	v12 =	vld [tilespmem:$0x1E0];
	v4 =	vshrl.u32 v0, $0x3;
	v5 =	vshrl.u32 v1, $0x3  }
0x12: {  	s31 =	sshrl.u32 s4, $0x1;
	v11 =	vld [tilespmem:$0x30];
	v0 =	vand.u32 $0x3FFF, v0;
	v1 =	vand.u32 $0x3FFF, v1;
	v4 =	vand.u32 $0x1FFFC000, v4  }
0x13: {  	s7 =	ssub.s32 s4, s31;
	v13 =	vld [tilespmem:$0x0];
	v16 =	vand.u32 $0x3FFF, v7;
	v10 =	vor.u32 v0, v4;
	v0 =	vshrl.u32 v3, $0x3  }
0x14: {  	s10 =	smax.u32 s7, $0x1;
	v6 =	vld [tilespmem:$0x60];
	v4 =	vand.u32 $0x1FFFC000, v5;
	v3 =	vand.u32 $0x3FFF, v3;
	v5 =	vshrl.u32 v2, $0x3  }
0x15: {  	p0 =	sne.s32 s10, $0x1;
	v9 =	vld [tilespmem:$0x70];
	v0 =	vand.u32 $0x1FFFC000, v0;
	v14 =	vor.u32 v1, v4;
	v4 =	vand.u32 $0x3FFF, v2  }
.Ltmp0:
0x16: {  	v1 =	vshrl.u32 v8, $0x3;
	[tilespmem:$0x3F0] =	vst v10;
	v10 =	vshrl.u32 v7, $0x3;
	v7 =	vld [tilespmem:$0x90];
	v2 =	vshrl.u32 v12, $0x3;
	(pc) =	sbr.rel @!p0 .LBB2_2-.Ltmp0, $4  }
0x17: {  	v15 =	vor.u32 v3, v0;
	v0 =	vand.u32 $0x3FFF, v8;
	v3 =	vshrl.u32 v11, $0x3;
	v8 =	vld [tilespmem:$0x80]  }
0x18: {  	s8 =	simm.s32 $0x1;
	s6 =	sshll.u32 s6, $0x4;
	[tilespmem:$0x3B0] =	vst v14;
	v14 =	vand.u32 $0x1FFFC000, v10;
	v10 =	vld [tilespmem:$0xA0];
	v11 =	vand.u32 $0x3FFF, v11;
	v17 =	vand.u32 $0x1FFFC000, v3  }
0x19: {  	s4 =	sadd.s32 $0x242400, s5;
	s5 =	sadd.s32 s6, s5;
	s6 =	simm.s32 $0x200;
	v3 =	vand.u32 $0x3FFF, v12;
	[tilespmem:$0x2C0] =	vst v15;
	v15 =	vshrl.u32 v13, $0x3;
	v16 =	vor.u32 v16, v14;
	v12 =	vld [tilespmem:$0xB0]  }
0x1a: {  	s5 =	sadd.s32 $0x442400, s5;
	s7 =	simm.s32 $0x400;
	s10 =	sadd.s32 $0xFFFFFFFF, s10;
	v14 =	vand.u32 $0x3FFF, v13;
	[tilespmem:$0x220] =	vst v16;
	v13 =	vor.u32 v11, v17;
	v11 =	vld [tilespmem:$0x40];
	v16 =	vand.u32 $0x3FFF, v9  }
.LBB2_1:
0x1b: {  	p0 =	sne.s32 s10, $0x1;
	s10 =	sadd.s32 $0xFFFFFFFF, s10;
	v15 =	vand.u32 $0x1FFFC000, v15;
	v17 =	vshrl.u32 v6, $0x3;
	v9 =	vshrl.u32 v9, $0x3;
	v18 =	vld [tilespmem:$0xD0]  }
0x1c: {  	v19 =	vand.u32 $0x3FFF, v8;
	v17 =	vand.u32 $0x1FFFC000, v17;
	v9 =	vand.u32 $0x1FFFC000, v9;
	v20 =	vld [tilespmem:$0xE0]  }
0x1d: {  	v6 =	vand.u32 $0x3FFF, v6;
	[tilespmem:$0x230] =	vst v13;
	v9 =	vor.u32 v16, v9;
	v13 =	vand.u32 $0x3FFF, v7;
	v16 =	vld [tilespmem:$0xF0]  }
0x1e: {  	v8 =	vshrl.u32 v8, $0x3;
	v14 =	vor.u32 v14, v15;
	[tilespmem:$0x270] =	vst v9;
	v9 =	vand.u32 $0x3FFF, v10;
	v15 =	vld [tilespmem:$0x100]  }
0x1f: {  	v10 =	vshrl.u32 v10, $0x3;
	v22 =	vand.u32 $0x3FFF, v12;
	v21 =	vand.u32 $0x3FFF, v11;
	v23 =	vld [tilespmem:$0x110]  }
0x20: {  	v7 =	vshrl.u32 v7, $0x3;
	v12 =	vshrl.u32 v12, $0x3;
	v10 =	vand.u32 $0x1FFFC000, v10;
	v24 =	vld [tilespmem:$0x120]  }
0x21: {  	v9 =	vor.u32 v9, v10;
	v10 =	vand.u32 $0x1FFFC000, v12;
	v12 =	vand.u32 $0x3FFF, v18;
	[tilespmem:$0x200] =	vst v14;
	v14 =	vld [tilespmem:$0x130]  }
0x22: {  	v7 =	vand.u32 $0x1FFFC000, v7;
	v11 =	vshrl.u32 v11, $0x3;
	[tilespmem:$0x2A0] =	vst v9;
	v9 =	vor.u32 v22, v10;
	v10 =	vld [tilespmem:$0x140]  }
0x23: {  	v5 =	vand.u32 $0x1FFFC000, v5;
	v7 =	vor.u32 v13, v7;
	[tilespmem:$0x2B0] =	vst v9;
	v9 =	vshrl.u32 v18, $0x3;
	v13 =	vld [tilespmem:$0x150]  }
0x24: {  	v4 =	vor.u32 v4, v5;
	v5 =	vand.u32 $0x3FFF, v20;
	[tilespmem:$0x290] =	vst v7;
	v7 =	vand.u32 $0x3FFF, v15;
	v18 =	vld [tilespmem:$0x160]  }
0x25: {  	v6 =	vor.u32 v6, v17;
	v17 =	vshrl.u32 v23, $0x3;
	v22 =	vshrl.u32 v24, $0x3;
	v25 =	vld [tilespmem:$0x170]  }
0x26: {  	v17 =	vand.u32 $0x1FFFC000, v17;
	[tilespmem:$0x260] =	vst v6;
	v6 =	vshrl.u32 v20, $0x3;
	v20 =	vand.u32 $0x3FFF, v23;
	v23 =	vld [tilespmem:$0x180]  }
0x27: {  	[tilespmem:$0x250] =	vst v4;
	v4 =	vshrl.u32 v16, $0x3;
	v17 =	vor.u32 v20, v17;
	v20 =	vand.u32 $0x3FFF, v14;
	v26 =	vld [tilespmem:$0x190]  }
0x28: {  	v15 =	vshrl.u32 v15, $0x3;
	v6 =	vand.u32 $0x1FFFC000, v6;
	v14 =	vshrl.u32 v14, $0x3;
	[tilespmem:$0x310] =	vst v17;
	v17 =	vld [tilespmem:$0x1A0]  }
0x29: {  	v11 =	vand.u32 $0x1FFFC000, v11;
	v9 =	vand.u32 $0x1FFFC000, v9;
	v27 =	vand.u32 $0x3FFF, v10;
	v28 =	vld [tilespmem:$0x1C0]  }
0x2a: {  	v11 =	vor.u32 v21, v11;
	v9 =	vor.u32 v12, v9;
	v12 =	vand.u32 $0x3FFF, v16;
	v16 =	vld [tilespmem:$0x1D0]  }
0x2b: {  	v8 =	vand.u32 $0x1FFFC000, v8;
	v4 =	vand.u32 $0x1FFFC000, v4;
	[tilespmem:$0x240] =	vst v11;
	v11 =	vand.u32 $0x3FFF, v25  }
0x2c: {  	v2 =	vand.u32 $0x1FFFC000, v2;
	v8 =	vor.u32 v19, v8;
	v10 =	vshrl.u32 v10, $0x3  }
0x2d: {  	v1 =	vand.u32 $0x1FFFC000, v1;
	v2 =	vor.u32 v3, v2;
	v5 =	vor.u32 v5, v6;
	[tilespmem:$0x2D0] =	vst v9  }
0x2e: {  	v0 =	vor.u32 v0, v1;
	v1 =	vshrl.u32 v18, $0x3;
	v3 =	vand.u32 $0x3FFF, v26;
	[tilespmem:$0x3E0] =	vst v2  }
0x2f: {  	v1 =	vand.u32 $0x1FFFC000, v1;
	v2 =	vand.u32 $0x3FFF, v18;
	[tilespmem:$0x210] =	vst v0;
	v0 =	vand.u32 $0x1FFFC000, v15  }
0x30: {  	v6 =	vand.u32 $0x1FFFC000, v10;
	[tilespmem:$0x280] =	vst v8;
	v0 =	vor.u32 v7, v0;
	v7 =	vshrl.u32 v13, $0x3  }
0x31: {  	v4 =	vor.u32 v12, v4;
	[tilespmem:$0x2E0] =	vst v5;
	v5 =	vor.u32 v27, v6;
	v6 =	vand.u32 $0x3FFF, v28  }
0x32: {  	v1 =	vor.u32 v2, v1;
	v2 =	vshrl.u32 v28, $0x3;
	[tilespmem:$0x2F0] =	vst v4;
	v4 =	vand.u32 $0x3FFF, v13  }
0x33: {  	v10 =	vshrl.u32 v25, $0x3;
	v9 =	vand.u32 $0x3FFF, v24;
	v8 =	vand.u32 $0x1FFFC000, v22  }
0x34: {  	v8 =	vor.u32 v9, v8;
	v9 =	vshrl.u32 v26, $0x3;
	[tilespmem:$0x360] =	vst v1;
	v1 =	vand.u32 $0x1FFFC000, v10  }
0x35: {  	v2 =	vand.u32 $0x1FFFC000, v2;
	[tilespmem:$0x320] =	vst v8;
	v1 =	vor.u32 v11, v1;
	v8 =	vand.u32 $0x1FFFC000, v9  }
0x36: {  	v2 =	vor.u32 v6, v2;
	[tilespmem:$0x370] =	vst v1;
	v1 =	vor.u32 v3, v8;
	v3 =	vshrl.u32 v17, $0x3  }
0x37: {  	v6 =	vand.u32 $0x3FFF, v17;
	[tilespmem:$0x340] =	vst v5;
	v5 =	vand.u32 $0x1FFFC000, v7;
	v3 =	vand.u32 $0x1FFFC000, v3  }
0x38: {  	v4 =	vor.u32 v4, v5;
	v5 =	vshrl.u32 v23, $0x3;
	v3 =	vor.u32 v6, v3;
	[tilespmem:$0x3C0] =	vst v2  }
0x39: {  	v2 =	vand.u32 $0x1FFFC000, v14;
	v6 =	vand.u32 $0x3FFF, v23;
	v5 =	vand.u32 $0x1FFFC000, v5;
	[tilespmem:$0x3A0] =	vst v3  }
0x3a: {  	v3 =	vshrl.u32 v16, $0x3;
	[tilespmem:$0x300] =	vst v0;
	v0 =	vor.u32 v20, v2;
	v2 =	vor.u32 v6, v5  }
0x3b: {  	[tilespmem:$0x330] =	vst v0;
	v0 =	vand.u32 $0x1FFFC000, v3;
	v3 =	vand.u32 $0x3FFF, v16  }
0x3c: {  	[tilespmem:$0x380] =	vst v2;
	v0 =	vor.u32 v3, v0  }
0x3d: {  	[tilespmem:$0x3D0] =	vst v0  }
0x3e: {  	[tilespmem:$0x350] =	vst v4  }
0x3f: {  	[tilespmem:$0x390] =	vst v1  }
0x40: {  	[tilespmem:s7], [sflag:$0x1] =	stream.indirect.gather [hbm4b:s4+s6], $0x80, s6, s6, $0xb8;
	[tilespmem:$0x10400] =	vst v63  }
0x41: {  	_ =	swait.ge [sflag:s8], $0x10000  }
0x42: {  	[sflag:s8] =	ssyncset.done $0x0  }
0x43: {  	[sflag:s8] =	ssyncadd.s32 $0xFFFF0000  }
0x44: {  	[hbm4b:s5+s2] =	stream.linear.scatter [tilespmem:s7], [sflag:$0x2], $0x10000, $0x38;
	[tilespmem:$0x10400] =	vst v63  }
0x45: {  	_ =	swait.ge [sflag:s3], $0x10000  }
0x46: {  	[sflag:s3] =	ssyncset.done $0x0  }
0x47: {  	[sflag:s3] =	ssyncadd.s32 $0xFFFF0000  }
0x48: {  	[tilespmem:s2], [sflag:$0x2] =	stream.linear.gather [hbm4b:s9+s2], $0x200, $0x38;
	[tilespmem:$0x10400] =	vst v63  }
0x49: {  	_ =	swait.ge [sflag:s3], $0x200  }
0x4a: {  	[sflag:s3] =	ssyncset.done $0x0  }
0x4b: {  	[sflag:s3] =	ssyncadd.s32 $0xFFFFFE00  }
0x4c: {  	v0 =	vld [tilespmem:$0x1F0]  }
0x4d: {  	v1 =	vld [tilespmem:$0x1B0]  }
0x4e: {  	v2 =	vld [tilespmem:$0x50]  }
0x4f: {  	v3 =	vld [tilespmem:$0xC0]  }
0x50: {  	v7 =	vld [tilespmem:$0x20]  }
0x51: {  	v11 =	vld [tilespmem:$0x30];
	v4 =	vshrl.u32 v0, $0x3  }
0x52: {  	v0 =	vand.u32 $0x3FFF, v0;
	v8 =	vld [tilespmem:$0x10];
	v5 =	vshrl.u32 v1, $0x3;
	v4 =	vand.u32 $0x1FFFC000, v4  }
0x53: {  	v1 =	vand.u32 $0x3FFF, v1;
	v12 =	vld [tilespmem:$0x1E0];
	v0 =	vor.u32 v0, v4  }
0x54: {  	v5 =	vand.u32 $0x1FFFC000, v5;
	v13 =	vld [tilespmem:$0x0];
	v4 =	vshrl.u32 v3, $0x3;
	[tilespmem:$0x3F0] =	vst v0  }
0x55: {  	v3 =	vand.u32 $0x3FFF, v3;
	v1 =	vor.u32 v1, v5;
	v6 =	vld [tilespmem:$0x60];
	v0 =	vand.u32 $0x1FFFC000, v4  }
0x56: {  	v5 =	vshrl.u32 v2, $0x3;
	v4 =	vand.u32 $0x3FFF, v2;
	v9 =	vld [tilespmem:$0x70];
	v2 =	vor.u32 v3, v0;
	[tilespmem:$0x3B0] =	vst v1  }
.Ltmp1:
0x57: {  	v3 =	vshrl.u32 v11, $0x3;
	v1 =	vshrl.u32 v8, $0x3;
	v0 =	vand.u32 $0x3FFF, v8;
	v8 =	vld [tilespmem:$0x80];
	[tilespmem:$0x2C0] =	vst v2;
	(pc) =	sbr.rel @p0 .LBB2_1-.Ltmp1, $4  }
0x58: {  	v10 =	vshrl.u32 v7, $0x3;
	v14 =	vand.u32 $0x3FFF, v7;
	v7 =	vld [tilespmem:$0x90];
	v2 =	vshrl.u32 v12, $0x3  }
0x59: {  	v16 =	vand.u32 $0x1FFFC000, v10;
	v17 =	vand.u32 $0x1FFFC000, v3;
	v3 =	vand.u32 $0x3FFF, v12;
	v10 =	vld [tilespmem:$0xA0]  }
0x5a: {  	v11 =	vand.u32 $0x3FFF, v11;
	v16 =	vor.u32 v14, v16;
	v15 =	vshrl.u32 v13, $0x3;
	v12 =	vld [tilespmem:$0xB0]  }
0x5b: {  	v14 =	vand.u32 $0x3FFF, v13;
	v13 =	vor.u32 v11, v17;
	[tilespmem:$0x220] =	vst v16;
	v11 =	vld [tilespmem:$0x40];
	v16 =	vand.u32 $0x3FFF, v9  }
.LBB2_2:
0x5c: {  	v17 =	vshrl.u32 v6, $0x3;
	v9 =	vshrl.u32 v9, $0x3  }
0x5d: {  	v15 =	vand.u32 $0x1FFFC000, v15;
	v41 =	vand.u32 $0x3FFF, v6;
	v5 =	vand.u32 $0x1FFFC000, v5  }
0x5e: {  	v2 =	vand.u32 $0x1FFFC000, v2;
	v1 =	vand.u32 $0x1FFFC000, v1;
	v17 =	vand.u32 $0x1FFFC000, v17  }
0x5f: {  	v18 =	vld [tilespmem:$0xD0];
	v9 =	vand.u32 $0x1FFFC000, v9;
	v19 =	vand.u32 $0x3FFF, v8;
	v20 =	vand.u32 $0x3FFF, v7  }
0x60: {  	v42 =	vld [tilespmem:$0xE0];
	v14 =	vor.u32 v14, v15;
	v43 =	vshrl.u32 v8, $0x3;
	v47 =	vshrl.u32 v7, $0x3  }
0x61: {  	v21 =	vld [tilespmem:$0x100];
	v4 =	vor.u32 v4, v5;
	v2 =	vor.u32 v3, v2;
	v0 =	vor.u32 v0, v1  }
0x62: {  	v24 =	vld [tilespmem:$0x110];
	v9 =	vor.u32 v16, v9;
	v44 =	vand.u32 $0x3FFF, v10;
	v45 =	vshrl.u32 v10, $0x3  }
0x63: {  	v25 =	vld [tilespmem:$0x120];
	[tilespmem:$0x230] =	vst v13;
	v7 =	vand.u32 $0x1FFFC000, v47;
	v6 =	vor.u32 v41, v17;
	v8 =	vand.u32 $0x1FFFC000, v43  }
0x64: {  	v48 =	vld [tilespmem:$0xF0];
	[tilespmem:$0x200] =	vst v14;
	v23 =	vand.u32 $0x3FFF, v12;
	v10 =	vand.u32 $0x1FFFC000, v45;
	v46 =	vshrl.u32 v12, $0x3  }
0x65: {  	v51 =	vld [tilespmem:$0x130];
	[tilespmem:$0x250] =	vst v4;
	v7 =	vor.u32 v20, v7;
	v8 =	vor.u32 v19, v8;
	v22 =	vand.u32 $0x3FFF, v11  }
0x66: {  	v54 =	vld [tilespmem:$0x140];
	[tilespmem:$0x3E0] =	vst v2;
	v10 =	vor.u32 v44, v10;
	v12 =	vand.u32 $0x1FFFC000, v46;
	v50 =	vshrl.u32 v11, $0x3  }
0x67: {  	v61 =	vld [tilespmem:$0x170];
	[tilespmem:$0x210] =	vst v0;
	v49 =	vand.u32 $0x3FFF, v18;
	v12 =	vor.u32 v23, v12;
	v52 =	vshrl.u32 v18, $0x3  }
0x68: {  	v63 =	vld [tilespmem:$0x160];
	[tilespmem:$0x270] =	vst v9;
	v53 =	vand.u32 $0x3FFF, v42;
	v55 =	vand.u32 $0x3FFF, v21;
	v56 =	vshrl.u32 v24, $0x3  }
0x69: {  	[tilespmem:$0x260] =	vst v6;
	v57 =	vshrl.u32 v25, $0x3;
	v58 =	vand.u32 $0x3FFF, v24;
	v59 =	vshrl.u32 v42, $0x3  }
0x6a: {  	[tilespmem:$0x290] =	vst v7;
	v60 =	vshrl.u32 v48, $0x3;
	v62 =	vand.u32 $0x3FFF, v51;
	v21 =	vshrl.u32 v21, $0x3  }
0x6b: {  	[tilespmem:$0x280] =	vst v8;
	v24 =	vshrl.u32 v51, $0x3;
	v26 =	vand.u32 $0x1FFFC000, v50;
	v28 =	vand.u32 $0x3FFF, v54  }
0x6c: {  	v31 =	vld [tilespmem:$0x1C0];
	[tilespmem:$0x2A0] =	vst v10;
	v13 =	vand.u32 $0x3FFF, v48;
	v30 =	vand.u32 $0x3FFF, v61;
	v32 =	vshrl.u32 v54, $0x3  }
0x6d: {  	v33 =	vshrl.u32 v63, $0x3;
	[tilespmem:$0x2B0] =	vst v12;
	v17 =	vand.u32 $0x1FFFC000, v56;
	v9 =	vor.u32 v22, v26  }
0x6e: {  	v34 =	vld [tilespmem:$0x1A0];
	v36 =	vand.u32 $0x3FFF, v63;
	v27 =	vand.u32 $0x1FFFC000, v52;
	v17 =	vor.u32 v58, v17;
	[tilespmem:$0x240] =	vst v9  }
0x6f: {  	v41 =	vand.u32 $0x3FFF, v25;
	v7 =	vand.u32 $0x1FFFC000, v59;
	v11 =	vor.u32 v49, v27;
	[tilespmem:$0x310] =	vst v17  }
0x70: {  	v37 =	vld [tilespmem:$0x150];
	v42 =	vshrl.u32 v61, $0x3;
	v29 =	vand.u32 $0x1FFFC000, v60;
	v5 =	vor.u32 v53, v7;
	[tilespmem:$0x2D0] =	vst v11  }
0x71: {  	v39 =	vld [tilespmem:$0x180];
	v45 =	vshrl.u32 v31, $0x3;
	v43 =	vand.u32 $0x1FFFC000, v42;
	v38 =	vor.u32 v13, v29;
	[tilespmem:$0x2E0] =	vst v5  }
0x72: {  	v1 =	vand.u32 $0x3FFF, v31;
	v2 =	vand.u32 $0x1FFFC000, v32;
	v3 =	vor.u32 v30, v43;
	[tilespmem:$0x2F0] =	vst v38  }
0x73: {  	v47 =	vshrl.u32 v34, $0x3;
	v46 =	vand.u32 $0x1FFFC000, v45;
	v2 =	vor.u32 v28, v2;
	[tilespmem:$0x370] =	vst v3  }
0x74: {  	v0 =	vand.u32 $0x3FFF, v34;
	v35 =	vand.u32 $0x1FFFC000, v21;
	v1 =	vor.u32 v1, v46;
	[tilespmem:$0x340] =	vst v2  }
0x75: {  	v44 =	vld [tilespmem:$0x1D0];
	v50 =	vshrl.u32 v37, $0x3;
	v7 =	vand.u32 $0x1FFFC000, v33;
	v10 =	vor.u32 v55, v35;
	[tilespmem:$0x3C0] =	vst v1  }
0x76: {  	v48 =	vld [tilespmem:$0x190];
	v51 =	vshrl.u32 v39, $0x3;
	v40 =	vand.u32 $0x1FFFC000, v57;
	v7 =	vor.u32 v36, v7;
	[tilespmem:$0x300] =	vst v10  }
0x77: {  	v52 =	vand.u32 $0x3FFF, v37;
	v49 =	vand.u32 $0x1FFFC000, v47;
	v5 =	vor.u32 v41, v40;
	[tilespmem:$0x360] =	vst v7  }
0x78: {  	v54 =	vand.u32 $0x1FFFC000, v51;
	v53 =	vand.u32 $0x1FFFC000, v24;
	v0 =	vor.u32 v0, v49;
	[tilespmem:$0x320] =	vst v5  }
0x79: {  	v55 =	vand.u32 $0x3FFF, v39;
	v2 =	vor.u32 v62, v53;
	v3 =	vand.u32 $0x1FFFC000, v50;
	[tilespmem:$0x3A0] =	vst v0  }
0x7a: {  	v56 =	vshrl.u32 v44, $0x3;
	v0 =	vor.u32 v55, v54;
	[tilespmem:$0x330] =	vst v2;
	v58 =	vand.u32 $0x3FFF, v44  }
0x7b: {  	v1 =	vor.u32 v52, v3;
	v57 =	vand.u32 $0x1FFFC000, v56;
	v59 =	vshrl.u32 v48, $0x3;
	[tilespmem:$0x380] =	vst v0  }
0x7c: {  	v61 =	vand.u32 $0x3FFF, v48;
	[tilespmem:$0x350] =	vst v1;
	v60 =	vor.u32 v58, v57;
	v62 =	vand.u32 $0x1FFFC000, v59  }
0x7d: {  	[tilespmem:$0x3D0] =	vst v60;
	v63 =	vor.u32 v61, v62  }
0x7e: {  	[tilespmem:$0x390] =	vst v63  }
0x7f: {  	[tilespmem:s7], [sflag:$0x1] =	stream.indirect.gather [hbm4b:s4+s6], $0x80, s6, s6, $0xb8;
	[tilespmem:$0x10400] =	vst v63  }
0x80: {  	_ =	swait.ge [sflag:s8], $0x10000  }
0x81: {  	[sflag:s8] =	ssyncset.done $0x0  }
0x82: {  	[sflag:s8] =	ssyncadd.s32 $0xFFFF0000  }
0x83: {  	[hbm4b:s5+s2] =	stream.linear.scatter [tilespmem:s7], [sflag:$0x2], $0x10000, $0x38;
	[tilespmem:$0x10400] =	vst v63  }
0x84: {  	_ =	swait.ge [sflag:s3], $0x10000  }
0x85: {  	[sflag:s3] =	ssyncset.done $0x0  }
0x86: {  	[sflag:s3] =	ssyncadd.s32 $0xFFFF0000  }
0x87: {  	_ =	sfence.sel $0x180000  }
0x88: {  	[bflag:$0x0] =	sbarrier.arrive $0xFFFF  }
0x89: {  	p0 =	sne.s32 s0, $0x0;
	_ =	strace $0x9000004A  }
0x8a: {  	s0 =	sadd.s32 @!p0 $0x100000, s1;
	[bflag:$0x2] =	sbarrier.arrive $0xFFFF  }
0x8b: {  	[sflag:s0] =	ssyncadd.tile.s32 @!p0 $0x1;
	_ =	shalt  }
.Lfunc_end2:
_tile_overlayer_lowered:
.L_overlay_start_2:
0x8c: {  	(tag) =	ssettag $0x2  }
0x8d: {  	s0 =	rddreg [dreg:$0x0];
	s2 =	stileid.u32  }
0x8e: {  	s1 =	rddreg [dreg:$0x1];
	p0 =	sne.s32 s2, $0x0  }
0x8f: {  	s3 =	rddreg [dreg:$0x2];
	[bflag:$0x3] =	sbarrier.arrive $0xFFFF;
	s2 =	simm.s32 @!p0 $0x1C02  }
0x90: {  	[timem:s3], [sflag:s2] =	dma.local @!p0 [hbm:s0], s1  }
0x91: {  	s0 =	simm.s32 @!p0 $0x2  }
0x92: {  	_ =	swait.ge @!p0 [sflag:s0], s1  }
0x93: {  	s1 =	ssub.s32 @!p0 $0x0, s1;
	[sflag:s0] =	ssyncset.done @!p0 $0x0  }
0x94: {  	[sflag:s0] =	ssyncadd.s32 @!p0 s1  }
0x95: {  	[bflag:$0x3] =	sbarrier.arrive $0xFFFF  }
0x96: {  	_ =	shalt  }

// kernel: kernel.8.cloned.1.call-start
scs
__scs_entry_jumppad:
0x0: {  	(pc) =	sbr.rel $0x88, $3  }
0x1: {  	(tag) =	ssettag $0x0;
	lr =	simm.s32 $0x1  }
0x2: {  	[smem:$0x3F96] =	sst lr;
	_ =	strace $0xD0000000  }
0x3: {  	_ = 	snop  }
0x4: {  	_ = 	snop  }
0x5: {  	_ = 	snop  }
0x6: {  	_ = 	snop  }
0x7: {  	_ = 	snop  }
__scs_overlays_trampoline_lowered:
0x8: {  	[smem:$0x3FA5] =	sst s0  }
0x9: {  	[smem:$0x3FA6] =	sst s1  }
0xa: {  	[smem:$0x3FA7] =	sst s2  }
0xb: {  	[smem:$0x3FA8] =	sst s3  }
0xc: {  	[smem:$0x3FA9] =	sst s4  }
0xd: {  	[smem:$0x3FAA] =	sst s5  }
0xe: {  	[smem:$0x3FAB] =	sst s6  }
0xf: {  	[smem:$0x3FAC] =	sst s7  }
0x10: {  	[smem:$0x3FAD] =	sst s8  }
0x11: {  	[smem:$0x3FAE] =	sst s9;
	s0 =	simm.s32 @!p0 $0x0  }
0x12: {  	s1 =	sld [smem:$0x3F94];
	s0 =	simm.s32 @p0 $0x1  }
0x13: {  	[smem:$0x3FAF] =	sst s0;
	s0 =	simm.s32 @!p1 $0x0  }
0x14: {  	s2 =	sld [smem:$0x3F93];
	s0 =	simm.s32 @p1 $0x1  }
0x15: {  	[smem:$0x3FB0] =	sst s0;
	s0 =	simm.s32 @!p2 $0x0  }
0x16: {  	s3 =	sld [smem:$0x3FDB];
	s0 =	simm.s32 @p2 $0x1  }
0x17: {  	s4 =	simm.s32 $0x1BF5;
	[smem:$0x3FB2] =	sst s0  }
0x18: {  	s0 =	sld [smem:$0x3F95];
	_ =	swait.ge [sflag:s4], $0x0  }
0x19: {  	s7 =	sld [smem:$0x3F96]  }
0x1a: {  	s8 =	sadd.s32 $0xFFFFE003, lr  }
0x1b: {  	s9 =	sadd.s32 $0xFFFFFEF7, lr;
	s5 =	simm.s32 $0xFFFFFFFF;
	p2 =	slt.u32 s8, $0xFFFFF086  }
0x1c: {  	p1 =	slt.u32 s9, $0xF7A;
	s5 =	simm.s32 @!p2 $0x0  }
0x1d: {  	s5 =	simm.s32 @p1 $0x1;
	p0 =	seq.s32 s7, s2  }
0x1e: {  	s7 =	smul.u32 @!p0 $0xF7A, s2;
	p2 =	seq.s32 @!p0 s5, $0x0  }
0x1f: {  	s9 =	smul.u32 $0xF7A, s1;
	s8 =	simm.s32 @!p0 $0x1BF5;
	p2 =	por !p2, p0  }
0x20: {  	[sflag:s8] =	ssyncset.s32 @!p0 $0xFFFFF086;
	s6 =	sadd.s32 @!p0 s3, s7;
	s7 =	simm.s32 @!p0 $0x108  }
0x21: {  	s3 =	sadd.s32 s3, s9;
	s6 =	sadd.s32 @!p0 $0x88, s6;
	s7 =	simm.s32 @p2 $0x1082  }
0x22: {  	[simem:s7], [sflag:s8] =	dma.local @!p0 [hbm:s6], $0xF7A  }
0x23: {  	s9 =	sor.u32 $0xD0000000, s2;
	s6 =	simm.s32 $0x108;
	_ =	swait.ge @!p0 [sflag:s8], $0x0  }
0x24: {  	s3 =	sadd.s32 $0x88, s3;
	s6 =	simm.s32 @!p1 $0x1082;
	[sflag:s4] =	ssyncset.s32 $0xFFFFF086  }
0x25: {  	[simem:s6], [sflag:s4] =	dma.local [hbm:s3], $0xF7A  }
0x26: {  	[smem:$0x3F96] =	sst s1;
	(tag) =	ssettag s2;
	_ =	strace s9  }
0x27: {  	s1 =	sld [smem:$0x3FA6]  }
0x28: {  	s2 =	sld [smem:$0x3FA7]  }
0x29: {  	s4 =	sld [smem:$0x3FA9]  }
0x2a: {  	p0 =	seq.s32 s5, $0x0;
	s5 =	sld [smem:$0x3FAA]  }
0x2b: {  	s6 =	sld [smem:$0x3FAB]  }
0x2c: {  	s7 =	sld [smem:$0x3FAC]  }
0x2d: {  	s3 =	simm.s32 $0x108;
	s8 =	sld [smem:$0x3FAD]  }
0x2e: {  	s3 =	simm.s32 @!p0 $0x1082;
	s9 =	sld [smem:$0x3FAE]  }
0x2f: {  	lr =	sadd.s32 s0, s3;
	s0 =	sld [smem:$0x3FA5]  }
0x30: {  	s3 =	sld [smem:$0x3FA8]  }
0x31: {  	[smem:$0x3FB1] =	sst s10  }
0x32: {  	s10 =	sld [smem:$0x3FAF];
	_ =	sdelay $0x3  }
0x33: {  	p0 =	seq.s32 s10, $0x1;
	s10 =	sld [smem:$0x3FB1];
	_ =	sdelay $0x3  }
0x34: {  	[smem:$0x3FB1] =	sst s10  }
0x35: {  	s10 =	sld [smem:$0x3FB0];
	_ =	sdelay $0x3  }
0x36: {  	p1 =	seq.s32 s10, $0x1;
	s10 =	sld [smem:$0x3FB1];
	_ =	sdelay $0x3  }
0x37: {  	[smem:$0x3FB1] =	sst s10  }
0x38: {  	s10 =	sld [smem:$0x3FB2]  }
0x39: {  	_ = 	snop;
	(pc) =	sbr.ind lr, $3  }
0x3a: {  	_ = 	snop  }
0x3b: {  	_ = 	snop  }
0x3c: {  	p2 =	seq.s32 s10, $0x1;
	s10 =	sld [smem:$0x3FB1]  }
0x3d: {  	_ =	shalt  }
0x3e: {  	_ =	shalt  }
0x3f: {  	_ =	shalt  }
0x40: {  	_ =	shalt  }
0x41: {  	_ =	shalt  }
0x42: {  	_ =	shalt  }
0x43: {  	_ =	shalt  }
0x44: {  	_ =	shalt  }
0x45: {  	_ =	shalt  }
0x46: {  	_ =	shalt  }
0x47: {  	_ =	shalt  }
0x48: {  	_ =	shalt  }
0x49: {  	_ =	shalt  }
0x4a: {  	_ =	shalt  }
0x4b: {  	_ =	shalt  }
0x4c: {  	_ =	shalt  }
0x4d: {  	_ =	shalt  }
0x4e: {  	_ =	shalt  }
0x4f: {  	_ =	shalt  }
0x50: {  	_ =	shalt  }
0x51: {  	_ =	shalt  }
0x52: {  	_ =	shalt  }
0x53: {  	_ =	shalt  }
0x54: {  	_ =	shalt  }
0x55: {  	_ =	shalt  }
0x56: {  	_ =	shalt  }
0x57: {  	_ =	shalt  }
0x58: {  	_ =	shalt  }
0x59: {  	_ =	shalt  }
0x5a: {  	_ =	shalt  }
0x5b: {  	_ =	shalt  }
0x5c: {  	_ =	shalt  }
0x5d: {  	_ =	shalt  }
0x5e: {  	_ =	shalt  }
0x5f: {  	_ =	shalt  }
0x60: {  	_ =	shalt  }
0x61: {  	_ =	shalt  }
0x62: {  	_ =	shalt  }
0x63: {  	_ =	shalt  }
0x64: {  	_ =	shalt  }
0x65: {  	_ =	shalt  }
0x66: {  	_ =	shalt  }
0x67: {  	_ =	shalt  }
0x68: {  	_ =	shalt  }
0x69: {  	_ =	shalt  }
0x6a: {  	_ =	shalt  }
0x6b: {  	_ =	shalt  }
0x6c: {  	_ =	shalt  }
0x6d: {  	_ =	shalt  }
0x6e: {  	_ =	shalt  }
0x6f: {  	_ =	shalt  }
0x70: {  	_ =	shalt  }
0x71: {  	_ =	shalt  }
0x72: {  	_ =	shalt  }
0x73: {  	_ =	shalt  }
0x74: {  	_ =	shalt  }
0x75: {  	_ =	shalt  }
0x76: {  	_ =	shalt  }
0x77: {  	_ =	shalt  }
0x78: {  	_ =	shalt  }
0x79: {  	_ =	shalt  }
0x7a: {  	_ =	shalt  }
0x7b: {  	_ =	shalt  }
0x7c: {  	_ =	shalt  }
0x7d: {  	_ =	shalt  }
0x7e: {  	_ =	shalt  }
0x7f: {  	_ =	shalt  }
0x80: {  	_ =	shalt  }
0x81: {  	_ =	shalt  }
0x82: {  	_ =	shalt  }
0x83: {  	_ =	shalt  }
0x84: {  	_ =	shalt  }
0x85: {  	_ =	shalt  }
0x86: {  	_ =	shalt  }
0x87: {  	_ =	shalt  }
.Lfunc_end0:
.L_simem_size_0:
called_computation_lowered:
.L_overlay_start_0:
0x88: {  	s2 =	sld [smem:$0x3FD9]  }
0x89: {  	s3 =	sld [smem:$0x3FFE];
	_ =	sdelay $0x1  }
0x8a: {  	s1 =	srdreg.scid  }
0x8b: {  	s0 =	sand.u32 $0x1, s1  }
0x8c: {  	s17 =	sshll.u32 s0, $0xA;
	s2 =	sadd.s32 s3, s2  }
0x8d: {  	s2 =	sadd.s32 s2, s17  }
0x8e: {  	[smem:$0x3FBD] =	sst s2  }
0x8f: {  	_ = 	snop  }
0x90: {  	s18 =	sld [smem:$0x3FC9]  }
0x91: {  	s4 =	sld [smem:$0x3FC8]  }
0x92: {  	s5 =	sld [smem:$0x3FC6]  }
0x93: {  	s6 =	sld [smem:$0x3FC4]  }
0x94: {  	s7 =	sld [smem:$0x3FD0];
	(tm) =	ssettm $0x1  }
0x95: {  	s19 =	sld [smem:$0x3FFB];
	_ =	sdelay $0x3  }
0x96: {  	_ =	strace s19  }
0x97: {  	s2 =	sld [smem:$0x3FFC];
	_ =	sdelay $0x3  }
0x98: {  	_ =	strace s2  }
0x99: {  	s2 =	sld [smem:$0x3FFD];
	_ =	sdelay $0x3  }
0x9a: {  	_ =	strace s2  }
0x9b: {  	_ =	strace $0x8FFFFFFF  }
0x9c: {  	s20 =	sld [smem:$0x3FDB];
	_ =	sdelay $0x1  }
0x9d: {  	s8 =	simm.s32 $_scs_section_size  }
0x9e: {  	s9 =	simm.s32 $_size__tile_overlayer_lowered;
	s10 =	simm.s32 $_tile_overlayer_lowered  }
0x9f: {  	s11 =	simm.s32 $0x1BFF;
	s21 =	sshll.u32 s10, $0x1;
	s8 =	sadd.s32 s8, s20  }
0xa0: {  	s22 =	simm.s32 $0x0;
	s9 =	sshll.u32 s9, $0x1;
	s10 =	sadd.s32 s21, s8  }
0xa1: {  	[timem:s22], [sflag:s11] =	dma.local [hbm:s10], s9  }
0xa2: {  	_ =	swait.ge [sflag:s11], s9  }
0xa3: {  	s9 =	ssub.s32 $0x0, s9;
	[sflag:s11] =	ssyncset.done $0x0  }
0xa4: {  	[sflag:s11] =	ssyncadd.s32 s9;
	_ =	sdelay $0x1  }
0xa5: {  	s23 =	simm.s32 $0x1B8B  }
0xa6: {  	_ =	swait.ge [sflag:s23], $0x1  }
0xa7: {  	[sflag:s23] =	ssyncset.done $0x0  }
0xa8: {  	[sflag:s23] =	ssyncadd.s32 $0xFFFFFFFF  }
0xa9: {  	s9 =	sld [smem:$0x0]  }
0xaa: {  	s10 =	sand.u32 $0xFFFFFFFE, s1  }
0xab: {  	p0 =	sne.s32 s1, s10  }
0xac: {  	s10 =	sshll.u32 @p0 s10, $0xE  }
0xad: {  	s10 =	sadd.s32 @p0 $0x11B8D, s10;
	s11 =	sshll.u32 @p0 s9, $0x11  }
0xae: {  	s10 =	sor.u32 @p0 s11, s10  }
0xaf: {  	[sflag:s10] =	ssyncadd.remote.s32 @p0 $0x1;
	_ =	sdelay $0x1  }
0xb0: {  	s10 =	simm.s32 @p0 $0x1B8D  }
0xb1: {  	_ =	swait.eq @p0 [sflag:s10], $0x1  }
0xb2: {  	[sflag:s10] =	ssyncadd.s32 @p0 $0xFFFFFFFF  }
0xb3: {  	s11 =	sshll.u32 @!p0 s1, $0xE  }
0xb4: {  	s11 =	sor.u32 @!p0 $0x4000, s11;
	s10 =	simm.s32 @!p0 $0x1B8D  }
0xb5: {  	s9 =	sshll.u32 @!p0 s9, $0x11;
	s11 =	sadd.s32 @!p0 $0x11B8D, s11;
	_ =	swait.eq @!p0 [sflag:s10], $0x1  }
0xb6: {  	s9 =	sor.u32 @!p0 s9, s11;
	[sflag:s10] =	ssyncadd.s32 @!p0 $0xFFFFFFFF  }
0xb7: {  	s25 =	simm.s32 $0x1B8E;
	s24 =	sld [smem:$0x3FFE];
	[sflag:s9] =	ssyncadd.remote.s32 @!p0 $0x1  }
0xb8: {  	s26 =	simm.s32 $execute0_lowered;
	[smem:$0x3FD2] =	sst s25  }
0xb9: {  	s10 =	sshll.u32 s26, $0x1;
	_ =	strace $0x8000004C;
	[dreg:$0x1] =	wrdreg $0xFFFFFFFF  }
0xba: {  	s28 =	simm.s32 $_size_execute0_lowered;
	s8 =	sadd.s32 s8, s10;
	[dreg:$0x0] =	wrdreg $0x0  }
0xbb: {  	s10 =	sshll.u32 s28, $0x1;
	[dreg:$0x2] =	wrdreg s8  }
0xbc: {  	[dreg:$0x3] =	wrdreg s10  }
0xbd: {  	[dreg:$0x4] =	wrdreg $0xC0  }
0xbe: {  	_ =	task [dreg:s22], $0x5FFFF  }
0xbf: {  	[dreg:$0x1] =	wrdreg $0xFFFFFFFF  }
0xc0: {  	[dreg:$0x0] =	wrdreg $0x60  }
0xc1: {  	[dreg:$0x2] =	wrdreg s18  }
0xc2: {  	[dreg:$0x3] =	wrdreg s4  }
0xc3: {  	[dreg:$0x4] =	wrdreg s5  }
0xc4: {  	[dreg:$0x5] =	wrdreg s6  }
0xc5: {  	[dreg:$0x6] =	wrdreg s7  }
0xc6: {  	[dreg:$0x7] =	wrdreg s24  }
0xc7: {  	[dreg:$0x8] =	wrdreg $0x9  }
0xc8: {  	_ =	task.clear_ibuf [dreg:s22], $0x9FFFF;
	_ =	strace $0x9000004C  }
0xc9: {  	s29 =	simm.s32 $0x9;
	_ =	strace $0x8000004E  }
0xca: {  	_ =	swait.ge [sflag:s29], $0x1  }
0xcb: {  	[sflag:s29] =	ssyncadd.s32 $0xFFFFFFFF  }
0xcc: {  	_ =	strace $0x9000004E  }
0xcd: {  	_ =	sfence  }
0xce: {  	s30 =	sld [smem:$0x0];
	_ =	sdelay $0x2  }
0xcf: {  	s31 =	sshll.u32 s1, $0xD;
	s1 =	sshrl.u32 s1, $0x2  }
0xd0: {  	s4 =	sand.u32 $0x4000, s31;
	s1 =	sadd.s32 s1, s30  }
0xd1: {  	s0 =	sor.u32 s4, s0;
	s1 =	sshll.u32 s1, $0x11  }
0xd2: {  	s0 =	sor.u32 s1, s0  }
0xd3: {  	s0 =	sadd.s32 $0x8F2B, s0  }
0xd4: {  	[sflag:s0] =	ssyncadd.remote.s32 $0x1  }
0xd5: {  	_ =	sfence.sel $0xFFFF  }
0xd6: {  	[dreg:$0x0] =	wrdreg $0xFFFFFFFF;
	(pc) =	sbr.abs _section_cstart, $3  }
0xd7: {  	[dreg:$0x1] =	wrdreg $0xFFFFFFFF  }
0xd8: {  	_ =	task.clear_ibuf [dreg:s22], $0x2FFFF;
	_ =	strace $0x9FFFFFFF  }
0xd9: {  	(tm) =	ssettm $0x7FFFFFFF  }
tec
execute0_lowered:
.L_overlay_start_1:
0x0: {  	(tag) =	ssettag $0x1  }
0x1: {  	s5 =	rddreg [dreg:$0x0]  }
0x2: {  	s7 =	rddreg [dreg:$0x1]  }
0x3: {  	s1 =	rddreg [dreg:$0x2]  }
0x4: {  	s3 =	rddreg [dreg:$0x3]  }
0x5: {  	s12 =	rddreg [dreg:$0x4]  }
0x6: {  	s13 =	rddreg [dreg:$0x5];
	s4 =	srdreg.scid  }
0x7: {  	s0 =	rddreg [dreg:$0x6];
	s2 =	stileid.u32;
	s14 =	sand.u32 $0x1, s4  }
0x8: {  	s4 =	simm.s32 $0x0;
	s6 =	sshll.u32 s2, $0x7;
	s8 =	sshll.u32 s14, $0x6  }
0x9: {  	[smem:$0x7FF] =	sst s4;
	s15 =	sor.u32 s8, s6  }
0xa: {  	_ =	strace $0x8000004D;
	s6 =	sadd.s32 s5, s15;
	s5 =	simm.s32 $0x2  }
0xb: {  	[tilespmem:s4], [sflag:$0x2] =	stream.linear.gather [hbm4b:s6+s4], $0x200, $0x38;
	[tilespmem:$0x800] =	vst v63  }
0xc: {  	_ =	swait.ge [sflag:s5], $0x200  }
0xd: {  	[sflag:s5] =	ssyncset.done $0x0  }
0xe: {  	s8 =	simm.s32 $0x200;
	s7 =	sadd.s32 s7, s15;
	[sflag:s5] =	ssyncadd.s32 $0xFFFFFE00  }
0xf: {  	[tilespmem:s8], [sflag:$0x2] =	stream.linear.gather [hbm4b:s7+s4], $0x200, $0x38;
	[tilespmem:$0x800] =	vst v63  }
0x10: {  	_ =	swait.ge [sflag:s5], $0x200  }
0x11: {  	[sflag:s5] =	ssyncset.done $0x0  }
0x12: {  	s9 =	simm.s32 $0x400;
	[sflag:s5] =	ssyncadd.s32 $0xFFFFFE00  }
0x13: {  	[tilespmem:s9], [sflag:$0x1] =	stream.indirect.gather [hbm4b:s1+s8], $0x1, s4, s8, $0xb8;
	[tilespmem:$0x800] =	vst v63  }
0x14: {  	s10 =	simm.s32 $0x600;
	s11 =	simm.s32 $0x1  }
0x15: {  	[tilespmem:s10], [sflag:$0x1] =	stream.indirect.gather [hbm4b:s3+s8], $0x1, s8, s8, $0xb8;
	[tilespmem:$0x800] =	vst v63  }
0x16: {  	_ =	swait.ge [sflag:s11], $0x200  }
0x17: {  	[sflag:s11] =	ssyncset.done $0x0  }
0x18: {  	s14 =	ssub.s32 $0x2, s14;
	s12 =	sadd.s32 s12, s15;
	[sflag:s11] =	ssyncadd.s32 $0xFFFFFE00  }
0x19: {  	[hbm4b:s12+s4] =	stream.linear.scatter [tilespmem:s9], [sflag:$0x2], $0x200, $0x38;
	[tilespmem:$0x800] =	vst v63  }
0x1a: {  	s16 =	sshrl.u32 s14, $0x1;
	_ =	swait.ge [sflag:s5], $0x200  }
0x1b: {  	s14 =	ssub.s32 s14, s16;
	[sflag:s5] =	ssyncset.done $0x0  }
0x1c: {  	s14 =	smax.u32 s14, $0x1;
	[sflag:s5] =	ssyncadd.s32 $0xFFFFFE00  }
0x1d: {  	p0 =	sne.s32 s14, $0x1;
	_ =	swait.ge [sflag:s11], $0x200  }
.Ltmp0:
0x1e: {  	s13 =	sadd.s32 s15, s13;
	[sflag:s11] =	ssyncset.done $0x0;
	(pc) =	sbr.rel @!p0 .LBB2_2-.Ltmp0, $4  }
0x1f: {  	s13 =	sadd.s32 $0x482400, s13;
	[sflag:s11] =	ssyncadd.s32 $0xFFFFFE00  }
0x20: {  	[hbm4b:s13+s4] =	stream.linear.scatter [tilespmem:s10], [sflag:$0x2], $0x200, $0x38;
	[tilespmem:$0x800] =	vst v63  }
0x21: {  	_ =	swait.ge [sflag:s5], $0x200  }
0x22: {  	s14 =	sadd.s32 $0xFFFFFFFF, s14;
	[sflag:s5] =	ssyncset.done $0x0  }
.LBB2_1:
0x23: {  	p0 =	sne.s32 s14, $0x1;
	s14 =	sadd.s32 $0xFFFFFFFF, s14;
	[sflag:s5] =	ssyncadd.s32 $0xFFFFFE00  }
0x24: {  	[tilespmem:s4], [sflag:$0x2] =	stream.linear.gather [hbm4b:s6+s4], $0x200, $0x38;
	[tilespmem:$0x800] =	vst v63  }
0x25: {  	_ =	swait.ge [sflag:s5], $0x200  }
0x26: {  	[sflag:s5] =	ssyncset.done $0x0  }
0x27: {  	[sflag:s5] =	ssyncadd.s32 $0xFFFFFE00  }
0x28: {  	[tilespmem:s8], [sflag:$0x2] =	stream.linear.gather [hbm4b:s7+s4], $0x200, $0x38;
	[tilespmem:$0x800] =	vst v63  }
0x29: {  	_ =	swait.ge [sflag:s5], $0x200  }
0x2a: {  	[sflag:s5] =	ssyncset.done $0x0  }
0x2b: {  	[sflag:s5] =	ssyncadd.s32 $0xFFFFFE00  }
0x2c: {  	[tilespmem:s9], [sflag:$0x1] =	stream.indirect.gather [hbm4b:s1+s8], $0x1, s4, s8, $0xb8;
	[tilespmem:$0x800] =	vst v63  }
0x2d: {  	_ = 	snop  }
0x2e: {  	[tilespmem:s10], [sflag:$0x1] =	stream.indirect.gather [hbm4b:s3+s8], $0x1, s8, s8, $0xb8;
	[tilespmem:$0x800] =	vst v63  }
0x2f: {  	_ =	swait.ge [sflag:s11], $0x200  }
0x30: {  	[sflag:s11] =	ssyncset.done $0x0  }
0x31: {  	[sflag:s11] =	ssyncadd.s32 $0xFFFFFE00  }
0x32: {  	[hbm4b:s12+s4] =	stream.linear.scatter [tilespmem:s9], [sflag:$0x2], $0x200, $0x38;
	[tilespmem:$0x800] =	vst v63  }
0x33: {  	_ =	swait.ge [sflag:s5], $0x200  }
0x34: {  	[sflag:s5] =	ssyncset.done $0x0  }
0x35: {  	[sflag:s5] =	ssyncadd.s32 $0xFFFFFE00  }
0x36: {  	_ =	swait.ge [sflag:s11], $0x200  }
.Ltmp1:
0x37: {  	[sflag:s11] =	ssyncset.done $0x0;
	(pc) =	sbr.rel @p0 .LBB2_1-.Ltmp1, $4  }
0x38: {  	[sflag:s11] =	ssyncadd.s32 $0xFFFFFE00  }
0x39: {  	[hbm4b:s13+s4] =	stream.linear.scatter [tilespmem:s10], [sflag:$0x2], $0x200, $0x38;
	[tilespmem:$0x800] =	vst v63  }
0x3a: {  	_ =	swait.ge [sflag:s5], $0x200  }
0x3b: {  	[sflag:s5] =	ssyncset.done $0x0  }
.LBB2_2:
0x3c: {  	[sflag:s5] =	ssyncadd.s32 $0xFFFFFE00  }
0x3d: {  	_ =	sfence.sel $0x180000  }
0x3e: {  	[bflag:$0x0] =	sbarrier.arrive $0xFFFF  }
0x3f: {  	p0 =	sne.s32 s2, $0x0;
	_ =	strace $0x9000004D  }
0x40: {  	s0 =	sadd.s32 @!p0 $0x100000, s0;
	[bflag:$0x2] =	sbarrier.arrive $0xFFFF  }
0x41: {  	[sflag:s0] =	ssyncadd.tile.s32 @!p0 $0x1;
	_ =	shalt  }
.Lfunc_end2:
_tile_overlayer_lowered:
.L_overlay_start_2:
0x42: {  	(tag) =	ssettag $0x2  }
0x43: {  	s0 =	rddreg [dreg:$0x0];
	s2 =	stileid.u32  }
0x44: {  	s1 =	rddreg [dreg:$0x1];
	p0 =	sne.s32 s2, $0x0  }
0x45: {  	s3 =	rddreg [dreg:$0x2];
	[bflag:$0x3] =	sbarrier.arrive $0xFFFF;
	s2 =	simm.s32 @!p0 $0x1C02  }
0x46: {  	[timem:s3], [sflag:s2] =	dma.local @!p0 [hbm:s0], s1  }
0x47: {  	s0 =	simm.s32 @!p0 $0x2  }
0x48: {  	_ =	swait.ge @!p0 [sflag:s0], s1  }
0x49: {  	s1 =	ssub.s32 @!p0 $0x0, s1;
	[sflag:s0] =	ssyncset.done @!p0 $0x0  }
0x4a: {  	[sflag:s0] =	ssyncadd.s32 @!p0 s1  }
0x4b: {  	[bflag:$0x3] =	sbarrier.arrive $0xFFFF  }
0x4c: {  	_ =	shalt  }

</sc_bundles>
